<compile_context>
chip_gen: v7x
topology: tpu7x:2x2x1
jax: 0.10.2.dev20260603
libtpu: 0.0.44.dev20260713+nightly
codegen_flags: <defaults>
</compile_context>

<pallas_src>
import jax
import jax.numpy as jnp
from jax import lax
from jax.experimental import pallas as pl
from jax.experimental.pallas import tpu as pltpu
from jax.experimental.pallas import tpu_sc as plsc

NC, NS, L = 2, 16, 16
NW = NC * NS
B = 1024
N = 200
NPAD = 208
GPB = NPAD // L
BPW = B // NW
D = 128
ED = 2 * D
RD = 3 * D
CHUNK = 64
GPC = CHUNK // L
ROWS_PW = BPW * NPAD
NCHUNK = ROWS_PW // CHUNK
GAMMA = 12.0


def _rsqrt16(x):
    xi = plsc.bitcast(x, jnp.int32)
    yi = jnp.int32(0x5F3759DF) - lax.shift_right_logical(xi, 1)
    y = plsc.bitcast(yi, jnp.float32)
    for _ in range(2):
        y = y * (1.5 - 0.5 * x * y * y)
    return y


def _body(ent_hbm, rel_hbm, relidx_hbm, tailidx_hbm, neg_hbm, out_hbm,
          tidx_v, ridx_v, tail_v, rel_v, c1_v, c2_v, c3_v, nidx_v, out_v,
          rb0, rb1, sem0, sem1, gsem):
    wid = lax.axis_index("s") * NC + lax.axis_index("c")
    b0 = pl.multiple_of(wid * BPW, BPW)
    lanes = lax.iota(jnp.int32, L)
    zf = jnp.zeros((L,), jnp.float32)

    pltpu.sync_copy(
        neg_hbm.at[pl.ds(pl.multiple_of(wid * ROWS_PW, ROWS_PW), ROWS_PW)],
        nidx_v)

    def gather_chunk(c, buf, sem):
        off = pl.multiple_of(c * CHUNK, CHUNK)
        return pltpu.make_async_copy(
            ent_hbm.at[nidx_v.at[pl.ds(off, CHUNK)]], buf, sem)

    gather_chunk(0, rb0, sem0).start()
    gather_chunk(1, rb1, sem1).start()

    pltpu.sync_copy(tailidx_hbm, tidx_v)
    pltpu.sync_copy(relidx_hbm, ridx_v)
    tsl = tidx_v.at[pl.ds(b0, BPW)]
    rsl = ridx_v.at[pl.ds(b0, BPW)]
    pltpu.make_async_copy(ent_hbm.at[tsl], tail_v, gsem).start()
    pltpu.make_async_copy(ent_hbm.at[tsl], tail_v, gsem).wait()
    pltpu.make_async_copy(rel_hbm.at[rsl], rel_v, gsem).start()
    pltpu.make_async_copy(rel_hbm.at[rsl], rel_v, gsem).wait()

    for gb in range(BPW // L):
        rows = jnp.int32(gb * L) + lanes

        def ssq_body(d, carry):
            aa, ab = carry
            dv = jnp.full((L,), d, jnp.int32)
            va = plsc.load_gather(tail_v, [rows, dv])
            vb = plsc.load_gather(tail_v, [rows, dv + D])
            return (aa + va * va, ab + vb * vb)

        aa, ab = lax.fori_loop(0, D, ssq_body, (zf, zf))
        ra = _rsqrt16(aa)
        rb = _rsqrt16(ab)

        def cstore_body(d, _):
            dv = jnp.full((L,), d, jnp.int32)
            va = plsc.load_gather(tail_v, [rows, dv])
            vb = plsc.load_gather(tail_v, [rows, dv + D])
            vm = plsc.load_gather(rel_v, [rows, dv + D])
            c2 = va * ra
            plsc.store_scatter(c1_v, [rows, dv], vb * rb + 1.0)
            plsc.store_scatter(c2_v, [rows, dv], c2)
            plsc.store_scatter(c3_v, [rows, dv], vm - c2)
            return 0

        lax.fori_loop(0, D, cstore_body, 0)

    HALF = D // L

    def chunk_pair(i, carry):
        bg = carry
        for half, (buf, sem) in enumerate(((rb0, sem0), (rb1, sem1))):
            cc = i * 2 + half
            gather_chunk(cc, buf, sem).wait()

            def group_body(j, bg):
                b, g = bg
                c1c = [c1_v[b, pl.ds(k * L, L)] for k in range(HALF)]
                c2c = [c2_v[b, pl.ds(k * L, L)] for k in range(HALF)]
                c3c = [c3_v[b, pl.ds(k * L, L)] for k in range(HALF)]

                @plsc.parallel_loop(0, L, unroll=2, carry=(zf, zf))
                def _norms(r, c):
                    sa16, sb16 = c
                    rr = j * L + r
                    sa = None
                    sb = None
                    for k in range(HALF):
                        va = buf[rr, pl.ds(k * L, L)]
                        vb = buf[rr, pl.ds((HALF + k) * L, L)]
                        sa = va * va if sa is None else sa + va * va
                        sb = vb * vb if sb is None else sb + vb * vb
                    sa16 = jnp.where(lanes == r, jnp.sum(sa), sa16)
                    sb16 = jnp.where(lanes == r, jnp.sum(sb), sb16)
                    return sa16, sb16

                sa16, sb16 = _norms
                ra16 = _rsqrt16(sa16)
                rb16 = _rsqrt16(sb16)

                @plsc.parallel_loop(0, L, unroll=2, carry=zf)
                def out16(r, out_acc):
                    rr = j * L + r
                    rsp = jnp.full((L,), r, jnp.int32)
                    ra = ra16.at[rsp].get(mode="promise_in_bounds")
                    rb = rb16.at[rsp].get(mode="promise_in_bounds")
                    acc = None
                    for k in range(HALF):
                        va = buf[rr, pl.ds(k * L, L)]
                        vb = buf[rr, pl.ds((HALF + k) * L, L)]
                        t = jnp.abs(va * ra * c1c[k] - vb * rb * c2c[k]
                                    + c3c[k])
                        acc = t if acc is None else acc + t
                    return jnp.where(lanes == r, GAMMA - jnp.sum(acc),
                                     out_acc)
                out_v[pl.ds(pl.multiple_of(b * N + g * L, 8), L)] = out16

                g = g + 1
                wrap = (g >= GPB).astype(jnp.int32)
                return (b + wrap, g * (1 - wrap))

            bg = lax.fori_loop(0, GPC, group_body, bg)
            nc = cc + 2

            @pl.when(nc < NCHUNK)
            def _():
                gather_chunk(nc, buf, sem).start()
        return bg

    lax.fori_loop(0, NCHUNK // 2, chunk_pair,
                  (jnp.int32(0), jnp.int32(0)))

    npw = BPW * N
    pltpu.sync_copy(out_v.at[pl.ds(0, npw)],
                    out_hbm.at[pl.ds(pl.multiple_of(wid * npw, npw), npw)])


def kernel(entity_embedding, relation_embedding, positive_sample, negative_sample):
    rel_idx = positive_sample[:, 1].astype(jnp.int32)
    tail_idx = positive_sample[:, 2].astype(jnp.int32)
    neg_pad = jnp.pad(negative_sample, ((0, 0), (0, NPAD - N))).reshape(-1)
    mesh = plsc.VectorSubcoreMesh(core_axis_name="c", subcore_axis_name="s",
                                  num_cores=NC, num_subcores=NS)
    f = pl.kernel(
        _body,
        out_type=jax.ShapeDtypeStruct((B * N,), jnp.float32),
        mesh=mesh,
        compiler_params=pltpu.CompilerParams(use_tc_tiling_on_sc=True,
                                             needs_layout_passes=False),
        scratch_types=[
            pltpu.VMEM((B,), jnp.int32),
            pltpu.VMEM((B,), jnp.int32),
            pltpu.VMEM((BPW, ED), jnp.float32),
            pltpu.VMEM((BPW, RD), jnp.float32),
            pltpu.VMEM((BPW, D), jnp.float32),
            pltpu.VMEM((BPW, D), jnp.float32),
            pltpu.VMEM((BPW, D), jnp.float32),
            pltpu.VMEM((ROWS_PW,), jnp.int32),
            pltpu.VMEM((ROWS_PW,), jnp.float32),
            pltpu.VMEM((CHUNK, ED), jnp.float32),
            pltpu.VMEM((CHUNK, ED), jnp.float32),
            pltpu.SemaphoreType.DMA,
            pltpu.SemaphoreType.DMA,
            pltpu.SemaphoreType.DMA,
        ],
    )
    out = f(entity_embedding, relation_embedding, rel_idx, tail_idx, neg_pad)
    return out.reshape(B, N)

# --- scband reference (transcript-rebuilt; emitter-appended) ---
"""Pipeline reference for scband-tfkgemodel-80814104642085 (READ-ONLY COPY).

The authoritative reference and input builder live on the scoring server;
editing this copy changes nothing except your own understanding.
"""

import jax, jax.numpy as jnp
import numpy as np

NENTITY = 100000
NRELATION = 1000
HIDDEN_DIM = 128
ENTITY_DIM = 2 * HIDDEN_DIM
RELATION_DIM = 3 * HIDDEN_DIM
GAMMA = 12.0
EPSILON = 2.0
U = 1.0
BATCH = 1024
NNEG = 200


def setup_inputs(seed: int = 0) -> dict:
    key = jax.random.key(seed)
    k1, k2, k3, k4 = jax.random.split(key, 4)
    rng = (GAMMA + EPSILON) / HIDDEN_DIM
    entity_embedding = jax.random.uniform(k1, (NENTITY, ENTITY_DIM), minval=-rng, maxval=rng, dtype=jnp.float32)
    relation_embedding = jax.random.uniform(k2, (NRELATION, RELATION_DIM), minval=-rng, maxval=rng, dtype=jnp.float32)
    positive_sample = jax.random.randint(k3, (BATCH, 3), 0, NRELATION, dtype=jnp.int32)
    negative_sample = jax.random.randint(k4, (BATCH, NNEG), 0, NENTITY, dtype=jnp.int32)
    return {
        'entity_embedding': entity_embedding,
        'relation_embedding': relation_embedding,
        'positive_sample': positive_sample,
        'negative_sample': negative_sample,
    }


def _l2_normalize(x):
    return x / jnp.linalg.norm(x, ord=2, axis=-1, keepdims=True)


def reference(entity_embedding, relation_embedding, positive_sample, negative_sample):
    # head-batch mode of TFKGEModel with InterHT scoring
    B, N = negative_sample.shape
    head = jnp.take(entity_embedding, negative_sample.reshape(-1), axis=0).reshape(B, N, -1)
    relation = jnp.take(relation_embedding, positive_sample[:, 1], axis=0)[:, None, :]
    tail = jnp.take(entity_embedding, positive_sample[:, 2], axis=0)[:, None, :]

    a_head, b_head = jnp.split(head, 2, axis=2)
    re_head, re_mid, re_tail = jnp.split(relation, 3, axis=2)
    a_tail, b_tail = jnp.split(tail, 2, axis=2)

    e_h = jnp.ones_like(b_head)
    e_t = jnp.ones_like(b_tail)

    a_head = _l2_normalize(a_head)
    a_tail = _l2_normalize(a_tail)
    b_head = _l2_normalize(b_head)
    b_tail = _l2_normalize(b_tail)

    b_head = b_head + U * e_h
    b_tail = b_tail + U * e_t

    score = a_head * b_tail - a_tail * b_head + re_mid
    score = GAMMA - jnp.sum(jnp.abs(score), axis=2)
    return score

if __name__ == "__main__":
    import jax
    _d = setup_inputs()
    print(jax.jit(kernel)(*tuple(_d.values())))

</pallas_src>

<mosaic_0001>
#map = affine_map<(d0, d1) -> (0, 0)>
#map1 = affine_map<(d0, d1) -> (0)>
module attributes {stable_mosaic.version = 14 : i64} {
  func.func @_body(%arg0: i32, %arg1: i32, %arg2: memref<100000x256xf32, #tpu.memory_space<hbm>>, %arg3: memref<1000x384xf32, #tpu.memory_space<hbm>>, %arg4: memref<1024xi32, #tpu.memory_space<hbm>>, %arg5: memref<1024xi32, #tpu.memory_space<hbm>>, %arg6: memref<212992xi32, #tpu.memory_space<hbm>>, %arg7: memref<204800xf32, #tpu.memory_space<hbm>>, %arg8: memref<1024xi32, #tpu.memory_space<vmem>>, %arg9: memref<1024xi32, #tpu.memory_space<vmem>>, %arg10: memref<32x256xf32, #tpu.memory_space<vmem>>, %arg11: memref<32x384xf32, #tpu.memory_space<vmem>>, %arg12: memref<32x128xf32, #tpu.memory_space<vmem>>, %arg13: memref<32x128xf32, #tpu.memory_space<vmem>>, %arg14: memref<32x128xf32, #tpu.memory_space<vmem>>, %arg15: memref<6656xi32, #tpu.memory_space<vmem>>, %arg16: memref<6656xf32, #tpu.memory_space<vmem>>, %arg17: memref<64x256xf32, #tpu.memory_space<vmem>>, %arg18: memref<64x256xf32, #tpu.memory_space<vmem>>, %arg19: memref<!tpu.dma_semaphore, #tpu.memory_space<semaphore_mem>>, %arg20: memref<!tpu.dma_semaphore, #tpu.memory_space<semaphore_mem>>, %arg21: memref<!tpu.dma_semaphore, #tpu.memory_space<semaphore_mem>>) attributes {dimension_semantics = [#tpu.dimension_semantics<core_parallel>, #tpu.dimension_semantics<subcore_parallel>], iteration_bounds = array<i64: 2, 16>, scalar_prefetch = 0 : i64, scratch_operands = 14 : i64, tpu.core_type = #tpu.core_type<sc_vector_subcore>, window_params = [{transform_indices = #map}, {transform_indices = #map}, {transform_indices = #map1}, {transform_indices = #map1}, {transform_indices = #map1}, {transform_indices = #map1}]} {
    %mul3A = arith.constant 2 : i32
    %mul3A_0 = arith.muli %arg1, %mul3A : i32
    %add3A = arith.addi %mul3A_0, %arg0 : i32
    %mul3A_1 = arith.constant 32 : i32
    %mul3A_2 = arith.muli %add3A, %mul3A_1 : i32
    %multiple_of3A = tpu.assume_multiple %mul3A_2, 32 : i32
    %iota3A = tpu.iota {dimensions = array<i32: 0>} : vector<16xi32>
    %broadcast_in_dim3A = arith.constant 0.000000e+00 : f32
    %broadcast_in_dim3A_3 = vector.broadcast %broadcast_in_dim3A : f32 to vector<16xf32>
    %mul3A_4 = arith.constant 6656 : i32
    %mul3A_5 = arith.muli %add3A, %mul3A_4 : i32
    %multiple_of3A_6 = tpu.assume_multiple %mul3A_5, 6656 : i32
    "tpu.region"() ({
      %run_scoped3A = tpu.sem_alloc : memref<!tpu.dma_semaphore, #tpu.memory_space<semaphore_mem>>
      %dma_start3A_176 = tpu.memref_slice %arg6[%multiple_of3A_6] : memref<212992xi32, #tpu.memory_space<hbm>> -> memref<6656xi32, #tpu.memory_space<hbm>>
      %dma_start3A_177 = tpu.memref_slice %arg6[%multiple_of3A_6] : memref<212992xi32, #tpu.memory_space<hbm>> -> memref<6656xi32, #tpu.memory_space<hbm>>
      tpu.enqueue_dma source(%dma_start3A_177 : memref<6656xi32, #tpu.memory_space<hbm>>) target(%arg15 : memref<6656xi32, #tpu.memory_space<vmem>>) target_semaphore(%run_scoped3A : memref<!tpu.dma_semaphore, #tpu.memory_space<semaphore_mem>>)
      %dma_wait3A_178 = tpu.memref_slice %arg6[%multiple_of3A_6] : memref<212992xi32, #tpu.memory_space<hbm>> -> memref<6656xi32, #tpu.memory_space<hbm>>
      %dma_wait3A_179 = tpu.memref_slice %arg6[%multiple_of3A_6] : memref<212992xi32, #tpu.memory_space<hbm>> -> memref<6656xi32, #tpu.memory_space<hbm>>
      tpu.wait_dma2 semaphore(%run_scoped3A : memref<!tpu.dma_semaphore, #tpu.memory_space<semaphore_mem>>) src(%dma_wait3A_179 : memref<6656xi32, #tpu.memory_space<hbm>>) dst(%arg15 : memref<6656xi32, #tpu.memory_space<vmem>>)
      tpu.yield
    }) : () -> ()
    %multiple_of3A_7 = arith.constant 0 : i32
    %multiple_of3A_8 = tpu.assume_multiple %multiple_of3A_7, 64 : i32
    %dma_start3A = tpu.memref_slice %arg15[%multiple_of3A_8] : memref<6656xi32, #tpu.memory_space<vmem>> -> memref<64xi32, #tpu.memory_space<vmem>>
    %dma_start3A_9 = arith.constant 0 : i32
    %dma_start3A_10 = arith.constant 0 : i32
    %dma_start3A_11 = tpu.memref_slice %arg2[%dma_start3A_9, %dma_start3A_10] : memref<100000x256xf32, #tpu.memory_space<hbm>> -> memref<100000x256xf32, #tpu.memory_space<hbm>>
    tpu.enqueue_indirect_dma source(%dma_start3A_11 : memref<100000x256xf32, #tpu.memory_space<hbm>>) target(%arg17 : memref<64x256xf32, #tpu.memory_space<vmem>>) offsets(%dma_start3A : memref<64xi32, #tpu.memory_space<vmem>>) semaphore(%arg19 : memref<!tpu.dma_semaphore, #tpu.memory_space<semaphore_mem>>)
    %multiple_of3A_12 = arith.constant 64 : i32
    %multiple_of3A_13 = tpu.assume_multiple %multiple_of3A_12, 64 : i32
    %dma_start3A_14 = tpu.memref_slice %arg15[%multiple_of3A_13] : memref<6656xi32, #tpu.memory_space<vmem>> -> memref<64xi32, #tpu.memory_space<vmem>>
    %dma_start3A_15 = arith.constant 0 : i32
    %dma_start3A_16 = arith.constant 0 : i32
    %dma_start3A_17 = tpu.memref_slice %arg2[%dma_start3A_15, %dma_start3A_16] : memref<100000x256xf32, #tpu.memory_space<hbm>> -> memref<100000x256xf32, #tpu.memory_space<hbm>>
    tpu.enqueue_indirect_dma source(%dma_start3A_17 : memref<100000x256xf32, #tpu.memory_space<hbm>>) target(%arg18 : memref<64x256xf32, #tpu.memory_space<vmem>>) offsets(%dma_start3A_14 : memref<64xi32, #tpu.memory_space<vmem>>) semaphore(%arg20 : memref<!tpu.dma_semaphore, #tpu.memory_space<semaphore_mem>>)
    "tpu.region"() ({
      %run_scoped3A = tpu.sem_alloc : memref<!tpu.dma_semaphore, #tpu.memory_space<semaphore_mem>>
      tpu.enqueue_dma source(%arg5 : memref<1024xi32, #tpu.memory_space<hbm>>) target(%arg8 : memref<1024xi32, #tpu.memory_space<vmem>>) target_semaphore(%run_scoped3A : memref<!tpu.dma_semaphore, #tpu.memory_space<semaphore_mem>>)
      tpu.wait_dma2 semaphore(%run_scoped3A : memref<!tpu.dma_semaphore, #tpu.memory_space<semaphore_mem>>) src(%arg5 : memref<1024xi32, #tpu.memory_space<hbm>>) dst(%arg8 : memref<1024xi32, #tpu.memory_space<vmem>>)
      tpu.yield
    }) : () -> ()
    "tpu.region"() ({
      %run_scoped3A = tpu.sem_alloc : memref<!tpu.dma_semaphore, #tpu.memory_space<semaphore_mem>>
      tpu.enqueue_dma source(%arg4 : memref<1024xi32, #tpu.memory_space<hbm>>) target(%arg9 : memref<1024xi32, #tpu.memory_space<vmem>>) target_semaphore(%run_scoped3A : memref<!tpu.dma_semaphore, #tpu.memory_space<semaphore_mem>>)
      tpu.wait_dma2 semaphore(%run_scoped3A : memref<!tpu.dma_semaphore, #tpu.memory_space<semaphore_mem>>) src(%arg4 : memref<1024xi32, #tpu.memory_space<hbm>>) dst(%arg9 : memref<1024xi32, #tpu.memory_space<vmem>>)
      tpu.yield
    }) : () -> ()
    %dma_start3A_18 = tpu.memref_slice %arg8[%multiple_of3A] : memref<1024xi32, #tpu.memory_space<vmem>> -> memref<32xi32, #tpu.memory_space<vmem>>
    %dma_start3A_19 = arith.constant 0 : i32
    %dma_start3A_20 = arith.constant 0 : i32
    %dma_start3A_21 = tpu.memref_slice %arg2[%dma_start3A_19, %dma_start3A_20] : memref<100000x256xf32, #tpu.memory_space<hbm>> -> memref<100000x256xf32, #tpu.memory_space<hbm>>
    tpu.enqueue_indirect_dma source(%dma_start3A_21 : memref<100000x256xf32, #tpu.memory_space<hbm>>) target(%arg10 : memref<32x256xf32, #tpu.memory_space<vmem>>) offsets(%dma_start3A_18 : memref<32xi32, #tpu.memory_space<vmem>>) semaphore(%arg21 : memref<!tpu.dma_semaphore, #tpu.memory_space<semaphore_mem>>)
    %dma_wait3A = tpu.memref_slice %arg8[%multiple_of3A] : memref<1024xi32, #tpu.memory_space<vmem>> -> memref<32xi32, #tpu.memory_space<vmem>>
    %dma_wait3A_22 = arith.constant 0 : i32
    %dma_wait3A_23 = arith.constant 0 : i32
    %dma_wait3A_24 = tpu.memref_slice %arg2[%dma_wait3A_22, %dma_wait3A_23] : memref<100000x256xf32, #tpu.memory_space<hbm>> -> memref<100000x256xf32, #tpu.memory_space<hbm>>
    tpu.wait_indirect_dma semaphore(%arg21 : memref<!tpu.dma_semaphore, #tpu.memory_space<semaphore_mem>>) src(%dma_wait3A_24 : memref<100000x256xf32, #tpu.memory_space<hbm>>) dst(%arg10 : memref<32x256xf32, #tpu.memory_space<vmem>>)
    %dma_start3A_25 = tpu.memref_slice %arg9[%multiple_of3A] : memref<1024xi32, #tpu.memory_space<vmem>> -> memref<32xi32, #tpu.memory_space<vmem>>
    %dma_start3A_26 = arith.constant 0 : i32
    %dma_start3A_27 = arith.constant 0 : i32
    %dma_start3A_28 = tpu.memref_slice %arg3[%dma_start3A_26, %dma_start3A_27] : memref<1000x384xf32, #tpu.memory_space<hbm>> -> memref<1000x384xf32, #tpu.memory_space<hbm>>
    tpu.enqueue_indirect_dma source(%dma_start3A_28 : memref<1000x384xf32, #tpu.memory_space<hbm>>) target(%arg11 : memref<32x384xf32, #tpu.memory_space<vmem>>) offsets(%dma_start3A_25 : memref<32xi32, #tpu.memory_space<vmem>>) semaphore(%arg21 : memref<!tpu.dma_semaphore, #tpu.memory_space<semaphore_mem>>)
    %dma_wait3A_29 = tpu.memref_slice %arg9[%multiple_of3A] : memref<1024xi32, #tpu.memory_space<vmem>> -> memref<32xi32, #tpu.memory_space<vmem>>
    %dma_wait3A_30 = arith.constant 0 : i32
    %dma_wait3A_31 = arith.constant 0 : i32
    %dma_wait3A_32 = tpu.memref_slice %arg3[%dma_wait3A_30, %dma_wait3A_31] : memref<1000x384xf32, #tpu.memory_space<hbm>> -> memref<1000x384xf32, #tpu.memory_space<hbm>>
    tpu.wait_indirect_dma semaphore(%arg21 : memref<!tpu.dma_semaphore, #tpu.memory_space<semaphore_mem>>) src(%dma_wait3A_32 : memref<1000x384xf32, #tpu.memory_space<hbm>>) dst(%arg11 : memref<32x384xf32, #tpu.memory_space<vmem>>)
    %add3A_33 = arith.constant 0 : i32
    %add3A_34 = vector.broadcast %add3A_33 : i32 to vector<16xi32>
    %add3A_35 = arith.addi %add3A_34, %iota3A : vector<16xi32>
    %scan3A = arith.constant 0 : i32
    %scan3A_36 = arith.constant 128 : i32
    %scan3A_37 = arith.addi %scan3A, %scan3A_36 : i32
    %scan3A_38 = arith.constant 1 : i32
    %scan3A_39:2 = scf.for %scan3A_176 = %scan3A to %scan3A_37 step %scan3A_38 iter_args(%scan3A_177 = %broadcast_in_dim3A_3, %scan3A_178 = %broadcast_in_dim3A_3) -> (vector<16xf32>, vector<16xf32>)  : i32 {
      %broadcast_in_dim3A_179 = vector.broadcast %scan3A_176 : i32 to vector<16xi32>
      %gather3A = tpu.vector_load_idx %arg10[%add3A_35, %broadcast_in_dim3A_179] : memref<32x256xf32, #tpu.memory_space<vmem>>[vector<16xi32>, vector<16xi32>], vector<16xf32>,
      %add3A_180 = arith.constant 128 : i32
      %add3A_181 = vector.broadcast %add3A_180 : i32 to vector<16xi32>
      %add3A_182 = arith.addi %broadcast_in_dim3A_179, %add3A_181 : vector<16xi32>
      %gather3A_183 = tpu.vector_load_idx %arg10[%add3A_35, %add3A_182] : memref<32x256xf32, #tpu.memory_space<vmem>>[vector<16xi32>, vector<16xi32>], vector<16xf32>,
      %mul3A_184 = arith.mulf %gather3A, %gather3A : vector<16xf32>
      %add3A_185 = arith.addf %scan3A_177, %mul3A_184 : vector<16xf32>
      %mul3A_186 = arith.mulf %gather3A_183, %gather3A_183 : vector<16xf32>
      %add3A_187 = arith.addf %scan3A_178, %mul3A_186 : vector<16xf32>
      scf.yield %add3A_185, %add3A_187 : vector<16xf32>, vector<16xf32>
    }
    %scan3A_40 = arith.constant 128 : i32
    %bitcast3A = vector.bitcast %scan3A_39#0 : vector<16xf32> to vector<16xi32>
    %shift_right_logical3A = arith.constant 1 : i32
    %shift_right_logical3A_41 = vector.broadcast %shift_right_logical3A : i32 to vector<16xi32>
    %shift_right_logical3A_42 = arith.shrui %bitcast3A, %shift_right_logical3A_41 : vector<16xi32>
    %sub3A = arith.constant 1597463007 : i32
    %sub3A_43 = vector.broadcast %sub3A : i32 to vector<16xi32>
    %sub3A_44 = arith.subi %sub3A_43, %shift_right_logical3A_42 : vector<16xi32>
    %bitcast3A_45 = vector.bitcast %sub3A_44 : vector<16xi32> to vector<16xf32>
    %mul3A_46 = arith.constant 5.000000e-01 : f32
    %mul3A_47 = vector.broadcast %mul3A_46 : f32 to vector<16xf32>
    %mul3A_48 = arith.mulf %mul3A_47, %scan3A_39#0 : vector<16xf32>
    %mul3A_49 = arith.mulf %mul3A_48, %bitcast3A_45 : vector<16xf32>
    %mul3A_50 = arith.mulf %mul3A_49, %bitcast3A_45 : vector<16xf32>
    %sub3A_51 = arith.constant 1.500000e+00 : f32
    %sub3A_52 = vector.broadcast %sub3A_51 : f32 to vector<16xf32>
    %sub3A_53 = arith.subf %sub3A_52, %mul3A_50 : vector<16xf32>
    %mul3A_54 = arith.mulf %bitcast3A_45, %sub3A_53 : vector<16xf32>
    %mul3A_55 = arith.constant 5.000000e-01 : f32
    %mul3A_56 = vector.broadcast %mul3A_55 : f32 to vector<16xf32>
    %mul3A_57 = arith.mulf %mul3A_56, %scan3A_39#0 : vector<16xf32>
    %mul3A_58 = arith.mulf %mul3A_57, %mul3A_54 : vector<16xf32>
    %mul3A_59 = arith.mulf %mul3A_58, %mul3A_54 : vector<16xf32>
    %sub3A_60 = arith.constant 1.500000e+00 : f32
    %sub3A_61 = vector.broadcast %sub3A_60 : f32 to vector<16xf32>
    %sub3A_62 = arith.subf %sub3A_61, %mul3A_59 : vector<16xf32>
    %mul3A_63 = arith.mulf %mul3A_54, %sub3A_62 : vector<16xf32>
    %bitcast3A_64 = vector.bitcast %scan3A_39#1 : vector<16xf32> to vector<16xi32>
    %shift_right_logical3A_65 = arith.constant 1 : i32
    %shift_right_logical3A_66 = vector.broadcast %shift_right_logical3A_65 : i32 to vector<16xi32>
    %shift_right_logical3A_67 = arith.shrui %bitcast3A_64, %shift_right_logical3A_66 : vector<16xi32>
    %sub3A_68 = arith.constant 1597463007 : i32
    %sub3A_69 = vector.broadcast %sub3A_68 : i32 to vector<16xi32>
    %sub3A_70 = arith.subi %sub3A_69, %shift_right_logical3A_67 : vector<16xi32>
    %bitcast3A_71 = vector.bitcast %sub3A_70 : vector<16xi32> to vector<16xf32>
    %mul3A_72 = arith.constant 5.000000e-01 : f32
    %mul3A_73 = vector.broadcast %mul3A_72 : f32 to vector<16xf32>
    %mul3A_74 = arith.mulf %mul3A_73, %scan3A_39#1 : vector<16xf32>
    %mul3A_75 = arith.mulf %mul3A_74, %bitcast3A_71 : vector<16xf32>
    %mul3A_76 = arith.mulf %mul3A_75, %bitcast3A_71 : vector<16xf32>
    %sub3A_77 = arith.constant 1.500000e+00 : f32
    %sub3A_78 = vector.broadcast %sub3A_77 : f32 to vector<16xf32>
    %sub3A_79 = arith.subf %sub3A_78, %mul3A_76 : vector<16xf32>
    %mul3A_80 = arith.mulf %bitcast3A_71, %sub3A_79 : vector<16xf32>
    %mul3A_81 = arith.constant 5.000000e-01 : f32
    %mul3A_82 = vector.broadcast %mul3A_81 : f32 to vector<16xf32>
    %mul3A_83 = arith.mulf %mul3A_82, %scan3A_39#1 : vector<16xf32>
    %mul3A_84 = arith.mulf %mul3A_83, %mul3A_80 : vector<16xf32>
    %mul3A_85 = arith.mulf %mul3A_84, %mul3A_80 : vector<16xf32>
    %sub3A_86 = arith.constant 1.500000e+00 : f32
    %sub3A_87 = vector.broadcast %sub3A_86 : f32 to vector<16xf32>
    %sub3A_88 = arith.subf %sub3A_87, %mul3A_85 : vector<16xf32>
    %mul3A_89 = arith.mulf %mul3A_80, %sub3A_88 : vector<16xf32>
    %scan3A_90 = arith.constant 0 : i32
    %scan3A_91 = arith.constant 0 : i32
    %scan3A_92 = arith.constant 128 : i32
    %scan3A_93 = arith.addi %scan3A_91, %scan3A_92 : i32
    %scan3A_94 = arith.constant 1 : i32
    %scan3A_95 = scf.for %scan3A_176 = %scan3A_91 to %scan3A_93 step %scan3A_94 iter_args(%scan3A_177 = %scan3A_90) -> (i32)  : i32 {
      %broadcast_in_dim3A_178 = vector.broadcast %scan3A_176 : i32 to vector<16xi32>
      %gather3A = tpu.vector_load_idx %arg10[%add3A_35, %broadcast_in_dim3A_178] : memref<32x256xf32, #tpu.memory_space<vmem>>[vector<16xi32>, vector<16xi32>], vector<16xf32>,
      %add3A_179 = arith.constant 128 : i32
      %add3A_180 = vector.broadcast %add3A_179 : i32 to vector<16xi32>
      %add3A_181 = arith.addi %broadcast_in_dim3A_178, %add3A_180 : vector<16xi32>
      %gather3A_182 = tpu.vector_load_idx %arg10[%add3A_35, %add3A_181] : memref<32x256xf32, #tpu.memory_space<vmem>>[vector<16xi32>, vector<16xi32>], vector<16xf32>,
      %add3A_183 = arith.constant 128 : i32
      %add3A_184 = vector.broadcast %add3A_183 : i32 to vector<16xi32>
      %add3A_185 = arith.addi %broadcast_in_dim3A_178, %add3A_184 : vector<16xi32>
      %gather3A_186 = tpu.vector_load_idx %arg11[%add3A_35, %add3A_185] : memref<32x384xf32, #tpu.memory_space<vmem>>[vector<16xi32>, vector<16xi32>], vector<16xf32>,
      %mul3A_187 = arith.mulf %gather3A, %mul3A_63 : vector<16xf32>
      %mul3A_188 = arith.mulf %gather3A_182, %mul3A_89 : vector<16xf32>
      %add3A_189 = arith.constant 1.000000e+00 : f32
      %add3A_190 = vector.broadcast %add3A_189 : f32 to vector<16xf32>
      %add3A_191 = arith.addf %mul3A_188, %add3A_190 : vector<16xf32>
      tpu.vector_store_idx %arg12[%add3A_35, %broadcast_in_dim3A_178], %add3A_191 : memref<32x128xf32, #tpu.memory_space<vmem>>[vector<16xi32>, vector<16xi32>], vector<16xf32>,
      tpu.vector_store_idx %arg13[%add3A_35, %broadcast_in_dim3A_178], %mul3A_187 : memref<32x128xf32, #tpu.memory_space<vmem>>[vector<16xi32>, vector<16xi32>], vector<16xf32>,
      %sub3A_192 = arith.subf %gather3A_186, %mul3A_187 : vector<16xf32>
      tpu.vector_store_idx %arg14[%add3A_35, %broadcast_in_dim3A_178], %sub3A_192 : memref<32x128xf32, #tpu.memory_space<vmem>>[vector<16xi32>, vector<16xi32>], vector<16xf32>,
      %scan3A_193 = arith.constant 0 : i32
      scf.yield %scan3A_193 : i32
    }
    %scan3A_96 = arith.constant 128 : i32
    %add3A_97 = arith.constant 16 : i32
    %add3A_98 = vector.broadcast %add3A_97 : i32 to vector<16xi32>
    %add3A_99 = arith.addi %add3A_98, %iota3A : vector<16xi32>
    %scan3A_100 = arith.constant 0 : i32
    %scan3A_101 = arith.constant 128 : i32
    %scan3A_102 = arith.addi %scan3A_100, %scan3A_101 : i32
    %scan3A_103 = arith.constant 1 : i32
    %scan3A_104:2 = scf.for %scan3A_176 = %scan3A_100 to %scan3A_102 step %scan3A_103 iter_args(%scan3A_177 = %broadcast_in_dim3A_3, %scan3A_178 = %broadcast_in_dim3A_3) -> (vector<16xf32>, vector<16xf32>)  : i32 {
      %broadcast_in_dim3A_179 = vector.broadcast %scan3A_176 : i32 to vector<16xi32>
      %gather3A = tpu.vector_load_idx %arg10[%add3A_99, %broadcast_in_dim3A_179] : memref<32x256xf32, #tpu.memory_space<vmem>>[vector<16xi32>, vector<16xi32>], vector<16xf32>,
      %add3A_180 = arith.constant 128 : i32
      %add3A_181 = vector.broadcast %add3A_180 : i32 to vector<16xi32>
      %add3A_182 = arith.addi %broadcast_in_dim3A_179, %add3A_181 : vector<16xi32>
      %gather3A_183 = tpu.vector_load_idx %arg10[%add3A_99, %add3A_182] : memref<32x256xf32, #tpu.memory_space<vmem>>[vector<16xi32>, vector<16xi32>], vector<16xf32>,
      %mul3A_184 = arith.mulf %gather3A, %gather3A : vector<16xf32>
      %add3A_185 = arith.addf %scan3A_177, %mul3A_184 : vector<16xf32>
      %mul3A_186 = arith.mulf %gather3A_183, %gather3A_183 : vector<16xf32>
      %add3A_187 = arith.addf %scan3A_178, %mul3A_186 : vector<16xf32>
      scf.yield %add3A_185, %add3A_187 : vector<16xf32>, vector<16xf32>
    }
    %scan3A_105 = arith.constant 128 : i32
    %bitcast3A_106 = vector.bitcast %scan3A_104#0 : vector<16xf32> to vector<16xi32>
    %shift_right_logical3A_107 = arith.constant 1 : i32
    %shift_right_logical3A_108 = vector.broadcast %shift_right_logical3A_107 : i32 to vector<16xi32>
    %shift_right_logical3A_109 = arith.shrui %bitcast3A_106, %shift_right_logical3A_108 : vector<16xi32>
    %sub3A_110 = arith.constant 1597463007 : i32
    %sub3A_111 = vector.broadcast %sub3A_110 : i32 to vector<16xi32>
    %sub3A_112 = arith.subi %sub3A_111, %shift_right_logical3A_109 : vector<16xi32>
    %bitcast3A_113 = vector.bitcast %sub3A_112 : vector<16xi32> to vector<16xf32>
    %mul3A_114 = arith.constant 5.000000e-01 : f32
    %mul3A_115 = vector.broadcast %mul3A_114 : f32 to vector<16xf32>
    %mul3A_116 = arith.mulf %mul3A_115, %scan3A_104#0 : vector<16xf32>
    %mul3A_117 = arith.mulf %mul3A_116, %bitcast3A_113 : vector<16xf32>
    %mul3A_118 = arith.mulf %mul3A_117, %bitcast3A_113 : vector<16xf32>
    %sub3A_119 = arith.constant 1.500000e+00 : f32
    %sub3A_120 = vector.broadcast %sub3A_119 : f32 to vector<16xf32>
    %sub3A_121 = arith.subf %sub3A_120, %mul3A_118 : vector<16xf32>
    %mul3A_122 = arith.mulf %bitcast3A_113, %sub3A_121 : vector<16xf32>
    %mul3A_123 = arith.constant 5.000000e-01 : f32
    %mul3A_124 = vector.broadcast %mul3A_123 : f32 to vector<16xf32>
    %mul3A_125 = arith.mulf %mul3A_124, %scan3A_104#0 : vector<16xf32>
    %mul3A_126 = arith.mulf %mul3A_125, %mul3A_122 : vector<16xf32>
    %mul3A_127 = arith.mulf %mul3A_126, %mul3A_122 : vector<16xf32>
    %sub3A_128 = arith.constant 1.500000e+00 : f32
    %sub3A_129 = vector.broadcast %sub3A_128 : f32 to vector<16xf32>
    %sub3A_130 = arith.subf %sub3A_129, %mul3A_127 : vector<16xf32>
    %mul3A_131 = arith.mulf %mul3A_122, %sub3A_130 : vector<16xf32>
    %bitcast3A_132 = vector.bitcast %scan3A_104#1 : vector<16xf32> to vector<16xi32>
    %shift_right_logical3A_133 = arith.constant 1 : i32
    %shift_right_logical3A_134 = vector.broadcast %shift_right_logical3A_133 : i32 to vector<16xi32>
    %shift_right_logical3A_135 = arith.shrui %bitcast3A_132, %shift_right_logical3A_134 : vector<16xi32>
    %sub3A_136 = arith.constant 1597463007 : i32
    %sub3A_137 = vector.broadcast %sub3A_136 : i32 to vector<16xi32>
    %sub3A_138 = arith.subi %sub3A_137, %shift_right_logical3A_135 : vector<16xi32>
    %bitcast3A_139 = vector.bitcast %sub3A_138 : vector<16xi32> to vector<16xf32>
    %mul3A_140 = arith.constant 5.000000e-01 : f32
    %mul3A_141 = vector.broadcast %mul3A_140 : f32 to vector<16xf32>
    %mul3A_142 = arith.mulf %mul3A_141, %scan3A_104#1 : vector<16xf32>
    %mul3A_143 = arith.mulf %mul3A_142, %bitcast3A_139 : vector<16xf32>
    %mul3A_144 = arith.mulf %mul3A_143, %bitcast3A_139 : vector<16xf32>
    %sub3A_145 = arith.constant 1.500000e+00 : f32
    %sub3A_146 = vector.broadcast %sub3A_145 : f32 to vector<16xf32>
    %sub3A_147 = arith.subf %sub3A_146, %mul3A_144 : vector<16xf32>
    %mul3A_148 = arith.mulf %bitcast3A_139, %sub3A_147 : vector<16xf32>
    %mul3A_149 = arith.constant 5.000000e-01 : f32
    %mul3A_150 = vector.broadcast %mul3A_149 : f32 to vector<16xf32>
    %mul3A_151 = arith.mulf %mul3A_150, %scan3A_104#1 : vector<16xf32>
    %mul3A_152 = arith.mulf %mul3A_151, %mul3A_148 : vector<16xf32>
    %mul3A_153 = arith.mulf %mul3A_152, %mul3A_148 : vector<16xf32>
    %sub3A_154 = arith.constant 1.500000e+00 : f32
    %sub3A_155 = vector.broadcast %sub3A_154 : f32 to vector<16xf32>
    %sub3A_156 = arith.subf %sub3A_155, %mul3A_153 : vector<16xf32>
    %mul3A_157 = arith.mulf %mul3A_148, %sub3A_156 : vector<16xf32>
    %scan3A_158 = arith.constant 0 : i32
    %scan3A_159 = arith.constant 0 : i32
    %scan3A_160 = arith.constant 128 : i32
    %scan3A_161 = arith.addi %scan3A_159, %scan3A_160 : i32
    %scan3A_162 = arith.constant 1 : i32
    %scan3A_163 = scf.for %scan3A_176 = %scan3A_159 to %scan3A_161 step %scan3A_162 iter_args(%scan3A_177 = %scan3A_158) -> (i32)  : i32 {
      %broadcast_in_dim3A_178 = vector.broadcast %scan3A_176 : i32 to vector<16xi32>
      %gather3A = tpu.vector_load_idx %arg10[%add3A_99, %broadcast_in_dim3A_178] : memref<32x256xf32, #tpu.memory_space<vmem>>[vector<16xi32>, vector<16xi32>], vector<16xf32>,
      %add3A_179 = arith.constant 128 : i32
      %add3A_180 = vector.broadcast %add3A_179 : i32 to vector<16xi32>
      %add3A_181 = arith.addi %broadcast_in_dim3A_178, %add3A_180 : vector<16xi32>
      %gather3A_182 = tpu.vector_load_idx %arg10[%add3A_99, %add3A_181] : memref<32x256xf32, #tpu.memory_space<vmem>>[vector<16xi32>, vector<16xi32>], vector<16xf32>,
      %add3A_183 = arith.constant 128 : i32
      %add3A_184 = vector.broadcast %add3A_183 : i32 to vector<16xi32>
      %add3A_185 = arith.addi %broadcast_in_dim3A_178, %add3A_184 : vector<16xi32>
      %gather3A_186 = tpu.vector_load_idx %arg11[%add3A_99, %add3A_185] : memref<32x384xf32, #tpu.memory_space<vmem>>[vector<16xi32>, vector<16xi32>], vector<16xf32>,
      %mul3A_187 = arith.mulf %gather3A, %mul3A_131 : vector<16xf32>
      %mul3A_188 = arith.mulf %gather3A_182, %mul3A_157 : vector<16xf32>
      %add3A_189 = arith.constant 1.000000e+00 : f32
      %add3A_190 = vector.broadcast %add3A_189 : f32 to vector<16xf32>
      %add3A_191 = arith.addf %mul3A_188, %add3A_190 : vector<16xf32>
      tpu.vector_store_idx %arg12[%add3A_99, %broadcast_in_dim3A_178], %add3A_191 : memref<32x128xf32, #tpu.memory_space<vmem>>[vector<16xi32>, vector<16xi32>], vector<16xf32>,
      tpu.vector_store_idx %arg13[%add3A_99, %broadcast_in_dim3A_178], %mul3A_187 : memref<32x128xf32, #tpu.memory_space<vmem>>[vector<16xi32>, vector<16xi32>], vector<16xf32>,
      %sub3A_192 = arith.subf %gather3A_186, %mul3A_187 : vector<16xf32>
      tpu.vector_store_idx %arg14[%add3A_99, %broadcast_in_dim3A_178], %sub3A_192 : memref<32x128xf32, #tpu.memory_space<vmem>>[vector<16xi32>, vector<16xi32>], vector<16xf32>,
      %scan3A_193 = arith.constant 0 : i32
      scf.yield %scan3A_193 : i32
    }
    %scan3A_164 = arith.constant 128 : i32
    %scan3A_165 = arith.constant 0 : i32
    %scan3A_166 = arith.constant 0 : i32
    %scan3A_167 = arith.constant 0 : i32
    %scan3A_168 = arith.constant 52 : i32
    %scan3A_169 = arith.addi %scan3A_167, %scan3A_168 : i32
    %scan3A_170 = arith.constant 1 : i32
    %scan3A_171:2 = scf.for %scan3A_176 = %scan3A_167 to %scan3A_169 step %scan3A_170 iter_args(%scan3A_177 = %scan3A_165, %scan3A_178 = %scan3A_166) -> (i32, i32)  : i32 {
      %mul3A_179 = arith.constant 2 : i32
      %mul3A_180 = arith.muli %scan3A_176, %mul3A_179 : i32
      %add3A_181 = arith.constant 0 : i32
      %add3A_182 = arith.addi %mul3A_180, %add3A_181 : i32
      %mul3A_183 = arith.constant 64 : i32
      %mul3A_184 = arith.muli %add3A_182, %mul3A_183 : i32
      %multiple_of3A_185 = tpu.assume_multiple %mul3A_184, 64 : i32
      %dma_wait3A_186 = tpu.memref_slice %arg15[%multiple_of3A_185] : memref<6656xi32, #tpu.memory_space<vmem>> -> memref<64xi32, #tpu.memory_space<vmem>>
      %dma_wait3A_187 = arith.constant 0 : i32
      %dma_wait3A_188 = arith.constant 0 : i32
      %dma_wait3A_189 = tpu.memref_slice %arg2[%dma_wait3A_187, %dma_wait3A_188] : memref<100000x256xf32, #tpu.memory_space<hbm>> -> memref<100000x256xf32, #tpu.memory_space<hbm>>
      tpu.wait_indirect_dma semaphore(%arg19 : memref<!tpu.dma_semaphore, #tpu.memory_space<semaphore_mem>>) src(%dma_wait3A_189 : memref<100000x256xf32, #tpu.memory_space<hbm>>) dst(%arg17 : memref<64x256xf32, #tpu.memory_space<vmem>>)
      %scan3A_190 = arith.constant 0 : i32
      %scan3A_191 = arith.constant 4 : i32
      %scan3A_192 = arith.addi %scan3A_190, %scan3A_191 : i32
      %scan3A_193 = arith.constant 1 : i32
      %scan3A_194:2 = scf.for %scan3A_224 = %scan3A_190 to %scan3A_192 step %scan3A_193 iter_args(%scan3A_225 = %scan3A_177, %scan3A_226 = %scan3A_178) -> (i32, i32)  : i32 {
        %get3A = arith.index_cast %scan3A_225 : i32 to index
        %get3A_227 = arith.constant 0 : index
        %get3A_228 = tpu.vector_load %arg12[%get3A, %get3A_227] {strides = array<i32>} : memref<32x128xf32, #tpu.memory_space<vmem>>, vector<16xf32>,
        %get3A_229 = arith.index_cast %scan3A_225 : i32 to index
        %get3A_230 = arith.constant 16 : index
        %get3A_231 = tpu.vector_load %arg12[%get3A_229, %get3A_230] {strides = array<i32>} : memref<32x128xf32, #tpu.memory_space<vmem>>, vector<16xf32>,
        %get3A_232 = arith.index_cast %scan3A_225 : i32 to index
        %get3A_233 = arith.constant 32 : index
        %get3A_234 = tpu.vector_load %arg12[%get3A_232, %get3A_233] {strides = array<i32>} : memref<32x128xf32, #tpu.memory_space<vmem>>, vector<16xf32>,
        %get3A_235 = arith.index_cast %scan3A_225 : i32 to index
        %get3A_236 = arith.constant 48 : index
        %get3A_237 = tpu.vector_load %arg12[%get3A_235, %get3A_236] {strides = array<i32>} : memref<32x128xf32, #tpu.memory_space<vmem>>, vector<16xf32>,
        %get3A_238 = arith.index_cast %scan3A_225 : i32 to index
        %get3A_239 = arith.constant 64 : index
        %get3A_240 = tpu.vector_load %arg12[%get3A_238, %get3A_239] {strides = array<i32>} : memref<32x128xf32, #tpu.memory_space<vmem>>, vector<16xf32>,
        %get3A_241 = arith.index_cast %scan3A_225 : i32 to index
        %get3A_242 = arith.constant 80 : index
        %get3A_243 = tpu.vector_load %arg12[%get3A_241, %get3A_242] {strides = array<i32>} : memref<32x128xf32, #tpu.memory_space<vmem>>, vector<16xf32>,
        %get3A_244 = arith.index_cast %scan3A_225 : i32 to index
        %get3A_245 = arith.constant 96 : index
        %get3A_246 = tpu.vector_load %arg12[%get3A_244, %get3A_245] {strides = array<i32>} : memref<32x128xf32, #tpu.memory_space<vmem>>, vector<16xf32>,
        %get3A_247 = arith.index_cast %scan3A_225 : i32 to index
        %get3A_248 = arith.constant 112 : index
        %get3A_249 = tpu.vector_load %arg12[%get3A_247, %get3A_248] {strides = array<i32>} : memref<32x128xf32, #tpu.memory_space<vmem>>, vector<16xf32>,
        %get3A_250 = arith.index_cast %scan3A_225 : i32 to index
        %get3A_251 = arith.constant 0 : index
        %get3A_252 = tpu.vector_load %arg13[%get3A_250, %get3A_251] {strides = array<i32>} : memref<32x128xf32, #tpu.memory_space<vmem>>, vector<16xf32>,
        %get3A_253 = arith.index_cast %scan3A_225 : i32 to index
        %get3A_254 = arith.constant 16 : index
        %get3A_255 = tpu.vector_load %arg13[%get3A_253, %get3A_254] {strides = array<i32>} : memref<32x128xf32, #tpu.memory_space<vmem>>, vector<16xf32>,
        %get3A_256 = arith.index_cast %scan3A_225 : i32 to index
        %get3A_257 = arith.constant 32 : index
        %get3A_258 = tpu.vector_load %arg13[%get3A_256, %get3A_257] {strides = array<i32>} : memref<32x128xf32, #tpu.memory_space<vmem>>, vector<16xf32>,
        %get3A_259 = arith.index_cast %scan3A_225 : i32 to index
        %get3A_260 = arith.constant 48 : index
        %get3A_261 = tpu.vector_load %arg13[%get3A_259, %get3A_260] {strides = array<i32>} : memref<32x128xf32, #tpu.memory_space<vmem>>, vector<16xf32>,
        %get3A_262 = arith.index_cast %scan3A_225 : i32 to index
        %get3A_263 = arith.constant 64 : index
        %get3A_264 = tpu.vector_load %arg13[%get3A_262, %get3A_263] {strides = array<i32>} : memref<32x128xf32, #tpu.memory_space<vmem>>, vector<16xf32>,
        %get3A_265 = arith.index_cast %scan3A_225 : i32 to index
        %get3A_266 = arith.constant 80 : index
        %get3A_267 = tpu.vector_load %arg13[%get3A_265, %get3A_266] {strides = array<i32>} : memref<32x128xf32, #tpu.memory_space<vmem>>, vector<16xf32>,
        %get3A_268 = arith.index_cast %scan3A_225 : i32 to index
        %get3A_269 = arith.constant 96 : index
        %get3A_270 = tpu.vector_load %arg13[%get3A_268, %get3A_269] {strides = array<i32>} : memref<32x128xf32, #tpu.memory_space<vmem>>, vector<16xf32>,
        %get3A_271 = arith.index_cast %scan3A_225 : i32 to index
        %get3A_272 = arith.constant 112 : index
        %get3A_273 = tpu.vector_load %arg13[%get3A_271, %get3A_272] {strides = array<i32>} : memref<32x128xf32, #tpu.memory_space<vmem>>, vector<16xf32>,
        %get3A_274 = arith.index_cast %scan3A_225 : i32 to index
        %get3A_275 = arith.constant 0 : index
        %get3A_276 = tpu.vector_load %arg14[%get3A_274, %get3A_275] {strides = array<i32>} : memref<32x128xf32, #tpu.memory_space<vmem>>, vector<16xf32>,
        %get3A_277 = arith.index_cast %scan3A_225 : i32 to index
        %get3A_278 = arith.constant 16 : index
        %get3A_279 = tpu.vector_load %arg14[%get3A_277, %get3A_278] {strides = array<i32>} : memref<32x128xf32, #tpu.memory_space<vmem>>, vector<16xf32>,
        %get3A_280 = arith.index_cast %scan3A_225 : i32 to index
        %get3A_281 = arith.constant 32 : index
        %get3A_282 = tpu.vector_load %arg14[%get3A_280, %get3A_281] {strides = array<i32>} : memref<32x128xf32, #tpu.memory_space<vmem>>, vector<16xf32>,
        %get3A_283 = arith.index_cast %scan3A_225 : i32 to index
        %get3A_284 = arith.constant 48 : index
        %get3A_285 = tpu.vector_load %arg14[%get3A_283, %get3A_284] {strides = array<i32>} : memref<32x128xf32, #tpu.memory_space<vmem>>, vector<16xf32>,
        %get3A_286 = arith.index_cast %scan3A_225 : i32 to index
        %get3A_287 = arith.constant 64 : index
        %get3A_288 = tpu.vector_load %arg14[%get3A_286, %get3A_287] {strides = array<i32>} : memref<32x128xf32, #tpu.memory_space<vmem>>, vector<16xf32>,
        %get3A_289 = arith.index_cast %scan3A_225 : i32 to index
        %get3A_290 = arith.constant 80 : index
        %get3A_291 = tpu.vector_load %arg14[%get3A_289, %get3A_290] {strides = array<i32>} : memref<32x128xf32, #tpu.memory_space<vmem>>, vector<16xf32>,
        %get3A_292 = arith.index_cast %scan3A_225 : i32 to index
        %get3A_293 = arith.constant 96 : index
        %get3A_294 = tpu.vector_load %arg14[%get3A_292, %get3A_293] {strides = array<i32>} : memref<32x128xf32, #tpu.memory_space<vmem>>, vector<16xf32>,
        %get3A_295 = arith.index_cast %scan3A_225 : i32 to index
        %get3A_296 = arith.constant 112 : index
        %get3A_297 = tpu.vector_load %arg14[%get3A_295, %get3A_296] {strides = array<i32>} : memref<32x128xf32, #tpu.memory_space<vmem>>, vector<16xf32>,
        %parallel_loop3A = arith.constant 0 : i32
        %parallel_loop3A_298 = arith.constant 16 : i32
        %parallel_loop3A_299 = arith.constant 1 : i32
        %parallel_loop3A_300:2 = scf.for %parallel_loop3A_372 = %parallel_loop3A to %parallel_loop3A_298 step %parallel_loop3A_299 iter_args(%parallel_loop3A_373 = %broadcast_in_dim3A_3, %parallel_loop3A_374 = %broadcast_in_dim3A_3) -> (vector<16xf32>, vector<16xf32>)  : i32 {
          %parallel_loop3A_375 = arith.constant 16 : i32
          %parallel_loop3A_376 = arith.muli %scan3A_224, %parallel_loop3A_375 : i32
          %parallel_loop3A_377 = arith.addi %parallel_loop3A_376, %parallel_loop3A_372 : i32
          %parallel_loop3A_378 = arith.index_cast %parallel_loop3A_377 : i32 to index
          %parallel_loop3A_379 = arith.constant 0 : index
          %parallel_loop3A_380 = tpu.vector_load %arg17[%parallel_loop3A_378, %parallel_loop3A_379] {strides = array<i32>} : memref<64x256xf32, #tpu.memory_space<vmem>>, vector<16xf32>,
          %parallel_loop3A_381 = arith.index_cast %parallel_loop3A_377 : i32 to index
          %parallel_loop3A_382 = arith.constant 128 : index
          %parallel_loop3A_383 = tpu.vector_load %arg17[%parallel_loop3A_381, %parallel_loop3A_382] {strides = array<i32>} : memref<64x256xf32, #tpu.memory_space<vmem>>, vector<16xf32>,
          %parallel_loop3A_384 = arith.mulf %parallel_loop3A_380, %parallel_loop3A_380 : vector<16xf32>
          %parallel_loop3A_385 = arith.mulf %parallel_loop3A_383, %parallel_loop3A_383 : vector<16xf32>
          %parallel_loop3A_386 = arith.index_cast %parallel_loop3A_377 : i32 to index
          %parallel_loop3A_387 = arith.constant 16 : index
          %parallel_loop3A_388 = tpu.vector_load %arg17[%parallel_loop3A_386, %parallel_loop3A_387] {strides = array<i32>} : memref<64x256xf32, #tpu.memory_space<vmem>>, vector<16xf32>,
          %parallel_loop3A_389 = arith.index_cast %parallel_loop3A_377 : i32 to index
          %parallel_loop3A_390 = arith.constant 144 : index
          %parallel_loop3A_391 = tpu.vector_load %arg17[%parallel_loop3A_389, %parallel_loop3A_390] {strides = array<i32>} : memref<64x256xf32, #tpu.memory_space<vmem>>, vector<16xf32>,
          %parallel_loop3A_392 = arith.mulf %parallel_loop3A_388, %parallel_loop3A_388 : vector<16xf32>
          %parallel_loop3A_393 = arith.addf %parallel_loop3A_384, %parallel_loop3A_392 : vector<16xf32>
          %parallel_loop3A_394 = arith.mulf %parallel_loop3A_391, %parallel_loop3A_391 : vector<16xf32>
          %parallel_loop3A_395 = arith.addf %parallel_loop3A_385, %parallel_loop3A_394 : vector<16xf32>
          %parallel_loop3A_396 = arith.index_cast %parallel_loop3A_377 : i32 to index
          %parallel_loop3A_397 = arith.constant 32 : index
          %parallel_loop3A_398 = tpu.vector_load %arg17[%parallel_loop3A_396, %parallel_loop3A_397] {strides = array<i32>} : memref<64x256xf32, #tpu.memory_space<vmem>>, vector<16xf32>,
          %parallel_loop3A_399 = arith.index_cast %parallel_loop3A_377 : i32 to index
          %parallel_loop3A_400 = arith.constant 160 : index
          %parallel_loop3A_401 = tpu.vector_load %arg17[%parallel_loop3A_399, %parallel_loop3A_400] {strides = array<i32>} : memref<64x256xf32, #tpu.memory_space<vmem>>, vector<16xf32>,
          %parallel_loop3A_402 = arith.mulf %parallel_loop3A_398, %parallel_loop3A_398 : vector<16xf32>
          %parallel_loop3A_403 = arith.addf %parallel_loop3A_393, %parallel_loop3A_402 : vector<16xf32>
          %parallel_loop3A_404 = arith.mulf %parallel_loop3A_401, %parallel_loop3A_401 : vector<16xf32>
          %parallel_loop3A_405 = arith.addf %parallel_loop3A_395, %parallel_loop3A_404 : vector<16xf32>
          %parallel_loop3A_406 = arith.index_cast %parallel_loop3A_377 : i32 to index
          %parallel_loop3A_407 = arith.constant 48 : index
          %parallel_loop3A_408 = tpu.vector_load %arg17[%parallel_loop3A_406, %parallel_loop3A_407] {strides = array<i32>} : memref<64x256xf32, #tpu.memory_space<vmem>>, vector<16xf32>,
          %parallel_loop3A_409 = arith.index_cast %parallel_loop3A_377 : i32 to index
          %parallel_loop3A_410 = arith.constant 176 : index
          %parallel_loop3A_411 = tpu.vector_load %arg17[%parallel_loop3A_409, %parallel_loop3A_410] {strides = array<i32>} : memref<64x256xf32, #tpu.memory_space<vmem>>, vector<16xf32>,
          %parallel_loop3A_412 = arith.mulf %parallel_loop3A_408, %parallel_loop3A_408 : vector<16xf32>
          %parallel_loop3A_413 = arith.addf %parallel_loop3A_403, %parallel_loop3A_412 : vector<16xf32>
          %parallel_loop3A_414 = arith.mulf %parallel_loop3A_411, %parallel_loop3A_411 : vector<16xf32>
          %parallel_loop3A_415 = arith.addf %parallel_loop3A_405, %parallel_loop3A_414 : vector<16xf32>
          %parallel_loop3A_416 = arith.index_cast %parallel_loop3A_377 : i32 to index
          %parallel_loop3A_417 = arith.constant 64 : index
          %parallel_loop3A_418 = tpu.vector_load %arg17[%parallel_loop3A_416, %parallel_loop3A_417] {strides = array<i32>} : memref<64x256xf32, #tpu.memory_space<vmem>>, vector<16xf32>,
          %parallel_loop3A_419 = arith.index_cast %parallel_loop3A_377 : i32 to index
          %parallel_loop3A_420 = arith.constant 192 : index
          %parallel_loop3A_421 = tpu.vector_load %arg17[%parallel_loop3A_419, %parallel_loop3A_420] {strides = array<i32>} : memref<64x256xf32, #tpu.memory_space<vmem>>, vector<16xf32>,
          %parallel_loop3A_422 = arith.mulf %parallel_loop3A_418, %parallel_loop3A_418 : vector<16xf32>
          %parallel_loop3A_423 = arith.addf %parallel_loop3A_413, %parallel_loop3A_422 : vector<16xf32>
          %parallel_loop3A_424 = arith.mulf %parallel_loop3A_421, %parallel_loop3A_421 : vector<16xf32>
          %parallel_loop3A_425 = arith.addf %parallel_loop3A_415, %parallel_loop3A_424 : vector<16xf32>
          %parallel_loop3A_426 = arith.index_cast %parallel_loop3A_377 : i32 to index
          %parallel_loop3A_427 = arith.constant 80 : index
          %parallel_loop3A_428 = tpu.vector_load %arg17[%parallel_loop3A_426, %parallel_loop3A_427] {strides = array<i32>} : memref<64x256xf32, #tpu.memory_space<vmem>>, vector<16xf32>,
          %parallel_loop3A_429 = arith.index_cast %parallel_loop3A_377 : i32 to index
          %parallel_loop3A_430 = arith.constant 208 : index
          %parallel_loop3A_431 = tpu.vector_load %arg17[%parallel_loop3A_429, %parallel_loop3A_430] {strides = array<i32>} : memref<64x256xf32, #tpu.memory_space<vmem>>, vector<16xf32>,
          %parallel_loop3A_432 = arith.mulf %parallel_loop3A_428, %parallel_loop3A_428 : vector<16xf32>
          %parallel_loop3A_433 = arith.addf %parallel_loop3A_423, %parallel_loop3A_432 : vector<16xf32>
          %parallel_loop3A_434 = arith.mulf %parallel_loop3A_431, %parallel_loop3A_431 : vector<16xf32>
          %parallel_loop3A_435 = arith.addf %parallel_loop3A_425, %parallel_loop3A_434 : vector<16xf32>
          %parallel_loop3A_436 = arith.index_cast %parallel_loop3A_377 : i32 to index
          %parallel_loop3A_437 = arith.constant 96 : index
          %parallel_loop3A_438 = tpu.vector_load %arg17[%parallel_loop3A_436, %parallel_loop3A_437] {strides = array<i32>} : memref<64x256xf32, #tpu.memory_space<vmem>>, vector<16xf32>,
          %parallel_loop3A_439 = arith.index_cast %parallel_loop3A_377 : i32 to index
          %parallel_loop3A_440 = arith.constant 224 : index
          %parallel_loop3A_441 = tpu.vector_load %arg17[%parallel_loop3A_439, %parallel_loop3A_440] {strides = array<i32>} : memref<64x256xf32, #tpu.memory_space<vmem>>, vector<16xf32>,
          %parallel_loop3A_442 = arith.mulf %parallel_loop3A_438, %parallel_loop3A_438 : vector<16xf32>
          %parallel_loop3A_443 = arith.addf %parallel_loop3A_433, %parallel_loop3A_442 : vector<16xf32>
          %parallel_loop3A_444 = arith.mulf %parallel_loop3A_441, %parallel_loop3A_441 : vector<16xf32>
          %parallel_loop3A_445 = arith.addf %parallel_loop3A_435, %parallel_loop3A_444 : vector<16xf32>
          %parallel_loop3A_446 = arith.index_cast %parallel_loop3A_377 : i32 to index
          %parallel_loop3A_447 = arith.constant 112 : index
          %parallel_loop3A_448 = tpu.vector_load %arg17[%parallel_loop3A_446, %parallel_loop3A_447] {strides = array<i32>} : memref<64x256xf32, #tpu.memory_space<vmem>>, vector<16xf32>,
          %parallel_loop3A_449 = arith.index_cast %parallel_loop3A_377 : i32 to index
          %parallel_loop3A_450 = arith.constant 240 : index
          %parallel_loop3A_451 = tpu.vector_load %arg17[%parallel_loop3A_449, %parallel_loop3A_450] {strides = array<i32>} : memref<64x256xf32, #tpu.memory_space<vmem>>, vector<16xf32>,
          %parallel_loop3A_452 = arith.mulf %parallel_loop3A_448, %parallel_loop3A_448 : vector<16xf32>
          %parallel_loop3A_453 = arith.addf %parallel_loop3A_443, %parallel_loop3A_452 : vector<16xf32>
          %parallel_loop3A_454 = arith.mulf %parallel_loop3A_451, %parallel_loop3A_451 : vector<16xf32>
          %parallel_loop3A_455 = arith.addf %parallel_loop3A_445, %parallel_loop3A_454 : vector<16xf32>
          %parallel_loop3A_456 = vector.broadcast %parallel_loop3A_372 : i32 to vector<16xi32>
          %parallel_loop3A_457 = arith.cmpi eq, %iota3A, %parallel_loop3A_456 : vector<16xi32>
          %parallel_loop3A_458 = arith.constant true
          %parallel_loop3A_459 = vector.broadcast %parallel_loop3A_458 : i1 to vector<16xi1>
          %parallel_loop3A_460 = tpu.scan <sum>, %parallel_loop3A_453 masked %parallel_loop3A_459 : vector<16xf32>, vector<16xi1> -> vector<16xf32>
          %parallel_loop3A_461 = vector.extract %parallel_loop3A_460[15] : f32 from vector<16xf32>
          %parallel_loop3A_462 = vector.broadcast %parallel_loop3A_461 : f32 to vector<16xf32>
          %parallel_loop3A_463 = arith.select %parallel_loop3A_457, %parallel_loop3A_462, %parallel_loop3A_373 : vector<16xi1>, vector<16xf32>
          %parallel_loop3A_464 = vector.broadcast %parallel_loop3A_372 : i32 to vector<16xi32>
          %parallel_loop3A_465 = arith.cmpi eq, %iota3A, %parallel_loop3A_464 : vector<16xi32>
          %parallel_loop3A_466 = arith.constant true
          %parallel_loop3A_467 = vector.broadcast %parallel_loop3A_466 : i1 to vector<16xi1>
          %parallel_loop3A_468 = tpu.scan <sum>, %parallel_loop3A_455 masked %parallel_loop3A_467 : vector<16xf32>, vector<16xi1> -> vector<16xf32>
          %parallel_loop3A_469 = vector.extract %parallel_loop3A_468[15] : f32 from vector<16xf32>
          %parallel_loop3A_470 = vector.broadcast %parallel_loop3A_469 : f32 to vector<16xf32>
          %parallel_loop3A_471 = arith.select %parallel_loop3A_465, %parallel_loop3A_470, %parallel_loop3A_374 : vector<16xi1>, vector<16xf32>
          scf.yield %parallel_loop3A_463, %parallel_loop3A_471 : vector<16xf32>, vector<16xf32>
        } {sc.loop_unroll_factor = 2 : i64, sc.parallel_access}
        %bitcast3A_301 = vector.bitcast %parallel_loop3A_300#0 : vector<16xf32> to vector<16xi32>
        %shift_right_logical3A_302 = arith.constant 1 : i32
        %shift_right_logical3A_303 = vector.broadcast %shift_right_logical3A_302 : i32 to vector<16xi32>
        %shift_right_logical3A_304 = arith.shrui %bitcast3A_301, %shift_right_logical3A_303 : vector<16xi32>
        %sub3A_305 = arith.constant 1597463007 : i32
        %sub3A_306 = vector.broadcast %sub3A_305 : i32 to vector<16xi32>
        %sub3A_307 = arith.subi %sub3A_306, %shift_right_logical3A_304 : vector<16xi32>
        %bitcast3A_308 = vector.bitcast %sub3A_307 : vector<16xi32> to vector<16xf32>
        %mul3A_309 = arith.constant 5.000000e-01 : f32
        %mul3A_310 = vector.broadcast %mul3A_309 : f32 to vector<16xf32>
        %mul3A_311 = arith.mulf %mul3A_310, %parallel_loop3A_300#0 : vector<16xf32>
        %mul3A_312 = arith.mulf %mul3A_311, %bitcast3A_308 : vector<16xf32>
        %mul3A_313 = arith.mulf %mul3A_312, %bitcast3A_308 : vector<16xf32>
        %sub3A_314 = arith.constant 1.500000e+00 : f32
        %sub3A_315 = vector.broadcast %sub3A_314 : f32 to vector<16xf32>
        %sub3A_316 = arith.subf %sub3A_315, %mul3A_313 : vector<16xf32>
        %mul3A_317 = arith.mulf %bitcast3A_308, %sub3A_316 : vector<16xf32>
        %mul3A_318 = arith.constant 5.000000e-01 : f32
        %mul3A_319 = vector.broadcast %mul3A_318 : f32 to vector<16xf32>
        %mul3A_320 = arith.mulf %mul3A_319, %parallel_loop3A_300#0 : vector<16xf32>
        %mul3A_321 = arith.mulf %mul3A_320, %mul3A_317 : vector<16xf32>
        %mul3A_322 = arith.mulf %mul3A_321, %mul3A_317 : vector<16xf32>
        %sub3A_323 = arith.constant 1.500000e+00 : f32
        %sub3A_324 = vector.broadcast %sub3A_323 : f32 to vector<16xf32>
        %sub3A_325 = arith.subf %sub3A_324, %mul3A_322 : vector<16xf32>
        %mul3A_326 = arith.mulf %mul3A_317, %sub3A_325 : vector<16xf32>
        %bitcast3A_327 = vector.bitcast %parallel_loop3A_300#1 : vector<16xf32> to vector<16xi32>
        %shift_right_logical3A_328 = arith.constant 1 : i32
        %shift_right_logical3A_329 = vector.broadcast %shift_right_logical3A_328 : i32 to vector<16xi32>
        %shift_right_logical3A_330 = arith.shrui %bitcast3A_327, %shift_right_logical3A_329 : vector<16xi32>
        %sub3A_331 = arith.constant 1597463007 : i32
        %sub3A_332 = vector.broadcast %sub3A_331 : i32 to vector<16xi32>
        %sub3A_333 = arith.subi %sub3A_332, %shift_right_logical3A_330 : vector<16xi32>
        %bitcast3A_334 = vector.bitcast %sub3A_333 : vector<16xi32> to vector<16xf32>
        %mul3A_335 = arith.constant 5.000000e-01 : f32
        %mul3A_336 = vector.broadcast %mul3A_335 : f32 to vector<16xf32>
        %mul3A_337 = arith.mulf %mul3A_336, %parallel_loop3A_300#1 : vector<16xf32>
        %mul3A_338 = arith.mulf %mul3A_337, %bitcast3A_334 : vector<16xf32>
        %mul3A_339 = arith.mulf %mul3A_338, %bitcast3A_334 : vector<16xf32>
        %sub3A_340 = arith.constant 1.500000e+00 : f32
        %sub3A_341 = vector.broadcast %sub3A_340 : f32 to vector<16xf32>
        %sub3A_342 = arith.subf %sub3A_341, %mul3A_339 : vector<16xf32>
        %mul3A_343 = arith.mulf %bitcast3A_334, %sub3A_342 : vector<16xf32>
        %mul3A_344 = arith.constant 5.000000e-01 : f32
        %mul3A_345 = vector.broadcast %mul3A_344 : f32 to vector<16xf32>
        %mul3A_346 = arith.mulf %mul3A_345, %parallel_loop3A_300#1 : vector<16xf32>
        %mul3A_347 = arith.mulf %mul3A_346, %mul3A_343 : vector<16xf32>
        %mul3A_348 = arith.mulf %mul3A_347, %mul3A_343 : vector<16xf32>
        %sub3A_349 = arith.constant 1.500000e+00 : f32
        %sub3A_350 = vector.broadcast %sub3A_349 : f32 to vector<16xf32>
        %sub3A_351 = arith.subf %sub3A_350, %mul3A_348 : vector<16xf32>
        %mul3A_352 = arith.mulf %mul3A_343, %sub3A_351 : vector<16xf32>
        %parallel_loop3A_353 = arith.constant 0 : i32
        %parallel_loop3A_354 = arith.constant 16 : i32
        %parallel_loop3A_355 = arith.constant 1 : i32
        %parallel_loop3A_356 = scf.for %parallel_loop3A_372 = %parallel_loop3A_353 to %parallel_loop3A_354 step %parallel_loop3A_355 iter_args(%parallel_loop3A_373 = %broadcast_in_dim3A_3) -> (vector<16xf32>)  : i32 {
          %parallel_loop3A_374 = arith.constant 16 : i32
          %parallel_loop3A_375 = arith.muli %scan3A_224, %parallel_loop3A_374 : i32
          %parallel_loop3A_376 = arith.addi %parallel_loop3A_375, %parallel_loop3A_372 : i32
          %parallel_loop3A_377 = vector.broadcast %parallel_loop3A_372 : i32 to vector<16xi32>
          %parallel_loop3A_378 = arith.constant 0 : i32
          %parallel_loop3A_379 = vector.broadcast %parallel_loop3A_378 : i32 to vector<16xi32>
          %parallel_loop3A_380 = arith.cmpi slt, %parallel_loop3A_377, %parallel_loop3A_379 : vector<16xi32>
          %parallel_loop3A_381 = arith.constant 16 : i32
          %parallel_loop3A_382 = vector.broadcast %parallel_loop3A_381 : i32 to vector<16xi32>
          %parallel_loop3A_383 = arith.addi %parallel_loop3A_377, %parallel_loop3A_382 : vector<16xi32>
          %parallel_loop3A_384 = arith.select %parallel_loop3A_380, %parallel_loop3A_383, %parallel_loop3A_377 : vector<16xi1>, vector<16xi32>
          %parallel_loop3A_385 = vector.shape_cast %parallel_loop3A_384 : vector<16xi32> to vector<16x1xi32>
          %parallel_loop3A_386 = vector.shape_cast %parallel_loop3A_385 : vector<16x1xi32> to vector<16xi32>
          %parallel_loop3A_387 = tpu.dynamic_gather %mul3A_326[%parallel_loop3A_386] in [0] : vector<16xf32>, vector<16xi32> -> vector<16xf32>
          %parallel_loop3A_388 = arith.constant 0 : i32
          %parallel_loop3A_389 = vector.broadcast %parallel_loop3A_388 : i32 to vector<16xi32>
          %parallel_loop3A_390 = arith.cmpi slt, %parallel_loop3A_377, %parallel_loop3A_389 : vector<16xi32>
          %parallel_loop3A_391 = arith.constant 16 : i32
          %parallel_loop3A_392 = vector.broadcast %parallel_loop3A_391 : i32 to vector<16xi32>
          %parallel_loop3A_393 = arith.addi %parallel_loop3A_377, %parallel_loop3A_392 : vector<16xi32>
          %parallel_loop3A_394 = arith.select %parallel_loop3A_390, %parallel_loop3A_393, %parallel_loop3A_377 : vector<16xi1>, vector<16xi32>
          %parallel_loop3A_395 = vector.shape_cast %parallel_loop3A_394 : vector<16xi32> to vector<16x1xi32>
          %parallel_loop3A_396 = vector.shape_cast %parallel_loop3A_395 : vector<16x1xi32> to vector<16xi32>
          %parallel_loop3A_397 = tpu.dynamic_gather %mul3A_352[%parallel_loop3A_396] in [0] : vector<16xf32>, vector<16xi32> -> vector<16xf32>
          %parallel_loop3A_398 = arith.index_cast %parallel_loop3A_376 : i32 to index
          %parallel_loop3A_399 = arith.constant 0 : index
          %parallel_loop3A_400 = tpu.vector_load %arg17[%parallel_loop3A_398, %parallel_loop3A_399] {strides = array<i32>} : memref<64x256xf32, #tpu.memory_space<vmem>>, vector<16xf32>,
          %parallel_loop3A_401 = arith.index_cast %parallel_loop3A_376 : i32 to index
          %parallel_loop3A_402 = arith.constant 128 : index
          %parallel_loop3A_403 = tpu.vector_load %arg17[%parallel_loop3A_401, %parallel_loop3A_402] {strides = array<i32>} : memref<64x256xf32, #tpu.memory_space<vmem>>, vector<16xf32>,
          %parallel_loop3A_404 = arith.mulf %parallel_loop3A_400, %parallel_loop3A_387 : vector<16xf32>
          %parallel_loop3A_405 = arith.mulf %parallel_loop3A_404, %get3A_228 : vector<16xf32>
          %parallel_loop3A_406 = arith.mulf %parallel_loop3A_403, %parallel_loop3A_397 : vector<16xf32>
          %parallel_loop3A_407 = arith.mulf %parallel_loop3A_406, %get3A_252 : vector<16xf32>
          %parallel_loop3A_408 = arith.subf %parallel_loop3A_405, %parallel_loop3A_407 : vector<16xf32>
          %parallel_loop3A_409 = arith.addf %parallel_loop3A_408, %get3A_276 : vector<16xf32>
          %parallel_loop3A_410 = math.absf %parallel_loop3A_409 : vector<16xf32>
          %parallel_loop3A_411 = arith.index_cast %parallel_loop3A_376 : i32 to index
          %parallel_loop3A_412 = arith.constant 16 : index
          %parallel_loop3A_413 = tpu.vector_load %arg17[%parallel_loop3A_411, %parallel_loop3A_412] {strides = array<i32>} : memref<64x256xf32, #tpu.memory_space<vmem>>, vector<16xf32>,
          %parallel_loop3A_414 = arith.index_cast %parallel_loop3A_376 : i32 to index
          %parallel_loop3A_415 = arith.constant 144 : index
          %parallel_loop3A_416 = tpu.vector_load %arg17[%parallel_loop3A_414, %parallel_loop3A_415] {strides = array<i32>} : memref<64x256xf32, #tpu.memory_space<vmem>>, vector<16xf32>,
          %parallel_loop3A_417 = arith.mulf %parallel_loop3A_413, %parallel_loop3A_387 : vector<16xf32>
          %parallel_loop3A_418 = arith.mulf %parallel_loop3A_417, %get3A_231 : vector<16xf32>
          %parallel_loop3A_419 = arith.mulf %parallel_loop3A_416, %parallel_loop3A_397 : vector<16xf32>
          %parallel_loop3A_420 = arith.mulf %parallel_loop3A_419, %get3A_255 : vector<16xf32>
          %parallel_loop3A_421 = arith.subf %parallel_loop3A_418, %parallel_loop3A_420 : vector<16xf32>
          %parallel_loop3A_422 = arith.addf %parallel_loop3A_421, %get3A_279 : vector<16xf32>
          %parallel_loop3A_423 = math.absf %parallel_loop3A_422 : vector<16xf32>
          %parallel_loop3A_424 = arith.addf %parallel_loop3A_410, %parallel_loop3A_423 : vector<16xf32>
          %parallel_loop3A_425 = arith.index_cast %parallel_loop3A_376 : i32 to index
          %parallel_loop3A_426 = arith.constant 32 : index
          %parallel_loop3A_427 = tpu.vector_load %arg17[%parallel_loop3A_425, %parallel_loop3A_426] {strides = array<i32>} : memref<64x256xf32, #tpu.memory_space<vmem>>, vector<16xf32>,
          %parallel_loop3A_428 = arith.index_cast %parallel_loop3A_376 : i32 to index
          %parallel_loop3A_429 = arith.constant 160 : index
          %parallel_loop3A_430 = tpu.vector_load %arg17[%parallel_loop3A_428, %parallel_loop3A_429] {strides = array<i32>} : memref<64x256xf32, #tpu.memory_space<vmem>>, vector<16xf32>,
          %parallel_loop3A_431 = arith.mulf %parallel_loop3A_427, %parallel_loop3A_387 : vector<16xf32>
          %parallel_loop3A_432 = arith.mulf %parallel_loop3A_431, %get3A_234 : vector<16xf32>
          %parallel_loop3A_433 = arith.mulf %parallel_loop3A_430, %parallel_loop3A_397 : vector<16xf32>
          %parallel_loop3A_434 = arith.mulf %parallel_loop3A_433, %get3A_258 : vector<16xf32>
          %parallel_loop3A_435 = arith.subf %parallel_loop3A_432, %parallel_loop3A_434 : vector<16xf32>
          %parallel_loop3A_436 = arith.addf %parallel_loop3A_435, %get3A_282 : vector<16xf32>
          %parallel_loop3A_437 = math.absf %parallel_loop3A_436 : vector<16xf32>
          %parallel_loop3A_438 = arith.addf %parallel_loop3A_424, %parallel_loop3A_437 : vector<16xf32>
          %parallel_loop3A_439 = arith.index_cast %parallel_loop3A_376 : i32 to index
          %parallel_loop3A_440 = arith.constant 48 : index
          %parallel_loop3A_441 = tpu.vector_load %arg17[%parallel_loop3A_439, %parallel_loop3A_440] {strides = array<i32>} : memref<64x256xf32, #tpu.memory_space<vmem>>, vector<16xf32>,
          %parallel_loop3A_442 = arith.index_cast %parallel_loop3A_376 : i32 to index
          %parallel_loop3A_443 = arith.constant 176 : index
          %parallel_loop3A_444 = tpu.vector_load %arg17[%parallel_loop3A_442, %parallel_loop3A_443] {strides = array<i32>} : memref<64x256xf32, #tpu.memory_space<vmem>>, vector<16xf32>,
          %parallel_loop3A_445 = arith.mulf %parallel_loop3A_441, %parallel_loop3A_387 : vector<16xf32>
          %parallel_loop3A_446 = arith.mulf %parallel_loop3A_445, %get3A_237 : vector<16xf32>
          %parallel_loop3A_447 = arith.mulf %parallel_loop3A_444, %parallel_loop3A_397 : vector<16xf32>
          %parallel_loop3A_448 = arith.mulf %parallel_loop3A_447, %get3A_261 : vector<16xf32>
          %parallel_loop3A_449 = arith.subf %parallel_loop3A_446, %parallel_loop3A_448 : vector<16xf32>
          %parallel_loop3A_450 = arith.addf %parallel_loop3A_449, %get3A_285 : vector<16xf32>
          %parallel_loop3A_451 = math.absf %parallel_loop3A_450 : vector<16xf32>
          %parallel_loop3A_452 = arith.addf %parallel_loop3A_438, %parallel_loop3A_451 : vector<16xf32>
          %parallel_loop3A_453 = arith.index_cast %parallel_loop3A_376 : i32 to index
          %parallel_loop3A_454 = arith.constant 64 : index
          %parallel_loop3A_455 = tpu.vector_load %arg17[%parallel_loop3A_453, %parallel_loop3A_454] {strides = array<i32>} : memref<64x256xf32, #tpu.memory_space<vmem>>, vector<16xf32>,
          %parallel_loop3A_456 = arith.index_cast %parallel_loop3A_376 : i32 to index
          %parallel_loop3A_457 = arith.constant 192 : index
          %parallel_loop3A_458 = tpu.vector_load %arg17[%parallel_loop3A_456, %parallel_loop3A_457] {strides = array<i32>} : memref<64x256xf32, #tpu.memory_space<vmem>>, vector<16xf32>,
          %parallel_loop3A_459 = arith.mulf %parallel_loop3A_455, %parallel_loop3A_387 : vector<16xf32>
          %parallel_loop3A_460 = arith.mulf %parallel_loop3A_459, %get3A_240 : vector<16xf32>
          %parallel_loop3A_461 = arith.mulf %parallel_loop3A_458, %parallel_loop3A_397 : vector<16xf32>
          %parallel_loop3A_462 = arith.mulf %parallel_loop3A_461, %get3A_264 : vector<16xf32>
          %parallel_loop3A_463 = arith.subf %parallel_loop3A_460, %parallel_loop3A_462 : vector<16xf32>
          %parallel_loop3A_464 = arith.addf %parallel_loop3A_463, %get3A_288 : vector<16xf32>
          %parallel_loop3A_465 = math.absf %parallel_loop3A_464 : vector<16xf32>
          %parallel_loop3A_466 = arith.addf %parallel_loop3A_452, %parallel_loop3A_465 : vector<16xf32>
          %parallel_loop3A_467 = arith.index_cast %parallel_loop3A_376 : i32 to index
          %parallel_loop3A_468 = arith.constant 80 : index
          %parallel_loop3A_469 = tpu.vector_load %arg17[%parallel_loop3A_467, %parallel_loop3A_468] {strides = array<i32>} : memref<64x256xf32, #tpu.memory_space<vmem>>, vector<16xf32>,
          %parallel_loop3A_470 = arith.index_cast %parallel_loop3A_376 : i32 to index
          %parallel_loop3A_471 = arith.constant 208 : index
          %parallel_loop3A_472 = tpu.vector_load %arg17[%parallel_loop3A_470, %parallel_loop3A_471] {strides = array<i32>} : memref<64x256xf32, #tpu.memory_space<vmem>>, vector<16xf32>,
          %parallel_loop3A_473 = arith.mulf %parallel_loop3A_469, %parallel_loop3A_387 : vector<16xf32>
          %parallel_loop3A_474 = arith.mulf %parallel_loop3A_473, %get3A_243 : vector<16xf32>
          %parallel_loop3A_475 = arith.mulf %parallel_loop3A_472, %parallel_loop3A_397 : vector<16xf32>
          %parallel_loop3A_476 = arith.mulf %parallel_loop3A_475, %get3A_267 : vector<16xf32>
          %parallel_loop3A_477 = arith.subf %parallel_loop3A_474, %parallel_loop3A_476 : vector<16xf32>
          %parallel_loop3A_478 = arith.addf %parallel_loop3A_477, %get3A_291 : vector<16xf32>
          %parallel_loop3A_479 = math.absf %parallel_loop3A_478 : vector<16xf32>
          %parallel_loop3A_480 = arith.addf %parallel_loop3A_466, %parallel_loop3A_479 : vector<16xf32>
          %parallel_loop3A_481 = arith.index_cast %parallel_loop3A_376 : i32 to index
          %parallel_loop3A_482 = arith.constant 96 : index
          %parallel_loop3A_483 = tpu.vector_load %arg17[%parallel_loop3A_481, %parallel_loop3A_482] {strides = array<i32>} : memref<64x256xf32, #tpu.memory_space<vmem>>, vector<16xf32>,
          %parallel_loop3A_484 = arith.index_cast %parallel_loop3A_376 : i32 to index
          %parallel_loop3A_485 = arith.constant 224 : index
          %parallel_loop3A_486 = tpu.vector_load %arg17[%parallel_loop3A_484, %parallel_loop3A_485] {strides = array<i32>} : memref<64x256xf32, #tpu.memory_space<vmem>>, vector<16xf32>,
          %parallel_loop3A_487 = arith.mulf %parallel_loop3A_483, %parallel_loop3A_387 : vector<16xf32>
          %parallel_loop3A_488 = arith.mulf %parallel_loop3A_487, %get3A_246 : vector<16xf32>
          %parallel_loop3A_489 = arith.mulf %parallel_loop3A_486, %parallel_loop3A_397 : vector<16xf32>
          %parallel_loop3A_490 = arith.mulf %parallel_loop3A_489, %get3A_270 : vector<16xf32>
          %parallel_loop3A_491 = arith.subf %parallel_loop3A_488, %parallel_loop3A_490 : vector<16xf32>
          %parallel_loop3A_492 = arith.addf %parallel_loop3A_491, %get3A_294 : vector<16xf32>
          %parallel_loop3A_493 = math.absf %parallel_loop3A_492 : vector<16xf32>
          %parallel_loop3A_494 = arith.addf %parallel_loop3A_480, %parallel_loop3A_493 : vector<16xf32>
          %parallel_loop3A_495 = arith.index_cast %parallel_loop3A_376 : i32 to index
          %parallel_loop3A_496 = arith.constant 112 : index
          %parallel_loop3A_497 = tpu.vector_load %arg17[%parallel_loop3A_495, %parallel_loop3A_496] {strides = array<i32>} : memref<64x256xf32, #tpu.memory_space<vmem>>, vector<16xf32>,
          %parallel_loop3A_498 = arith.index_cast %parallel_loop3A_376 : i32 to index
          %parallel_loop3A_499 = arith.constant 240 : index
          %parallel_loop3A_500 = tpu.vector_load %arg17[%parallel_loop3A_498, %parallel_loop3A_499] {strides = array<i32>} : memref<64x256xf32, #tpu.memory_space<vmem>>, vector<16xf32>,
          %parallel_loop3A_501 = arith.mulf %parallel_loop3A_497, %parallel_loop3A_387 : vector<16xf32>
          %parallel_loop3A_502 = arith.mulf %parallel_loop3A_501, %get3A_249 : vector<16xf32>
          %parallel_loop3A_503 = arith.mulf %parallel_loop3A_500, %parallel_loop3A_397 : vector<16xf32>
          %parallel_loop3A_504 = arith.mulf %parallel_loop3A_503, %get3A_273 : vector<16xf32>
          %parallel_loop3A_505 = arith.subf %parallel_loop3A_502, %parallel_loop3A_504 : vector<16xf32>
          %parallel_loop3A_506 = arith.addf %parallel_loop3A_505, %get3A_297 : vector<16xf32>
          %parallel_loop3A_507 = math.absf %parallel_loop3A_506 : vector<16xf32>
          %parallel_loop3A_508 = arith.addf %parallel_loop3A_494, %parallel_loop3A_507 : vector<16xf32>
          %parallel_loop3A_509 = vector.broadcast %parallel_loop3A_372 : i32 to vector<16xi32>
          %parallel_loop3A_510 = arith.cmpi eq, %iota3A, %parallel_loop3A_509 : vector<16xi32>
          %parallel_loop3A_511 = arith.constant true
          %parallel_loop3A_512 = vector.broadcast %parallel_loop3A_511 : i1 to vector<16xi1>
          %parallel_loop3A_513 = tpu.scan <sum>, %parallel_loop3A_508 masked %parallel_loop3A_512 : vector<16xf32>, vector<16xi1> -> vector<16xf32>
          %parallel_loop3A_514 = vector.extract %parallel_loop3A_513[15] : f32 from vector<16xf32>
          %parallel_loop3A_515 = arith.constant 1.200000e+01 : f32
          %parallel_loop3A_516 = arith.subf %parallel_loop3A_515, %parallel_loop3A_514 : f32
          %parallel_loop3A_517 = vector.broadcast %parallel_loop3A_516 : f32 to vector<16xf32>
          %parallel_loop3A_518 = arith.select %parallel_loop3A_510, %parallel_loop3A_517, %parallel_loop3A_373 : vector<16xi1>, vector<16xf32>
          scf.yield %parallel_loop3A_518 : vector<16xf32>
        } {sc.loop_unroll_factor = 2 : i64, sc.parallel_access}
        %mul3A_357 = arith.constant 200 : i32
        %mul3A_358 = arith.muli %scan3A_225, %mul3A_357 : i32
        %mul3A_359 = arith.constant 16 : i32
        %mul3A_360 = arith.muli %scan3A_226, %mul3A_359 : i32
        %add3A_361 = arith.addi %mul3A_358, %mul3A_360 : i32
        %multiple_of3A_362 = tpu.assume_multiple %add3A_361, 8 : i32
        %swap3A = arith.index_cast %multiple_of3A_362 : i32 to index
        %swap3A_363 = tpu.vector_load %arg16[%swap3A] {strides = array<i32>} : memref<6656xf32, #tpu.memory_space<vmem>>, vector<16xf32>,
        tpu.vector_store %arg16[%swap3A], %parallel_loop3A_356 {strides = array<i32>} : memref<6656xf32, #tpu.memory_space<vmem>>, vector<16xf32>,
        %add3A_364 = arith.constant 1 : i32
        %add3A_365 = arith.addi %scan3A_226, %add3A_364 : i32
        %ge3A = arith.constant 13 : i32
        %ge3A_366 = arith.cmpi sge, %add3A_365, %ge3A : i32
        %convert_element_type3A_367 = arith.extui %ge3A_366 : i1 to i32
        %add3A_368 = arith.addi %scan3A_225, %convert_element_type3A_367 : i32
        %sub3A_369 = arith.constant 1 : i32
        %sub3A_370 = arith.subi %sub3A_369, %convert_element_type3A_367 : i32
        %mul3A_371 = arith.muli %add3A_365, %sub3A_370 : i32
        scf.yield %add3A_368, %mul3A_371 : i32, i32
      }
      %scan3A_195 = arith.constant 4 : i32
      %add3A_196 = arith.constant 2 : i32
      %add3A_197 = arith.addi %add3A_182, %add3A_196 : i32
      %lt3A = arith.constant 104 : i32
      %lt3A_198 = arith.cmpi slt, %add3A_197, %lt3A : i32
      %convert_element_type3A = arith.extui %lt3A_198 : i1 to i32
      %cond3A = arith.constant 0 : i32
      %cond3A_199 = arith.cmpi ne, %convert_element_type3A, %cond3A : i32
      scf.if %cond3A_199 {
        %mul3A_224 = arith.constant 64 : i32
        %mul3A_225 = arith.muli %add3A_197, %mul3A_224 : i32
        %multiple_of3A_226 = tpu.assume_multiple %mul3A_225, 64 : i32
        %dma_start3A_227 = tpu.memref_slice %arg15[%multiple_of3A_226] : memref<6656xi32, #tpu.memory_space<vmem>> -> memref<64xi32, #tpu.memory_space<vmem>>
        %dma_start3A_228 = arith.constant 0 : i32
        %dma_start3A_229 = arith.constant 0 : i32
        %dma_start3A_230 = tpu.memref_slice %arg2[%dma_start3A_228, %dma_start3A_229] : memref<100000x256xf32, #tpu.memory_space<hbm>> -> memref<100000x256xf32, #tpu.memory_space<hbm>>
        tpu.enqueue_indirect_dma source(%dma_start3A_230 : memref<100000x256xf32, #tpu.memory_space<hbm>>) target(%arg17 : memref<64x256xf32, #tpu.memory_space<vmem>>) offsets(%dma_start3A_227 : memref<64xi32, #tpu.memory_space<vmem>>) semaphore(%arg19 : memref<!tpu.dma_semaphore, #tpu.memory_space<semaphore_mem>>)
      } else {
      }
      %mul3A_200 = arith.constant 2 : i32
      %mul3A_201 = arith.muli %scan3A_176, %mul3A_200 : i32
      %add3A_202 = arith.constant 1 : i32
      %add3A_203 = arith.addi %mul3A_201, %add3A_202 : i32
      %mul3A_204 = arith.constant 64 : i32
      %mul3A_205 = arith.muli %add3A_203, %mul3A_204 : i32
      %multiple_of3A_206 = tpu.assume_multiple %mul3A_205, 64 : i32
      %dma_wait3A_207 = tpu.memref_slice %arg15[%multiple_of3A_206] : memref<6656xi32, #tpu.memory_space<vmem>> -> memref<64xi32, #tpu.memory_space<vmem>>
      %dma_wait3A_208 = arith.constant 0 : i32
      %dma_wait3A_209 = arith.constant 0 : i32
      %dma_wait3A_210 = tpu.memref_slice %arg2[%dma_wait3A_208, %dma_wait3A_209] : memref<100000x256xf32, #tpu.memory_space<hbm>> -> memref<100000x256xf32, #tpu.memory_space<hbm>>
      tpu.wait_indirect_dma semaphore(%arg20 : memref<!tpu.dma_semaphore, #tpu.memory_space<semaphore_mem>>) src(%dma_wait3A_210 : memref<100000x256xf32, #tpu.memory_space<hbm>>) dst(%arg18 : memref<64x256xf32, #tpu.memory_space<vmem>>)
      %scan3A_211 = arith.constant 0 : i32
      %scan3A_212 = arith.constant 4 : i32
      %scan3A_213 = arith.addi %scan3A_211, %scan3A_212 : i32
      %scan3A_214 = arith.constant 1 : i32
      %scan3A_215:2 = scf.for %scan3A_224 = %scan3A_211 to %scan3A_213 step %scan3A_214 iter_args(%scan3A_225 = %scan3A_194#0, %scan3A_226 = %scan3A_194#1) -> (i32, i32)  : i32 {
        %get3A = arith.index_cast %scan3A_225 : i32 to index
        %get3A_227 = arith.constant 0 : index
        %get3A_228 = tpu.vector_load %arg12[%get3A, %get3A_227] {strides = array<i32>} : memref<32x128xf32, #tpu.memory_space<vmem>>, vector<16xf32>,
        %get3A_229 = arith.index_cast %scan3A_225 : i32 to index
        %get3A_230 = arith.constant 16 : index
        %get3A_231 = tpu.vector_load %arg12[%get3A_229, %get3A_230] {strides = array<i32>} : memref<32x128xf32, #tpu.memory_space<vmem>>, vector<16xf32>,
        %get3A_232 = arith.index_cast %scan3A_225 : i32 to index
        %get3A_233 = arith.constant 32 : index
        %get3A_234 = tpu.vector_load %arg12[%get3A_232, %get3A_233] {strides = array<i32>} : memref<32x128xf32, #tpu.memory_space<vmem>>, vector<16xf32>,
        %get3A_235 = arith.index_cast %scan3A_225 : i32 to index
        %get3A_236 = arith.constant 48 : index
        %get3A_237 = tpu.vector_load %arg12[%get3A_235, %get3A_236] {strides = array<i32>} : memref<32x128xf32, #tpu.memory_space<vmem>>, vector<16xf32>,
        %get3A_238 = arith.index_cast %scan3A_225 : i32 to index
        %get3A_239 = arith.constant 64 : index
        %get3A_240 = tpu.vector_load %arg12[%get3A_238, %get3A_239] {strides = array<i32>} : memref<32x128xf32, #tpu.memory_space<vmem>>, vector<16xf32>,
        %get3A_241 = arith.index_cast %scan3A_225 : i32 to index
        %get3A_242 = arith.constant 80 : index
        %get3A_243 = tpu.vector_load %arg12[%get3A_241, %get3A_242] {strides = array<i32>} : memref<32x128xf32, #tpu.memory_space<vmem>>, vector<16xf32>,
        %get3A_244 = arith.index_cast %scan3A_225 : i32 to index
        %get3A_245 = arith.constant 96 : index
        %get3A_246 = tpu.vector_load %arg12[%get3A_244, %get3A_245] {strides = array<i32>} : memref<32x128xf32, #tpu.memory_space<vmem>>, vector<16xf32>,
        %get3A_247 = arith.index_cast %scan3A_225 : i32 to index
        %get3A_248 = arith.constant 112 : index
        %get3A_249 = tpu.vector_load %arg12[%get3A_247, %get3A_248] {strides = array<i32>} : memref<32x128xf32, #tpu.memory_space<vmem>>, vector<16xf32>,
        %get3A_250 = arith.index_cast %scan3A_225 : i32 to index
        %get3A_251 = arith.constant 0 : index
        %get3A_252 = tpu.vector_load %arg13[%get3A_250, %get3A_251] {strides = array<i32>} : memref<32x128xf32, #tpu.memory_space<vmem>>, vector<16xf32>,
        %get3A_253 = arith.index_cast %scan3A_225 : i32 to index
        %get3A_254 = arith.constant 16 : index
        %get3A_255 = tpu.vector_load %arg13[%get3A_253, %get3A_254] {strides = array<i32>} : memref<32x128xf32, #tpu.memory_space<vmem>>, vector<16xf32>,
        %get3A_256 = arith.index_cast %scan3A_225 : i32 to index
        %get3A_257 = arith.constant 32 : index
        %get3A_258 = tpu.vector_load %arg13[%get3A_256, %get3A_257] {strides = array<i32>} : memref<32x128xf32, #tpu.memory_space<vmem>>, vector<16xf32>,
        %get3A_259 = arith.index_cast %scan3A_225 : i32 to index
        %get3A_260 = arith.constant 48 : index
        %get3A_261 = tpu.vector_load %arg13[%get3A_259, %get3A_260] {strides = array<i32>} : memref<32x128xf32, #tpu.memory_space<vmem>>, vector<16xf32>,
        %get3A_262 = arith.index_cast %scan3A_225 : i32 to index
        %get3A_263 = arith.constant 64 : index
        %get3A_264 = tpu.vector_load %arg13[%get3A_262, %get3A_263] {strides = array<i32>} : memref<32x128xf32, #tpu.memory_space<vmem>>, vector<16xf32>,
        %get3A_265 = arith.index_cast %scan3A_225 : i32 to index
        %get3A_266 = arith.constant 80 : index
        %get3A_267 = tpu.vector_load %arg13[%get3A_265, %get3A_266] {strides = array<i32>} : memref<32x128xf32, #tpu.memory_space<vmem>>, vector<16xf32>,
        %get3A_268 = arith.index_cast %scan3A_225 : i32 to index
        %get3A_269 = arith.constant 96 : index
        %get3A_270 = tpu.vector_load %arg13[%get3A_268, %get3A_269] {strides = array<i32>} : memref<32x128xf32, #tpu.memory_space<vmem>>, vector<16xf32>,
        %get3A_271 = arith.index_cast %scan3A_225 : i32 to index
        %get3A_272 = arith.constant 112 : index
        %get3A_273 = tpu.vector_load %arg13[%get3A_271, %get3A_272] {strides = array<i32>} : memref<32x128xf32, #tpu.memory_space<vmem>>, vector<16xf32>,
        %get3A_274 = arith.index_cast %scan3A_225 : i32 to index
        %get3A_275 = arith.constant 0 : index
        %get3A_276 = tpu.vector_load %arg14[%get3A_274, %get3A_275] {strides = array<i32>} : memref<32x128xf32, #tpu.memory_space<vmem>>, vector<16xf32>,
        %get3A_277 = arith.index_cast %scan3A_225 : i32 to index
        %get3A_278 = arith.constant 16 : index
        %get3A_279 = tpu.vector_load %arg14[%get3A_277, %get3A_278] {strides = array<i32>} : memref<32x128xf32, #tpu.memory_space<vmem>>, vector<16xf32>,
        %get3A_280 = arith.index_cast %scan3A_225 : i32 to index
        %get3A_281 = arith.constant 32 : index
        %get3A_282 = tpu.vector_load %arg14[%get3A_280, %get3A_281] {strides = array<i32>} : memref<32x128xf32, #tpu.memory_space<vmem>>, vector<16xf32>,
        %get3A_283 = arith.index_cast %scan3A_225 : i32 to index
        %get3A_284 = arith.constant 48 : index
        %get3A_285 = tpu.vector_load %arg14[%get3A_283, %get3A_284] {strides = array<i32>} : memref<32x128xf32, #tpu.memory_space<vmem>>, vector<16xf32>,
        %get3A_286 = arith.index_cast %scan3A_225 : i32 to index
        %get3A_287 = arith.constant 64 : index
        %get3A_288 = tpu.vector_load %arg14[%get3A_286, %get3A_287] {strides = array<i32>} : memref<32x128xf32, #tpu.memory_space<vmem>>, vector<16xf32>,
        %get3A_289 = arith.index_cast %scan3A_225 : i32 to index
        %get3A_290 = arith.constant 80 : index
        %get3A_291 = tpu.vector_load %arg14[%get3A_289, %get3A_290] {strides = array<i32>} : memref<32x128xf32, #tpu.memory_space<vmem>>, vector<16xf32>,
        %get3A_292 = arith.index_cast %scan3A_225 : i32 to index
        %get3A_293 = arith.constant 96 : index
        %get3A_294 = tpu.vector_load %arg14[%get3A_292, %get3A_293] {strides = array<i32>} : memref<32x128xf32, #tpu.memory_space<vmem>>, vector<16xf32>,
        %get3A_295 = arith.index_cast %scan3A_225 : i32 to index
        %get3A_296 = arith.constant 112 : index
        %get3A_297 = tpu.vector_load %arg14[%get3A_295, %get3A_296] {strides = array<i32>} : memref<32x128xf32, #tpu.memory_space<vmem>>, vector<16xf32>,
        %parallel_loop3A = arith.constant 0 : i32
        %parallel_loop3A_298 = arith.constant 16 : i32
        %parallel_loop3A_299 = arith.constant 1 : i32
        %parallel_loop3A_300:2 = scf.for %parallel_loop3A_372 = %parallel_loop3A to %parallel_loop3A_298 step %parallel_loop3A_299 iter_args(%parallel_loop3A_373 = %broadcast_in_dim3A_3, %parallel_loop3A_374 = %broadcast_in_dim3A_3) -> (vector<16xf32>, vector<16xf32>)  : i32 {
          %parallel_loop3A_375 = arith.constant 16 : i32
          %parallel_loop3A_376 = arith.muli %scan3A_224, %parallel_loop3A_375 : i32
          %parallel_loop3A_377 = arith.addi %parallel_loop3A_376, %parallel_loop3A_372 : i32
          %parallel_loop3A_378 = arith.index_cast %parallel_loop3A_377 : i32 to index
          %parallel_loop3A_379 = arith.constant 0 : index
          %parallel_loop3A_380 = tpu.vector_load %arg18[%parallel_loop3A_378, %parallel_loop3A_379] {strides = array<i32>} : memref<64x256xf32, #tpu.memory_space<vmem>>, vector<16xf32>,
          %parallel_loop3A_381 = arith.index_cast %parallel_loop3A_377 : i32 to index
          %parallel_loop3A_382 = arith.constant 128 : index
          %parallel_loop3A_383 = tpu.vector_load %arg18[%parallel_loop3A_381, %parallel_loop3A_382] {strides = array<i32>} : memref<64x256xf32, #tpu.memory_space<vmem>>, vector<16xf32>,
          %parallel_loop3A_384 = arith.mulf %parallel_loop3A_380, %parallel_loop3A_380 : vector<16xf32>
          %parallel_loop3A_385 = arith.mulf %parallel_loop3A_383, %parallel_loop3A_383 : vector<16xf32>
          %parallel_loop3A_386 = arith.index_cast %parallel_loop3A_377 : i32 to index
          %parallel_loop3A_387 = arith.constant 16 : index
          %parallel_loop3A_388 = tpu.vector_load %arg18[%parallel_loop3A_386, %parallel_loop3A_387] {strides = array<i32>} : memref<64x256xf32, #tpu.memory_space<vmem>>, vector<16xf32>,
          %parallel_loop3A_389 = arith.index_cast %parallel_loop3A_377 : i32 to index
          %parallel_loop3A_390 = arith.constant 144 : index
          %parallel_loop3A_391 = tpu.vector_load %arg18[%parallel_loop3A_389, %parallel_loop3A_390] {strides = array<i32>} : memref<64x256xf32, #tpu.memory_space<vmem>>, vector<16xf32>,
          %parallel_loop3A_392 = arith.mulf %parallel_loop3A_388, %parallel_loop3A_388 : vector<16xf32>
          %parallel_loop3A_393 = arith.addf %parallel_loop3A_384, %parallel_loop3A_392 : vector<16xf32>
          %parallel_loop3A_394 = arith.mulf %parallel_loop3A_391, %parallel_loop3A_391 : vector<16xf32>
          %parallel_loop3A_395 = arith.addf %parallel_loop3A_385, %parallel_loop3A_394 : vector<16xf32>
          %parallel_loop3A_396 = arith.index_cast %parallel_loop3A_377 : i32 to index
          %parallel_loop3A_397 = arith.constant 32 : index
          %parallel_loop3A_398 = tpu.vector_load %arg18[%parallel_loop3A_396, %parallel_loop3A_397] {strides = array<i32>} : memref<64x256xf32, #tpu.memory_space<vmem>>, vector<16xf32>,
          %parallel_loop3A_399 = arith.index_cast %parallel_loop3A_377 : i32 to index
          %parallel_loop3A_400 = arith.constant 160 : index
          %parallel_loop3A_401 = tpu.vector_load %arg18[%parallel_loop3A_399, %parallel_loop3A_400] {strides = array<i32>} : memref<64x256xf32, #tpu.memory_space<vmem>>, vector<16xf32>,
          %parallel_loop3A_402 = arith.mulf %parallel_loop3A_398, %parallel_loop3A_398 : vector<16xf32>
          %parallel_loop3A_403 = arith.addf %parallel_loop3A_393, %parallel_loop3A_402 : vector<16xf32>
          %parallel_loop3A_404 = arith.mulf %parallel_loop3A_401, %parallel_loop3A_401 : vector<16xf32>
          %parallel_loop3A_405 = arith.addf %parallel_loop3A_395, %parallel_loop3A_404 : vector<16xf32>
          %parallel_loop3A_406 = arith.index_cast %parallel_loop3A_377 : i32 to index
          %parallel_loop3A_407 = arith.constant 48 : index
          %parallel_loop3A_408 = tpu.vector_load %arg18[%parallel_loop3A_406, %parallel_loop3A_407] {strides = array<i32>} : memref<64x256xf32, #tpu.memory_space<vmem>>, vector<16xf32>,
          %parallel_loop3A_409 = arith.index_cast %parallel_loop3A_377 : i32 to index
          %parallel_loop3A_410 = arith.constant 176 : index
          %parallel_loop3A_411 = tpu.vector_load %arg18[%parallel_loop3A_409, %parallel_loop3A_410] {strides = array<i32>} : memref<64x256xf32, #tpu.memory_space<vmem>>, vector<16xf32>,
          %parallel_loop3A_412 = arith.mulf %parallel_loop3A_408, %parallel_loop3A_408 : vector<16xf32>
          %parallel_loop3A_413 = arith.addf %parallel_loop3A_403, %parallel_loop3A_412 : vector<16xf32>
          %parallel_loop3A_414 = arith.mulf %parallel_loop3A_411, %parallel_loop3A_411 : vector<16xf32>
          %parallel_loop3A_415 = arith.addf %parallel_loop3A_405, %parallel_loop3A_414 : vector<16xf32>
          %parallel_loop3A_416 = arith.index_cast %parallel_loop3A_377 : i32 to index
          %parallel_loop3A_417 = arith.constant 64 : index
          %parallel_loop3A_418 = tpu.vector_load %arg18[%parallel_loop3A_416, %parallel_loop3A_417] {strides = array<i32>} : memref<64x256xf32, #tpu.memory_space<vmem>>, vector<16xf32>,
          %parallel_loop3A_419 = arith.index_cast %parallel_loop3A_377 : i32 to index
          %parallel_loop3A_420 = arith.constant 192 : index
          %parallel_loop3A_421 = tpu.vector_load %arg18[%parallel_loop3A_419, %parallel_loop3A_420] {strides = array<i32>} : memref<64x256xf32, #tpu.memory_space<vmem>>, vector<16xf32>,
          %parallel_loop3A_422 = arith.mulf %parallel_loop3A_418, %parallel_loop3A_418 : vector<16xf32>
          %parallel_loop3A_423 = arith.addf %parallel_loop3A_413, %parallel_loop3A_422 : vector<16xf32>
          %parallel_loop3A_424 = arith.mulf %parallel_loop3A_421, %parallel_loop3A_421 : vector<16xf32>
          %parallel_loop3A_425 = arith.addf %parallel_loop3A_415, %parallel_loop3A_424 : vector<16xf32>
          %parallel_loop3A_426 = arith.index_cast %parallel_loop3A_377 : i32 to index
          %parallel_loop3A_427 = arith.constant 80 : index
          %parallel_loop3A_428 = tpu.vector_load %arg18[%parallel_loop3A_426, %parallel_loop3A_427] {strides = array<i32>} : memref<64x256xf32, #tpu.memory_space<vmem>>, vector<16xf32>,
          %parallel_loop3A_429 = arith.index_cast %parallel_loop3A_377 : i32 to index
          %parallel_loop3A_430 = arith.constant 208 : index
          %parallel_loop3A_431 = tpu.vector_load %arg18[%parallel_loop3A_429, %parallel_loop3A_430] {strides = array<i32>} : memref<64x256xf32, #tpu.memory_space<vmem>>, vector<16xf32>,
          %parallel_loop3A_432 = arith.mulf %parallel_loop3A_428, %parallel_loop3A_428 : vector<16xf32>
          %parallel_loop3A_433 = arith.addf %parallel_loop3A_423, %parallel_loop3A_432 : vector<16xf32>
          %parallel_loop3A_434 = arith.mulf %parallel_loop3A_431, %parallel_loop3A_431 : vector<16xf32>
          %parallel_loop3A_435 = arith.addf %parallel_loop3A_425, %parallel_loop3A_434 : vector<16xf32>
          %parallel_loop3A_436 = arith.index_cast %parallel_loop3A_377 : i32 to index
          %parallel_loop3A_437 = arith.constant 96 : index
          %parallel_loop3A_438 = tpu.vector_load %arg18[%parallel_loop3A_436, %parallel_loop3A_437] {strides = array<i32>} : memref<64x256xf32, #tpu.memory_space<vmem>>, vector<16xf32>,
          %parallel_loop3A_439 = arith.index_cast %parallel_loop3A_377 : i32 to index
          %parallel_loop3A_440 = arith.constant 224 : index
          %parallel_loop3A_441 = tpu.vector_load %arg18[%parallel_loop3A_439, %parallel_loop3A_440] {strides = array<i32>} : memref<64x256xf32, #tpu.memory_space<vmem>>, vector<16xf32>,
          %parallel_loop3A_442 = arith.mulf %parallel_loop3A_438, %parallel_loop3A_438 : vector<16xf32>
          %parallel_loop3A_443 = arith.addf %parallel_loop3A_433, %parallel_loop3A_442 : vector<16xf32>
          %parallel_loop3A_444 = arith.mulf %parallel_loop3A_441, %parallel_loop3A_441 : vector<16xf32>
          %parallel_loop3A_445 = arith.addf %parallel_loop3A_435, %parallel_loop3A_444 : vector<16xf32>
          %parallel_loop3A_446 = arith.index_cast %parallel_loop3A_377 : i32 to index
          %parallel_loop3A_447 = arith.constant 112 : index
          %parallel_loop3A_448 = tpu.vector_load %arg18[%parallel_loop3A_446, %parallel_loop3A_447] {strides = array<i32>} : memref<64x256xf32, #tpu.memory_space<vmem>>, vector<16xf32>,
          %parallel_loop3A_449 = arith.index_cast %parallel_loop3A_377 : i32 to index
          %parallel_loop3A_450 = arith.constant 240 : index
          %parallel_loop3A_451 = tpu.vector_load %arg18[%parallel_loop3A_449, %parallel_loop3A_450] {strides = array<i32>} : memref<64x256xf32, #tpu.memory_space<vmem>>, vector<16xf32>,
          %parallel_loop3A_452 = arith.mulf %parallel_loop3A_448, %parallel_loop3A_448 : vector<16xf32>
          %parallel_loop3A_453 = arith.addf %parallel_loop3A_443, %parallel_loop3A_452 : vector<16xf32>
          %parallel_loop3A_454 = arith.mulf %parallel_loop3A_451, %parallel_loop3A_451 : vector<16xf32>
          %parallel_loop3A_455 = arith.addf %parallel_loop3A_445, %parallel_loop3A_454 : vector<16xf32>
          %parallel_loop3A_456 = vector.broadcast %parallel_loop3A_372 : i32 to vector<16xi32>
          %parallel_loop3A_457 = arith.cmpi eq, %iota3A, %parallel_loop3A_456 : vector<16xi32>
          %parallel_loop3A_458 = arith.constant true
          %parallel_loop3A_459 = vector.broadcast %parallel_loop3A_458 : i1 to vector<16xi1>
          %parallel_loop3A_460 = tpu.scan <sum>, %parallel_loop3A_453 masked %parallel_loop3A_459 : vector<16xf32>, vector<16xi1> -> vector<16xf32>
          %parallel_loop3A_461 = vector.extract %parallel_loop3A_460[15] : f32 from vector<16xf32>
          %parallel_loop3A_462 = vector.broadcast %parallel_loop3A_461 : f32 to vector<16xf32>
          %parallel_loop3A_463 = arith.select %parallel_loop3A_457, %parallel_loop3A_462, %parallel_loop3A_373 : vector<16xi1>, vector<16xf32>
          %parallel_loop3A_464 = vector.broadcast %parallel_loop3A_372 : i32 to vector<16xi32>
          %parallel_loop3A_465 = arith.cmpi eq, %iota3A, %parallel_loop3A_464 : vector<16xi32>
          %parallel_loop3A_466 = arith.constant true
          %parallel_loop3A_467 = vector.broadcast %parallel_loop3A_466 : i1 to vector<16xi1>
          %parallel_loop3A_468 = tpu.scan <sum>, %parallel_loop3A_455 masked %parallel_loop3A_467 : vector<16xf32>, vector<16xi1> -> vector<16xf32>
          %parallel_loop3A_469 = vector.extract %parallel_loop3A_468[15] : f32 from vector<16xf32>
          %parallel_loop3A_470 = vector.broadcast %parallel_loop3A_469 : f32 to vector<16xf32>
          %parallel_loop3A_471 = arith.select %parallel_loop3A_465, %parallel_loop3A_470, %parallel_loop3A_374 : vector<16xi1>, vector<16xf32>
          scf.yield %parallel_loop3A_463, %parallel_loop3A_471 : vector<16xf32>, vector<16xf32>
        } {sc.loop_unroll_factor = 2 : i64, sc.parallel_access}
        %bitcast3A_301 = vector.bitcast %parallel_loop3A_300#0 : vector<16xf32> to vector<16xi32>
        %shift_right_logical3A_302 = arith.constant 1 : i32
        %shift_right_logical3A_303 = vector.broadcast %shift_right_logical3A_302 : i32 to vector<16xi32>
        %shift_right_logical3A_304 = arith.shrui %bitcast3A_301, %shift_right_logical3A_303 : vector<16xi32>
        %sub3A_305 = arith.constant 1597463007 : i32
        %sub3A_306 = vector.broadcast %sub3A_305 : i32 to vector<16xi32>
        %sub3A_307 = arith.subi %sub3A_306, %shift_right_logical3A_304 : vector<16xi32>
        %bitcast3A_308 = vector.bitcast %sub3A_307 : vector<16xi32> to vector<16xf32>
        %mul3A_309 = arith.constant 5.000000e-01 : f32
        %mul3A_310 = vector.broadcast %mul3A_309 : f32 to vector<16xf32>
        %mul3A_311 = arith.mulf %mul3A_310, %parallel_loop3A_300#0 : vector<16xf32>
        %mul3A_312 = arith.mulf %mul3A_311, %bitcast3A_308 : vector<16xf32>
        %mul3A_313 = arith.mulf %mul3A_312, %bitcast3A_308 : vector<16xf32>
        %sub3A_314 = arith.constant 1.500000e+00 : f32
        %sub3A_315 = vector.broadcast %sub3A_314 : f32 to vector<16xf32>
        %sub3A_316 = arith.subf %sub3A_315, %mul3A_313 : vector<16xf32>
        %mul3A_317 = arith.mulf %bitcast3A_308, %sub3A_316 : vector<16xf32>
        %mul3A_318 = arith.constant 5.000000e-01 : f32
        %mul3A_319 = vector.broadcast %mul3A_318 : f32 to vector<16xf32>
        %mul3A_320 = arith.mulf %mul3A_319, %parallel_loop3A_300#0 : vector<16xf32>
        %mul3A_321 = arith.mulf %mul3A_320, %mul3A_317 : vector<16xf32>
        %mul3A_322 = arith.mulf %mul3A_321, %mul3A_317 : vector<16xf32>
        %sub3A_323 = arith.constant 1.500000e+00 : f32
        %sub3A_324 = vector.broadcast %sub3A_323 : f32 to vector<16xf32>
        %sub3A_325 = arith.subf %sub3A_324, %mul3A_322 : vector<16xf32>
        %mul3A_326 = arith.mulf %mul3A_317, %sub3A_325 : vector<16xf32>
        %bitcast3A_327 = vector.bitcast %parallel_loop3A_300#1 : vector<16xf32> to vector<16xi32>
        %shift_right_logical3A_328 = arith.constant 1 : i32
        %shift_right_logical3A_329 = vector.broadcast %shift_right_logical3A_328 : i32 to vector<16xi32>
        %shift_right_logical3A_330 = arith.shrui %bitcast3A_327, %shift_right_logical3A_329 : vector<16xi32>
        %sub3A_331 = arith.constant 1597463007 : i32
        %sub3A_332 = vector.broadcast %sub3A_331 : i32 to vector<16xi32>
        %sub3A_333 = arith.subi %sub3A_332, %shift_right_logical3A_330 : vector<16xi32>
        %bitcast3A_334 = vector.bitcast %sub3A_333 : vector<16xi32> to vector<16xf32>
        %mul3A_335 = arith.constant 5.000000e-01 : f32
        %mul3A_336 = vector.broadcast %mul3A_335 : f32 to vector<16xf32>
        %mul3A_337 = arith.mulf %mul3A_336, %parallel_loop3A_300#1 : vector<16xf32>
        %mul3A_338 = arith.mulf %mul3A_337, %bitcast3A_334 : vector<16xf32>
        %mul3A_339 = arith.mulf %mul3A_338, %bitcast3A_334 : vector<16xf32>
        %sub3A_340 = arith.constant 1.500000e+00 : f32
        %sub3A_341 = vector.broadcast %sub3A_340 : f32 to vector<16xf32>
        %sub3A_342 = arith.subf %sub3A_341, %mul3A_339 : vector<16xf32>
        %mul3A_343 = arith.mulf %bitcast3A_334, %sub3A_342 : vector<16xf32>
        %mul3A_344 = arith.constant 5.000000e-01 : f32
        %mul3A_345 = vector.broadcast %mul3A_344 : f32 to vector<16xf32>
        %mul3A_346 = arith.mulf %mul3A_345, %parallel_loop3A_300#1 : vector<16xf32>
        %mul3A_347 = arith.mulf %mul3A_346, %mul3A_343 : vector<16xf32>
        %mul3A_348 = arith.mulf %mul3A_347, %mul3A_343 : vector<16xf32>
        %sub3A_349 = arith.constant 1.500000e+00 : f32
        %sub3A_350 = vector.broadcast %sub3A_349 : f32 to vector<16xf32>
        %sub3A_351 = arith.subf %sub3A_350, %mul3A_348 : vector<16xf32>
        %mul3A_352 = arith.mulf %mul3A_343, %sub3A_351 : vector<16xf32>
        %parallel_loop3A_353 = arith.constant 0 : i32
        %parallel_loop3A_354 = arith.constant 16 : i32
        %parallel_loop3A_355 = arith.constant 1 : i32
        %parallel_loop3A_356 = scf.for %parallel_loop3A_372 = %parallel_loop3A_353 to %parallel_loop3A_354 step %parallel_loop3A_355 iter_args(%parallel_loop3A_373 = %broadcast_in_dim3A_3) -> (vector<16xf32>)  : i32 {
          %parallel_loop3A_374 = arith.constant 16 : i32
          %parallel_loop3A_375 = arith.muli %scan3A_224, %parallel_loop3A_374 : i32
          %parallel_loop3A_376 = arith.addi %parallel_loop3A_375, %parallel_loop3A_372 : i32
          %parallel_loop3A_377 = vector.broadcast %parallel_loop3A_372 : i32 to vector<16xi32>
          %parallel_loop3A_378 = arith.constant 0 : i32
          %parallel_loop3A_379 = vector.broadcast %parallel_loop3A_378 : i32 to vector<16xi32>
          %parallel_loop3A_380 = arith.cmpi slt, %parallel_loop3A_377, %parallel_loop3A_379 : vector<16xi32>
          %parallel_loop3A_381 = arith.constant 16 : i32
          %parallel_loop3A_382 = vector.broadcast %parallel_loop3A_381 : i32 to vector<16xi32>
          %parallel_loop3A_383 = arith.addi %parallel_loop3A_377, %parallel_loop3A_382 : vector<16xi32>
          %parallel_loop3A_384 = arith.select %parallel_loop3A_380, %parallel_loop3A_383, %parallel_loop3A_377 : vector<16xi1>, vector<16xi32>
          %parallel_loop3A_385 = vector.shape_cast %parallel_loop3A_384 : vector<16xi32> to vector<16x1xi32>
          %parallel_loop3A_386 = vector.shape_cast %parallel_loop3A_385 : vector<16x1xi32> to vector<16xi32>
          %parallel_loop3A_387 = tpu.dynamic_gather %mul3A_326[%parallel_loop3A_386] in [0] : vector<16xf32>, vector<16xi32> -> vector<16xf32>
          %parallel_loop3A_388 = arith.constant 0 : i32
          %parallel_loop3A_389 = vector.broadcast %parallel_loop3A_388 : i32 to vector<16xi32>
          %parallel_loop3A_390 = arith.cmpi slt, %parallel_loop3A_377, %parallel_loop3A_389 : vector<16xi32>
          %parallel_loop3A_391 = arith.constant 16 : i32
          %parallel_loop3A_392 = vector.broadcast %parallel_loop3A_391 : i32 to vector<16xi32>
          %parallel_loop3A_393 = arith.addi %parallel_loop3A_377, %parallel_loop3A_392 : vector<16xi32>
          %parallel_loop3A_394 = arith.select %parallel_loop3A_390, %parallel_loop3A_393, %parallel_loop3A_377 : vector<16xi1>, vector<16xi32>
          %parallel_loop3A_395 = vector.shape_cast %parallel_loop3A_394 : vector<16xi32> to vector<16x1xi32>
          %parallel_loop3A_396 = vector.shape_cast %parallel_loop3A_395 : vector<16x1xi32> to vector<16xi32>
          %parallel_loop3A_397 = tpu.dynamic_gather %mul3A_352[%parallel_loop3A_396] in [0] : vector<16xf32>, vector<16xi32> -> vector<16xf32>
          %parallel_loop3A_398 = arith.index_cast %parallel_loop3A_376 : i32 to index
          %parallel_loop3A_399 = arith.constant 0 : index
          %parallel_loop3A_400 = tpu.vector_load %arg18[%parallel_loop3A_398, %parallel_loop3A_399] {strides = array<i32>} : memref<64x256xf32, #tpu.memory_space<vmem>>, vector<16xf32>,
          %parallel_loop3A_401 = arith.index_cast %parallel_loop3A_376 : i32 to index
          %parallel_loop3A_402 = arith.constant 128 : index
          %parallel_loop3A_403 = tpu.vector_load %arg18[%parallel_loop3A_401, %parallel_loop3A_402] {strides = array<i32>} : memref<64x256xf32, #tpu.memory_space<vmem>>, vector<16xf32>,
          %parallel_loop3A_404 = arith.mulf %parallel_loop3A_400, %parallel_loop3A_387 : vector<16xf32>
          %parallel_loop3A_405 = arith.mulf %parallel_loop3A_404, %get3A_228 : vector<16xf32>
          %parallel_loop3A_406 = arith.mulf %parallel_loop3A_403, %parallel_loop3A_397 : vector<16xf32>
          %parallel_loop3A_407 = arith.mulf %parallel_loop3A_406, %get3A_252 : vector<16xf32>
          %parallel_loop3A_408 = arith.subf %parallel_loop3A_405, %parallel_loop3A_407 : vector<16xf32>
          %parallel_loop3A_409 = arith.addf %parallel_loop3A_408, %get3A_276 : vector<16xf32>
          %parallel_loop3A_410 = math.absf %parallel_loop3A_409 : vector<16xf32>
          %parallel_loop3A_411 = arith.index_cast %parallel_loop3A_376 : i32 to index
          %parallel_loop3A_412 = arith.constant 16 : index
          %parallel_loop3A_413 = tpu.vector_load %arg18[%parallel_loop3A_411, %parallel_loop3A_412] {strides = array<i32>} : memref<64x256xf32, #tpu.memory_space<vmem>>, vector<16xf32>,
          %parallel_loop3A_414 = arith.index_cast %parallel_loop3A_376 : i32 to index
          %parallel_loop3A_415 = arith.constant 144 : index
          %parallel_loop3A_416 = tpu.vector_load %arg18[%parallel_loop3A_414, %parallel_loop3A_415] {strides = array<i32>} : memref<64x256xf32, #tpu.memory_space<vmem>>, vector<16xf32>,
          %parallel_loop3A_417 = arith.mulf %parallel_loop3A_413, %parallel_loop3A_387 : vector<16xf32>
          %parallel_loop3A_418 = arith.mulf %parallel_loop3A_417, %get3A_231 : vector<16xf32>
          %parallel_loop3A_419 = arith.mulf %parallel_loop3A_416, %parallel_loop3A_397 : vector<16xf32>
          %parallel_loop3A_420 = arith.mulf %parallel_loop3A_419, %get3A_255 : vector<16xf32>
          %parallel_loop3A_421 = arith.subf %parallel_loop3A_418, %parallel_loop3A_420 : vector<16xf32>
          %parallel_loop3A_422 = arith.addf %parallel_loop3A_421, %get3A_279 : vector<16xf32>
          %parallel_loop3A_423 = math.absf %parallel_loop3A_422 : vector<16xf32>
          %parallel_loop3A_424 = arith.addf %parallel_loop3A_410, %parallel_loop3A_423 : vector<16xf32>
          %parallel_loop3A_425 = arith.index_cast %parallel_loop3A_376 : i32 to index
          %parallel_loop3A_426 = arith.constant 32 : index
          %parallel_loop3A_427 = tpu.vector_load %arg18[%parallel_loop3A_425, %parallel_loop3A_426] {strides = array<i32>} : memref<64x256xf32, #tpu.memory_space<vmem>>, vector<16xf32>,
          %parallel_loop3A_428 = arith.index_cast %parallel_loop3A_376 : i32 to index
          %parallel_loop3A_429 = arith.constant 160 : index
          %parallel_loop3A_430 = tpu.vector_load %arg18[%parallel_loop3A_428, %parallel_loop3A_429] {strides = array<i32>} : memref<64x256xf32, #tpu.memory_space<vmem>>, vector<16xf32>,
          %parallel_loop3A_431 = arith.mulf %parallel_loop3A_427, %parallel_loop3A_387 : vector<16xf32>
          %parallel_loop3A_432 = arith.mulf %parallel_loop3A_431, %get3A_234 : vector<16xf32>
          %parallel_loop3A_433 = arith.mulf %parallel_loop3A_430, %parallel_loop3A_397 : vector<16xf32>
          %parallel_loop3A_434 = arith.mulf %parallel_loop3A_433, %get3A_258 : vector<16xf32>
          %parallel_loop3A_435 = arith.subf %parallel_loop3A_432, %parallel_loop3A_434 : vector<16xf32>
          %parallel_loop3A_436 = arith.addf %parallel_loop3A_435, %get3A_282 : vector<16xf32>
          %parallel_loop3A_437 = math.absf %parallel_loop3A_436 : vector<16xf32>
          %parallel_loop3A_438 = arith.addf %parallel_loop3A_424, %parallel_loop3A_437 : vector<16xf32>
          %parallel_loop3A_439 = arith.index_cast %parallel_loop3A_376 : i32 to index
          %parallel_loop3A_440 = arith.constant 48 : index
          %parallel_loop3A_441 = tpu.vector_load %arg18[%parallel_loop3A_439, %parallel_loop3A_440] {strides = array<i32>} : memref<64x256xf32, #tpu.memory_space<vmem>>, vector<16xf32>,
          %parallel_loop3A_442 = arith.index_cast %parallel_loop3A_376 : i32 to index
          %parallel_loop3A_443 = arith.constant 176 : index
          %parallel_loop3A_444 = tpu.vector_load %arg18[%parallel_loop3A_442, %parallel_loop3A_443] {strides = array<i32>} : memref<64x256xf32, #tpu.memory_space<vmem>>, vector<16xf32>,
          %parallel_loop3A_445 = arith.mulf %parallel_loop3A_441, %parallel_loop3A_387 : vector<16xf32>
          %parallel_loop3A_446 = arith.mulf %parallel_loop3A_445, %get3A_237 : vector<16xf32>
          %parallel_loop3A_447 = arith.mulf %parallel_loop3A_444, %parallel_loop3A_397 : vector<16xf32>
          %parallel_loop3A_448 = arith.mulf %parallel_loop3A_447, %get3A_261 : vector<16xf32>
          %parallel_loop3A_449 = arith.subf %parallel_loop3A_446, %parallel_loop3A_448 : vector<16xf32>
          %parallel_loop3A_450 = arith.addf %parallel_loop3A_449, %get3A_285 : vector<16xf32>
          %parallel_loop3A_451 = math.absf %parallel_loop3A_450 : vector<16xf32>
          %parallel_loop3A_452 = arith.addf %parallel_loop3A_438, %parallel_loop3A_451 : vector<16xf32>
          %parallel_loop3A_453 = arith.index_cast %parallel_loop3A_376 : i32 to index
          %parallel_loop3A_454 = arith.constant 64 : index
          %parallel_loop3A_455 = tpu.vector_load %arg18[%parallel_loop3A_453, %parallel_loop3A_454] {strides = array<i32>} : memref<64x256xf32, #tpu.memory_space<vmem>>, vector<16xf32>,
          %parallel_loop3A_456 = arith.index_cast %parallel_loop3A_376 : i32 to index
          %parallel_loop3A_457 = arith.constant 192 : index
          %parallel_loop3A_458 = tpu.vector_load %arg18[%parallel_loop3A_456, %parallel_loop3A_457] {strides = array<i32>} : memref<64x256xf32, #tpu.memory_space<vmem>>, vector<16xf32>,
          %parallel_loop3A_459 = arith.mulf %parallel_loop3A_455, %parallel_loop3A_387 : vector<16xf32>
          %parallel_loop3A_460 = arith.mulf %parallel_loop3A_459, %get3A_240 : vector<16xf32>
          %parallel_loop3A_461 = arith.mulf %parallel_loop3A_458, %parallel_loop3A_397 : vector<16xf32>
          %parallel_loop3A_462 = arith.mulf %parallel_loop3A_461, %get3A_264 : vector<16xf32>
          %parallel_loop3A_463 = arith.subf %parallel_loop3A_460, %parallel_loop3A_462 : vector<16xf32>
          %parallel_loop3A_464 = arith.addf %parallel_loop3A_463, %get3A_288 : vector<16xf32>
          %parallel_loop3A_465 = math.absf %parallel_loop3A_464 : vector<16xf32>
          %parallel_loop3A_466 = arith.addf %parallel_loop3A_452, %parallel_loop3A_465 : vector<16xf32>
          %parallel_loop3A_467 = arith.index_cast %parallel_loop3A_376 : i32 to index
          %parallel_loop3A_468 = arith.constant 80 : index
          %parallel_loop3A_469 = tpu.vector_load %arg18[%parallel_loop3A_467, %parallel_loop3A_468] {strides = array<i32>} : memref<64x256xf32, #tpu.memory_space<vmem>>, vector<16xf32>,
          %parallel_loop3A_470 = arith.index_cast %parallel_loop3A_376 : i32 to index
          %parallel_loop3A_471 = arith.constant 208 : index
          %parallel_loop3A_472 = tpu.vector_load %arg18[%parallel_loop3A_470, %parallel_loop3A_471] {strides = array<i32>} : memref<64x256xf32, #tpu.memory_space<vmem>>, vector<16xf32>,
          %parallel_loop3A_473 = arith.mulf %parallel_loop3A_469, %parallel_loop3A_387 : vector<16xf32>
          %parallel_loop3A_474 = arith.mulf %parallel_loop3A_473, %get3A_243 : vector<16xf32>
          %parallel_loop3A_475 = arith.mulf %parallel_loop3A_472, %parallel_loop3A_397 : vector<16xf32>
          %parallel_loop3A_476 = arith.mulf %parallel_loop3A_475, %get3A_267 : vector<16xf32>
          %parallel_loop3A_477 = arith.subf %parallel_loop3A_474, %parallel_loop3A_476 : vector<16xf32>
          %parallel_loop3A_478 = arith.addf %parallel_loop3A_477, %get3A_291 : vector<16xf32>
          %parallel_loop3A_479 = math.absf %parallel_loop3A_478 : vector<16xf32>
          %parallel_loop3A_480 = arith.addf %parallel_loop3A_466, %parallel_loop3A_479 : vector<16xf32>
          %parallel_loop3A_481 = arith.index_cast %parallel_loop3A_376 : i32 to index
          %parallel_loop3A_482 = arith.constant 96 : index
          %parallel_loop3A_483 = tpu.vector_load %arg18[%parallel_loop3A_481, %parallel_loop3A_482] {strides = array<i32>} : memref<64x256xf32, #tpu.memory_space<vmem>>, vector<16xf32>,
          %parallel_loop3A_484 = arith.index_cast %parallel_loop3A_376 : i32 to index
          %parallel_loop3A_485 = arith.constant 224 : index
          %parallel_loop3A_486 = tpu.vector_load %arg18[%parallel_loop3A_484, %parallel_loop3A_485] {strides = array<i32>} : memref<64x256xf32, #tpu.memory_space<vmem>>, vector<16xf32>,
          %parallel_loop3A_487 = arith.mulf %parallel_loop3A_483, %parallel_loop3A_387 : vector<16xf32>
          %parallel_loop3A_488 = arith.mulf %parallel_loop3A_487, %get3A_246 : vector<16xf32>
          %parallel_loop3A_489 = arith.mulf %parallel_loop3A_486, %parallel_loop3A_397 : vector<16xf32>
          %parallel_loop3A_490 = arith.mulf %parallel_loop3A_489, %get3A_270 : vector<16xf32>
          %parallel_loop3A_491 = arith.subf %parallel_loop3A_488, %parallel_loop3A_490 : vector<16xf32>
          %parallel_loop3A_492 = arith.addf %parallel_loop3A_491, %get3A_294 : vector<16xf32>
          %parallel_loop3A_493 = math.absf %parallel_loop3A_492 : vector<16xf32>
          %parallel_loop3A_494 = arith.addf %parallel_loop3A_480, %parallel_loop3A_493 : vector<16xf32>
          %parallel_loop3A_495 = arith.index_cast %parallel_loop3A_376 : i32 to index
          %parallel_loop3A_496 = arith.constant 112 : index
          %parallel_loop3A_497 = tpu.vector_load %arg18[%parallel_loop3A_495, %parallel_loop3A_496] {strides = array<i32>} : memref<64x256xf32, #tpu.memory_space<vmem>>, vector<16xf32>,
          %parallel_loop3A_498 = arith.index_cast %parallel_loop3A_376 : i32 to index
          %parallel_loop3A_499 = arith.constant 240 : index
          %parallel_loop3A_500 = tpu.vector_load %arg18[%parallel_loop3A_498, %parallel_loop3A_499] {strides = array<i32>} : memref<64x256xf32, #tpu.memory_space<vmem>>, vector<16xf32>,
          %parallel_loop3A_501 = arith.mulf %parallel_loop3A_497, %parallel_loop3A_387 : vector<16xf32>
          %parallel_loop3A_502 = arith.mulf %parallel_loop3A_501, %get3A_249 : vector<16xf32>
          %parallel_loop3A_503 = arith.mulf %parallel_loop3A_500, %parallel_loop3A_397 : vector<16xf32>
          %parallel_loop3A_504 = arith.mulf %parallel_loop3A_503, %get3A_273 : vector<16xf32>
          %parallel_loop3A_505 = arith.subf %parallel_loop3A_502, %parallel_loop3A_504 : vector<16xf32>
          %parallel_loop3A_506 = arith.addf %parallel_loop3A_505, %get3A_297 : vector<16xf32>
          %parallel_loop3A_507 = math.absf %parallel_loop3A_506 : vector<16xf32>
          %parallel_loop3A_508 = arith.addf %parallel_loop3A_494, %parallel_loop3A_507 : vector<16xf32>
          %parallel_loop3A_509 = vector.broadcast %parallel_loop3A_372 : i32 to vector<16xi32>
          %parallel_loop3A_510 = arith.cmpi eq, %iota3A, %parallel_loop3A_509 : vector<16xi32>
          %parallel_loop3A_511 = arith.constant true
          %parallel_loop3A_512 = vector.broadcast %parallel_loop3A_511 : i1 to vector<16xi1>
          %parallel_loop3A_513 = tpu.scan <sum>, %parallel_loop3A_508 masked %parallel_loop3A_512 : vector<16xf32>, vector<16xi1> -> vector<16xf32>
          %parallel_loop3A_514 = vector.extract %parallel_loop3A_513[15] : f32 from vector<16xf32>
          %parallel_loop3A_515 = arith.constant 1.200000e+01 : f32
          %parallel_loop3A_516 = arith.subf %parallel_loop3A_515, %parallel_loop3A_514 : f32
          %parallel_loop3A_517 = vector.broadcast %parallel_loop3A_516 : f32 to vector<16xf32>
          %parallel_loop3A_518 = arith.select %parallel_loop3A_510, %parallel_loop3A_517, %parallel_loop3A_373 : vector<16xi1>, vector<16xf32>
          scf.yield %parallel_loop3A_518 : vector<16xf32>
        } {sc.loop_unroll_factor = 2 : i64, sc.parallel_access}
        %mul3A_357 = arith.constant 200 : i32
        %mul3A_358 = arith.muli %scan3A_225, %mul3A_357 : i32
        %mul3A_359 = arith.constant 16 : i32
        %mul3A_360 = arith.muli %scan3A_226, %mul3A_359 : i32
        %add3A_361 = arith.addi %mul3A_358, %mul3A_360 : i32
        %multiple_of3A_362 = tpu.assume_multiple %add3A_361, 8 : i32
        %swap3A = arith.index_cast %multiple_of3A_362 : i32 to index
        %swap3A_363 = tpu.vector_load %arg16[%swap3A] {strides = array<i32>} : memref<6656xf32, #tpu.memory_space<vmem>>, vector<16xf32>,
        tpu.vector_store %arg16[%swap3A], %parallel_loop3A_356 {strides = array<i32>} : memref<6656xf32, #tpu.memory_space<vmem>>, vector<16xf32>,
        %add3A_364 = arith.constant 1 : i32
        %add3A_365 = arith.addi %scan3A_226, %add3A_364 : i32
        %ge3A = arith.constant 13 : i32
        %ge3A_366 = arith.cmpi sge, %add3A_365, %ge3A : i32
        %convert_element_type3A_367 = arith.extui %ge3A_366 : i1 to i32
        %add3A_368 = arith.addi %scan3A_225, %convert_element_type3A_367 : i32
        %sub3A_369 = arith.constant 1 : i32
        %sub3A_370 = arith.subi %sub3A_369, %convert_element_type3A_367 : i32
        %mul3A_371 = arith.muli %add3A_365, %sub3A_370 : i32
        scf.yield %add3A_368, %mul3A_371 : i32, i32
      }
      %scan3A_216 = arith.constant 4 : i32
      %add3A_217 = arith.constant 2 : i32
      %add3A_218 = arith.addi %add3A_203, %add3A_217 : i32
      %lt3A_219 = arith.constant 104 : i32
      %lt3A_220 = arith.cmpi slt, %add3A_218, %lt3A_219 : i32
      %convert_element_type3A_221 = arith.extui %lt3A_220 : i1 to i32
      %cond3A_222 = arith.constant 0 : i32
      %cond3A_223 = arith.cmpi ne, %convert_element_type3A_221, %cond3A_222 : i32
      scf.if %cond3A_223 {
        %mul3A_224 = arith.constant 64 : i32
        %mul3A_225 = arith.muli %add3A_218, %mul3A_224 : i32
        %multiple_of3A_226 = tpu.assume_multiple %mul3A_225, 64 : i32
        %dma_start3A_227 = tpu.memref_slice %arg15[%multiple_of3A_226] : memref<6656xi32, #tpu.memory_space<vmem>> -> memref<64xi32, #tpu.memory_space<vmem>>
        %dma_start3A_228 = arith.constant 0 : i32
        %dma_start3A_229 = arith.constant 0 : i32
        %dma_start3A_230 = tpu.memref_slice %arg2[%dma_start3A_228, %dma_start3A_229] : memref<100000x256xf32, #tpu.memory_space<hbm>> -> memref<100000x256xf32, #tpu.memory_space<hbm>>
        tpu.enqueue_indirect_dma source(%dma_start3A_230 : memref<100000x256xf32, #tpu.memory_space<hbm>>) target(%arg18 : memref<64x256xf32, #tpu.memory_space<vmem>>) offsets(%dma_start3A_227 : memref<64xi32, #tpu.memory_space<vmem>>) semaphore(%arg20 : memref<!tpu.dma_semaphore, #tpu.memory_space<semaphore_mem>>)
      } else {
      }
      scf.yield %scan3A_215#0, %scan3A_215#1 : i32, i32
    }
    %scan3A_172 = arith.constant 52 : i32
    %mul3A_173 = arith.constant 6400 : i32
    %mul3A_174 = arith.muli %add3A, %mul3A_173 : i32
    %multiple_of3A_175 = tpu.assume_multiple %mul3A_174, 6400 : i32
    "tpu.region"() ({
      %run_scoped3A = tpu.sem_alloc : memref<!tpu.dma_semaphore, #tpu.memory_space<semaphore_mem>>
      %dma_start3A_176 = arith.constant 0 : i32
      %dma_start3A_177 = tpu.memref_slice %arg16[%dma_start3A_176] : memref<6656xf32, #tpu.memory_space<vmem>> -> memref<6400xf32, #tpu.memory_space<vmem>>
      %dma_start3A_178 = tpu.memref_slice %arg7[%multiple_of3A_175] : memref<204800xf32, #tpu.memory_space<hbm>> -> memref<6400xf32, #tpu.memory_space<hbm>>
      %dma_start3A_179 = tpu.memref_slice %arg7[%multiple_of3A_175] : memref<204800xf32, #tpu.memory_space<hbm>> -> memref<6400xf32, #tpu.memory_space<hbm>>
      %dma_start3A_180 = arith.constant 0 : i32
      %dma_start3A_181 = tpu.memref_slice %arg16[%dma_start3A_180] : memref<6656xf32, #tpu.memory_space<vmem>> -> memref<6400xf32, #tpu.memory_space<vmem>>
      tpu.enqueue_dma source(%dma_start3A_181 : memref<6400xf32, #tpu.memory_space<vmem>>) target(%dma_start3A_179 : memref<6400xf32, #tpu.memory_space<hbm>>) target_semaphore(%run_scoped3A : memref<!tpu.dma_semaphore, #tpu.memory_space<semaphore_mem>>)
      %dma_wait3A_182 = arith.constant 0 : i32
      %dma_wait3A_183 = tpu.memref_slice %arg16[%dma_wait3A_182] : memref<6656xf32, #tpu.memory_space<vmem>> -> memref<6400xf32, #tpu.memory_space<vmem>>
      %dma_wait3A_184 = tpu.memref_slice %arg7[%multiple_of3A_175] : memref<204800xf32, #tpu.memory_space<hbm>> -> memref<6400xf32, #tpu.memory_space<hbm>>
      %dma_wait3A_185 = tpu.memref_slice %arg7[%multiple_of3A_175] : memref<204800xf32, #tpu.memory_space<hbm>> -> memref<6400xf32, #tpu.memory_space<hbm>>
      %dma_wait3A_186 = arith.constant 0 : i32
      %dma_wait3A_187 = tpu.memref_slice %arg16[%dma_wait3A_186] : memref<6656xf32, #tpu.memory_space<vmem>> -> memref<6400xf32, #tpu.memory_space<vmem>>
      tpu.wait_dma2 semaphore(%run_scoped3A : memref<!tpu.dma_semaphore, #tpu.memory_space<semaphore_mem>>) src(%dma_wait3A_187 : memref<6400xf32, #tpu.memory_space<vmem>>) dst(%dma_wait3A_185 : memref<6400xf32, #tpu.memory_space<hbm>>)
      tpu.yield
    }) : () -> ()
    return
  }
}

</mosaic_0001>

<sc_bundles>
// kernel: kernel.3.cloned.1.call-start
scs
__scs_entry_jumppad:
0x0: {  	(pc) =	sbr.rel $0x88, $3  }
0x1: {  	(tag) =	ssettag $0x0;
	lr =	simm.s32 $0x1  }
0x2: {  	[smem:$0x3F9D] =	sst lr;
	_ =	strace $0xD0000000  }
0x3: {  	_ = 	snop  }
0x4: {  	_ = 	snop  }
0x5: {  	_ = 	snop  }
0x6: {  	_ = 	snop  }
0x7: {  	_ = 	snop  }
__scs_overlays_trampoline_lowered:
0x8: {  	[smem:$0x3FAC] =	sst s0  }
0x9: {  	[smem:$0x3FAD] =	sst s1  }
0xa: {  	[smem:$0x3FAE] =	sst s2  }
0xb: {  	[smem:$0x3FAF] =	sst s3  }
0xc: {  	[smem:$0x3FB0] =	sst s4  }
0xd: {  	[smem:$0x3FB1] =	sst s5  }
0xe: {  	[smem:$0x3FB2] =	sst s6  }
0xf: {  	[smem:$0x3FB3] =	sst s7  }
0x10: {  	[smem:$0x3FB4] =	sst s8  }
0x11: {  	[smem:$0x3FB5] =	sst s9;
	s0 =	simm.s32 @!p0 $0x0  }
0x12: {  	s1 =	sld [smem:$0x3F9B];
	s0 =	simm.s32 @p0 $0x1  }
0x13: {  	[smem:$0x3FB6] =	sst s0;
	s0 =	simm.s32 @!p1 $0x0  }
0x14: {  	s2 =	sld [smem:$0x3F9A];
	s0 =	simm.s32 @p1 $0x1  }
0x15: {  	[smem:$0x3FB7] =	sst s0;
	s0 =	simm.s32 @!p2 $0x0  }
0x16: {  	s3 =	sld [smem:$0x3FDB];
	s0 =	simm.s32 @p2 $0x1  }
0x17: {  	s4 =	simm.s32 $0x1BF5;
	[smem:$0x3FB9] =	sst s0  }
0x18: {  	s0 =	sld [smem:$0x3F9C];
	_ =	swait.ge [sflag:s4], $0x0  }
0x19: {  	s7 =	sld [smem:$0x3F9D]  }
0x1a: {  	s8 =	sadd.s32 $0xFFFFE003, lr  }
0x1b: {  	s9 =	sadd.s32 $0xFFFFFEF7, lr;
	s5 =	simm.s32 $0xFFFFFFFF;
	p2 =	slt.u32 s8, $0xFFFFF086  }
0x1c: {  	p1 =	slt.u32 s9, $0xF7A;
	s5 =	simm.s32 @!p2 $0x0  }
0x1d: {  	s5 =	simm.s32 @p1 $0x1;
	p0 =	seq.s32 s7, s2  }
0x1e: {  	s7 =	smul.u32 @!p0 $0xF7A, s2;
	p2 =	seq.s32 @!p0 s5, $0x0  }
0x1f: {  	s9 =	smul.u32 $0xF7A, s1;
	s8 =	simm.s32 @!p0 $0x1BF5;
	p2 =	por !p2, p0  }
0x20: {  	[sflag:s8] =	ssyncset.s32 @!p0 $0xFFFFF086;
	s6 =	sadd.s32 @!p0 s3, s7;
	s7 =	simm.s32 @!p0 $0x108  }
0x21: {  	s3 =	sadd.s32 s3, s9;
	s6 =	sadd.s32 @!p0 $0x88, s6;
	s7 =	simm.s32 @p2 $0x1082  }
0x22: {  	[simem:s7], [sflag:s8] =	dma.local @!p0 [hbm:s6], $0xF7A  }
0x23: {  	s9 =	sor.u32 $0xD0000000, s2;
	s6 =	simm.s32 $0x108;
	_ =	swait.ge @!p0 [sflag:s8], $0x0  }
0x24: {  	s3 =	sadd.s32 $0x88, s3;
	s6 =	simm.s32 @!p1 $0x1082;
	[sflag:s4] =	ssyncset.s32 $0xFFFFF086  }
0x25: {  	[simem:s6], [sflag:s4] =	dma.local [hbm:s3], $0xF7A  }
0x26: {  	[smem:$0x3F9D] =	sst s1;
	(tag) =	ssettag s2;
	_ =	strace s9  }
0x27: {  	s1 =	sld [smem:$0x3FAD]  }
0x28: {  	s2 =	sld [smem:$0x3FAE]  }
0x29: {  	s4 =	sld [smem:$0x3FB0]  }
0x2a: {  	p0 =	seq.s32 s5, $0x0;
	s5 =	sld [smem:$0x3FB1]  }
0x2b: {  	s6 =	sld [smem:$0x3FB2]  }
0x2c: {  	s7 =	sld [smem:$0x3FB3]  }
0x2d: {  	s3 =	simm.s32 $0x108;
	s8 =	sld [smem:$0x3FB4]  }
0x2e: {  	s3 =	simm.s32 @!p0 $0x1082;
	s9 =	sld [smem:$0x3FB5]  }
0x2f: {  	lr =	sadd.s32 s0, s3;
	s0 =	sld [smem:$0x3FAC]  }
0x30: {  	s3 =	sld [smem:$0x3FAF]  }
0x31: {  	[smem:$0x3FB8] =	sst s10  }
0x32: {  	s10 =	sld [smem:$0x3FB6];
	_ =	sdelay $0x3  }
0x33: {  	p0 =	seq.s32 s10, $0x1;
	s10 =	sld [smem:$0x3FB8];
	_ =	sdelay $0x3  }
0x34: {  	[smem:$0x3FB8] =	sst s10  }
0x35: {  	s10 =	sld [smem:$0x3FB7];
	_ =	sdelay $0x3  }
0x36: {  	p1 =	seq.s32 s10, $0x1;
	s10 =	sld [smem:$0x3FB8];
	_ =	sdelay $0x3  }
0x37: {  	[smem:$0x3FB8] =	sst s10  }
0x38: {  	s10 =	sld [smem:$0x3FB9]  }
0x39: {  	_ = 	snop;
	(pc) =	sbr.ind lr, $3  }
0x3a: {  	_ = 	snop  }
0x3b: {  	_ = 	snop  }
0x3c: {  	p2 =	seq.s32 s10, $0x1;
	s10 =	sld [smem:$0x3FB8]  }
0x3d: {  	_ =	shalt  }
0x3e: {  	_ =	shalt  }
0x3f: {  	_ =	shalt  }
0x40: {  	_ =	shalt  }
0x41: {  	_ =	shalt  }
0x42: {  	_ =	shalt  }
0x43: {  	_ =	shalt  }
0x44: {  	_ =	shalt  }
0x45: {  	_ =	shalt  }
0x46: {  	_ =	shalt  }
0x47: {  	_ =	shalt  }
0x48: {  	_ =	shalt  }
0x49: {  	_ =	shalt  }
0x4a: {  	_ =	shalt  }
0x4b: {  	_ =	shalt  }
0x4c: {  	_ =	shalt  }
0x4d: {  	_ =	shalt  }
0x4e: {  	_ =	shalt  }
0x4f: {  	_ =	shalt  }
0x50: {  	_ =	shalt  }
0x51: {  	_ =	shalt  }
0x52: {  	_ =	shalt  }
0x53: {  	_ =	shalt  }
0x54: {  	_ =	shalt  }
0x55: {  	_ =	shalt  }
0x56: {  	_ =	shalt  }
0x57: {  	_ =	shalt  }
0x58: {  	_ =	shalt  }
0x59: {  	_ =	shalt  }
0x5a: {  	_ =	shalt  }
0x5b: {  	_ =	shalt  }
0x5c: {  	_ =	shalt  }
0x5d: {  	_ =	shalt  }
0x5e: {  	_ =	shalt  }
0x5f: {  	_ =	shalt  }
0x60: {  	_ =	shalt  }
0x61: {  	_ =	shalt  }
0x62: {  	_ =	shalt  }
0x63: {  	_ =	shalt  }
0x64: {  	_ =	shalt  }
0x65: {  	_ =	shalt  }
0x66: {  	_ =	shalt  }
0x67: {  	_ =	shalt  }
0x68: {  	_ =	shalt  }
0x69: {  	_ =	shalt  }
0x6a: {  	_ =	shalt  }
0x6b: {  	_ =	shalt  }
0x6c: {  	_ =	shalt  }
0x6d: {  	_ =	shalt  }
0x6e: {  	_ =	shalt  }
0x6f: {  	_ =	shalt  }
0x70: {  	_ =	shalt  }
0x71: {  	_ =	shalt  }
0x72: {  	_ =	shalt  }
0x73: {  	_ =	shalt  }
0x74: {  	_ =	shalt  }
0x75: {  	_ =	shalt  }
0x76: {  	_ =	shalt  }
0x77: {  	_ =	shalt  }
0x78: {  	_ =	shalt  }
0x79: {  	_ =	shalt  }
0x7a: {  	_ =	shalt  }
0x7b: {  	_ =	shalt  }
0x7c: {  	_ =	shalt  }
0x7d: {  	_ =	shalt  }
0x7e: {  	_ =	shalt  }
0x7f: {  	_ =	shalt  }
0x80: {  	_ =	shalt  }
0x81: {  	_ =	shalt  }
0x82: {  	_ =	shalt  }
0x83: {  	_ =	shalt  }
0x84: {  	_ =	shalt  }
0x85: {  	_ =	shalt  }
0x86: {  	_ =	shalt  }
0x87: {  	_ =	shalt  }
.Lfunc_end0:
.L_simem_size_0:
called_computation_lowered:
.L_overlay_start_0:
0x88: {  	s2 =	sld [smem:$0x3FD9]  }
0x89: {  	s3 =	sld [smem:$0x3FFE];
	_ =	sdelay $0x1  }
0x8a: {  	s1 =	srdreg.scid  }
0x8b: {  	s0 =	sand.u32 $0x1, s1  }
0x8c: {  	s17 =	sshll.u32 s0, $0xA;
	s2 =	sadd.s32 s3, s2  }
0x8d: {  	s2 =	sadd.s32 s2, s17  }
0x8e: {  	[smem:$0x3FC4] =	sst s2  }
0x8f: {  	_ = 	snop  }
0x90: {  	s2 =	sld [smem:$0x3FC9]  }
0x91: {  	s18 =	sld [smem:$0x3FC8]  }
0x92: {  	s4 =	sld [smem:$0x3FD0];
	(tm) =	ssettm $0x1  }
0x93: {  	s5 =	sld [smem:$0x3FFB];
	_ =	sdelay $0x3  }
0x94: {  	_ =	strace s5  }
0x95: {  	s5 =	sld [smem:$0x3FFC];
	_ =	sdelay $0x3  }
0x96: {  	_ =	strace s5  }
0x97: {  	s5 =	sld [smem:$0x3FFD];
	_ =	sdelay $0x3  }
0x98: {  	_ =	strace s5  }
0x99: {  	_ =	strace $0x8FFFFFFF  }
0x9a: {  	s19 =	sld [smem:$0x3FDB];
	_ =	sdelay $0x1  }
0x9b: {  	s6 =	simm.s32 $_scs_section_size  }
0x9c: {  	s7 =	simm.s32 $_size__tile_overlayer_lowered;
	s8 =	simm.s32 $_tile_overlayer_lowered  }
0x9d: {  	s22 =	simm.s32 $0x1BFF;
	s21 =	sshll.u32 s8, $0x1;
	s5 =	sadd.s32 s6, s19  }
0x9e: {  	s9 =	simm.s32 $0x0;
	s20 =	sshll.u32 s7, $0x1;
	s7 =	sadd.s32 s21, s5  }
0x9f: {  	[timem:s9], [sflag:s22] =	dma.local [hbm:s7], s20  }
0xa0: {  	_ =	swait.ge [sflag:s22], s20  }
0xa1: {  	s6 =	ssub.s32 $0x0, s20;
	[sflag:s22] =	ssyncset.done $0x0  }
0xa2: {  	[sflag:s22] =	ssyncadd.s32 s6;
	_ =	sdelay $0x1  }
0xa3: {  	s23 =	simm.s32 $0x1B8B  }
0xa4: {  	_ =	swait.ge [sflag:s23], $0x1  }
0xa5: {  	[sflag:s23] =	ssyncset.done $0x0  }
0xa6: {  	s25 =	simm.s32 $0x1B8E;
	s24 =	sld [smem:$0x3FFE];
	[sflag:s23] =	ssyncadd.s32 $0xFFFFFFFF  }
0xa7: {  	s26 =	simm.s32 $execute0_lowered;
	[smem:$0x3FD2] =	sst s25  }
0xa8: {  	s7 =	sshll.u32 s26, $0x1;
	_ =	strace $0x80000046;
	[dreg:$0x1] =	wrdreg $0xFFFFFFFF  }
0xa9: {  	s28 =	simm.s32 $_size_execute0_lowered;
	s5 =	sadd.s32 s5, s7;
	[dreg:$0x0] =	wrdreg $0x0  }
0xaa: {  	s7 =	sshll.u32 s28, $0x1;
	[dreg:$0x2] =	wrdreg s5  }
0xab: {  	[dreg:$0x3] =	wrdreg s7  }
0xac: {  	[dreg:$0x4] =	wrdreg $0xC0  }
0xad: {  	_ =	task [dreg:s9], $0x5FFFF  }
0xae: {  	[dreg:$0x1] =	wrdreg $0xFFFFFFFF  }
0xaf: {  	[dreg:$0x0] =	wrdreg $0x60  }
0xb0: {  	[dreg:$0x2] =	wrdreg s2  }
0xb1: {  	[dreg:$0x3] =	wrdreg s18  }
0xb2: {  	[dreg:$0x4] =	wrdreg s24  }
0xb3: {  	[dreg:$0x5] =	wrdreg s4  }
0xb4: {  	[dreg:$0x6] =	wrdreg $0x9  }
0xb5: {  	_ =	task.clear_ibuf [dreg:s9], $0x7FFFF;
	_ =	strace $0x90000046  }
0xb6: {  	s29 =	simm.s32 $0x9;
	_ =	strace $0x80000048  }
0xb7: {  	_ =	swait.ge [sflag:s29], $0x1  }
0xb8: {  	[sflag:s29] =	ssyncadd.s32 $0xFFFFFFFF  }
0xb9: {  	_ =	strace $0x90000048  }
0xba: {  	_ =	sfence  }
0xbb: {  	s30 =	sld [smem:$0x0];
	_ =	sdelay $0x2  }
0xbc: {  	s31 =	sshll.u32 s1, $0xD;
	s1 =	sshrl.u32 s1, $0x2  }
0xbd: {  	s3 =	sand.u32 $0x4000, s31;
	s1 =	sadd.s32 s1, s30  }
0xbe: {  	s0 =	sor.u32 s3, s0;
	s1 =	sshll.u32 s1, $0x11  }
0xbf: {  	s0 =	sor.u32 s1, s0  }
0xc0: {  	s0 =	sadd.s32 $0x8F2B, s0  }
0xc1: {  	[sflag:s0] =	ssyncadd.remote.s32 $0x1  }
0xc2: {  	_ =	sfence.sel $0xFFFF  }
0xc3: {  	[dreg:$0x0] =	wrdreg $0xFFFFFFFF;
	(pc) =	sbr.abs _section_cstart, $3  }
0xc4: {  	[dreg:$0x1] =	wrdreg $0xFFFFFFFF  }
0xc5: {  	_ =	task.clear_ibuf [dreg:s9], $0x2FFFF;
	_ =	strace $0x9FFFFFFF  }
0xc6: {  	(tm) =	ssettm $0x7FFFFFFF  }
0xc7: {  	_ =	shalt  }
tec
execute0_lowered:
.L_overlay_start_1:
0x0: {  	(tag) =	ssettag $0x1  }
0x1: {  	v0 =	vimm.s32 $0xB80;
	vm0 =	vcmask $0x300  }
0x2: {  	vm5 =	vcmask $0x704;
	vm6 =	vcmask $0xB08;
	vm4 =	vcmask $0xF0C  }
0x3: {  	vm3 =	vcmask $0x1310;
	vm1 =	vcmask $0x1714;
	v1 =	vimm.s32 $0xF80  }
0x4: {  	v2 =	vimm.s32 $0x1380;
	v3 =	vimm.s32 $0x1B80;
	v4 =	vimm.s32 $0x1F80  }
0x5: {  	v5 =	vimm.s32 $0x2B80;
	vm2 =	vcmask $0x1B18;
	v0 =	vsel vm0, $0x0, v0  }
0x6: {  	v1 =	vsel vm0, $0x400, v1;
	v2 =	vsel vm0, $0x400, v2;
	v3 =	vsel vm0, $0x1000, v3  }
0x7: {  	v4 =	vsel vm0, $0x1400, v4;
	v5 =	vsel vm0, $0x1C00, v5;
	vm0 =	vcmask $0x1F1C  }
0x8: {  	v0 =	vsel vm5, $0x80, v0;
	v1 =	vsel vm5, $0x480, v1;
	v2 =	vsel vm5, $0x480, v2  }
0x9: {  	v3 =	vsel vm5, $0x1080, v3;
	v4 =	vsel vm5, $0x1480, v4;
	v5 =	vsel vm5, $0x1C80, v5  }
0xa: {  	v0 =	vsel vm6, $0x100, v0;
	v1 =	vsel vm6, $0x500, v1;
	v2 =	vsel vm6, $0x500, v2  }
0xb: {  	v3 =	vsel vm6, $0x1100, v3;
	v4 =	vsel vm6, $0x1500, v4;
	v5 =	vsel vm6, $0x1D00, v5  }
0xc: {  	v0 =	vsel vm4, $0x180, v0;
	v1 =	vsel vm4, $0x580, v1;
	v2 =	vsel vm4, $0x580, v2  }
0xd: {  	v3 =	vsel vm4, $0x1180, v3;
	v4 =	vsel vm4, $0x1580, v4;
	v5 =	vsel vm4, $0x1D80, v5  }
0xe: {  	v0 =	vsel vm3, $0x200, v0;
	v1 =	vsel vm3, $0x600, v1;
	v2 =	vsel vm3, $0x600, v2  }
0xf: {  	v3 =	vsel vm3, $0x1200, v3;
	v4 =	vsel vm3, $0x1600, v4;
	v5 =	vsel vm3, $0x1E00, v5  }
0x10: {  	vm3 =	vcmask $0x2320;
	v0 =	vsel vm1, $0x280, v0;
	v1 =	vsel vm1, $0x680, v1  }
0x11: {  	v2 =	vsel vm1, $0x680, v2;
	v3 =	vsel vm1, $0x1280, v3;
	v4 =	vsel vm1, $0x1680, v4  }
0x12: {  	v5 =	vsel vm1, $0x1E80, v5;
	vm1 =	vcmask $0x2724;
	v0 =	vsel vm2, $0x300, v0  }
0x13: {  	v1 =	vsel vm2, $0x700, v1;
	v2 =	vsel vm2, $0x700, v2;
	v3 =	vsel vm2, $0x1300, v3  }
0x14: {  	v4 =	vsel vm2, $0x1700, v4;
	v5 =	vsel vm2, $0x1F00, v5;
	v0 =	vsel vm0, $0x380, v0  }
0x15: {  	v1 =	vsel vm0, $0x780, v1;
	v2 =	vsel vm0, $0x780, v2;
	v3 =	vsel vm0, $0x1380, v3  }
0x16: {  	v4 =	vsel vm0, $0x1780, v4;
	v5 =	vsel vm0, $0x1F80, v5;
	vm0 =	vcmask $0x2B28  }
0x17: {  	v6 =	vsel vm3, $0x800, v0;
	v0 =	vlaneseq.u32;
	v1 =	vsel vm3, $0xC00, v1  }
0x18: {  	s0 =	rddreg [dreg:$0x0];
	v2 =	vsel vm3, $0x1000, v2;
	v3 =	vsel vm3, $0x1800, v3;
	v4 =	vsel vm3, $0x1C00, v4  }
0x19: {  	s8 =	rddreg [dreg:$0x1];
	v5 =	vsel vm3, $0x2800, v5;
	v6 =	vsel vm1, $0x880, v6;
	v7 =	vshrl.u32 v0, $0x3  }
0x1a: {  	s1 =	rddreg [dreg:$0x2];
	s4 =	simm.s32 $0x0;
	v8 =	vsel vm1, $0xC80, v1;
	v9 =	vsel vm1, $0x1080, v2;
	v3 =	vsel vm1, $0x1880, v3  }
0x1b: {  	[smem:$0x7FF] =	sst s4;
	v4 =	vsel vm1, $0x1C80, v4;
	v5 =	vsel vm1, $0x2880, v5;
	v1 =	vand.u32 $0x7, v0  }
0x1c: {  	s2 =	rddreg [dreg:$0x3];
	_ =	strace $0x80000047;
	vm1 =	vcmask $0x2F2C;
	v6 =	vsel vm0, $0x900, v6;
	[tilespmem:$0x1FF70] =	vst v1;
	v1 =	vmul.u32 $0x8, v7  }
0x1d: {  	v7 =	vsel vm0, $0xD00, v8;
	v8 =	vsel vm0, $0x1100, v9;
	v3 =	vsel vm0, $0x1900, v3  }
0x1e: {  	v4 =	vsel vm0, $0x1D00, v4;
	v5 =	vsel vm0, $0x2900, v5;
	vm0 =	vcmask $0x3330  }
0x1f: {  	s3 =	srdreg.scid;
	s5 =	stileid.u32;
	v6 =	vsel vm1, $0x980, v6;
	v7 =	vsel vm1, $0xD80, v7;
	v8 =	vsel vm1, $0x1180, v8  }
0x20: {  	s28 =	simm.s32 $0x12400;
	s29 =	simm.s32 $0x12C00;
	s30 =	simm.s32 $0x13400;
	v3 =	vsel vm1, $0x1980, v3;
	v4 =	vsel vm1, $0x1D80, v4;
	v5 =	vsel vm1, $0x2980, v5  }
0x21: {  	s16 =	simm.s32 $0x2800;
	s12 =	simm.s32 $0x5800;
	s14 =	simm.s32 $0x6800;
	vm1 =	vcmask $0x3734;
	v6 =	vsel vm0, $0xA00, v6;
	v7 =	vsel vm0, $0xE00, v7  }
0x22: {  	s17 =	simm.s32 $0x7800;
	s18 =	simm.s32 $0x1;
	s19 =	simm.s32 $0x2;
	v8 =	vsel vm0, $0x1200, v8;
	v9 =	vsel vm0, $0x1A00, v3;
	v4 =	vsel vm0, $0x1E00, v4  }
0x23: {  	s3 =	sand.u32 $0x1, s3;
	s5 =	sshll.u32 s5, $0x1;
	s7 =	sadd.s32 $0x800, s1;
	[tilespmem:$0x1FF80] =	vst v1;
	v5 =	vsel vm0, $0x2A00, v5;
	v1 =	vor.u32 $0x8, v0;
	v6 =	vsel vm1, $0xA80, v6  }
0x24: {  	s22 =	sadd.s32 $0x600, s1;
	s25 =	sadd.s32 $0x100, s8;
	[dreg:$0x5] =	wrdreg s7;
	v7 =	vsel vm1, $0xE80, v7;
	v8 =	vsel vm1, $0x1280, v8;
	v9 =	vsel vm1, $0x1A80, v9  }
0x25: {  	s5 =	sor.u32 s3, s5;
	[dreg:$0x6] =	wrdreg s22;
	s3 =	ssub.s32 $0x2, s3;
	v10 =	vsel vm1, $0x1E80, v4;
	v11 =	vsel vm1, $0x2A80, v5;
	vm1 =	vcmask $0x3B38  }
0x26: {  	[dreg:$0x9] =	wrdreg s25;
	s25 =	simm.s32 $0x11400;
	s6 =	smul.u32 $0x340, s5;
	[tilespmem:$0x1FF90] =	vst v1;
	v1 =	vmul.u32 $0x80, v0;
	v2 =	vsel vm1, $0x1300, v8  }
0x27: {  	s23 =	sshrl.u32 s3, $0x1;
	s24 =	smul.u32 $0x320, s5;
	s5 =	sshll.u32 s5, $0x5;
	[tilespmem:$0x1FFA0] =	vst v2  }
.Ltmp0:
0x28: {  	s3 =	ssub.s32 s3, s23;
	[dreg:$0x7] =	wrdreg s5;
	v4 =	vsel vm1, $0xB00, v6;
	[tilespmem:$0x1FFB0] =	vst v1;
	(pc) =	sbr.rel .LBB2_1-.Ltmp0, $4  }
0x29: {  	s5 =	simm.s32 $0x4;
	s1 =	sadd.s32 s6, s1;
	s26 =	sadd.s32 s2, s24;
	v5 =	vsel vm1, $0xF00, v7;
	[tilespmem:$0x1FFC0] =	vst v4  }
0x2a: {  	s31 =	smax.u32 s3, $0x1;
	s24 =	simm.s32 $0x10C00;
	[dreg:$0xa] =	wrdreg s26;
	v6 =	vsel vm1, $0x2B00, v11;
	[tilespmem:$0x1FFD0] =	vst v5  }
0x2b: {  	s2 =	simm.s32 $0x800;
	s1 =	sadd.s32 $0xA00, s1;
	[dreg:$0xb] =	wrdreg s31;
	vm0 =	vmmov $0xffff;
	v7 =	vor.u32 $0x800, v1;
	[tilespmem:$0x1FFE0] =	vst v6  }
0x2c: {  	s3 =	simm.s32 $0x0;
	s26 =	simm.s32 $0x11C00;
	[dreg:$0x8] =	wrdreg s1;
	v8 =	vsel vm1, $0x1B00, v9;
	v9 =	vsel vm1, $0x1F00, v10;
	vm1 =	vmmov $0xff;
	[tilespmem:$0x1FFF0] =	vst v7  }
.LBB2_24:
0x2d: {  	s1 =	rddreg [dreg:$0xa];
	s3 =	simm.s32 $0xA200;
	s5 =	simm.s32 $0x4  }
0x2e: {  	[hbm4b:s1+s4] =	stream.linear.scatter [tilespmem:s3], [sflag:$0x4], $0x1900, $0x38;
	[tilespmem:$0x13C00] =	vst v63  }
0x2f: {  	_ =	swait.ge [sflag:s5], $0x1900  }
0x30: {  	s23 =	rddreg [dreg:$0xc]  }
0x31: {  	s31 =	rddreg [dreg:$0xb];
	s3 =	sadd.s32 $0x1, s23  }
0x32: {  	v5 =	vld [tilespmem:$0x1FFD0];
	p0 =	sne.s32 s3, s31  }
.Ltmp1:
0x33: {  	v6 =	vld [tilespmem:$0x1FFE0];
	(pc) =	sbr.rel @!p0 .LBB2_25-.Ltmp1, $3  }
0x34: {  	v4 =	vld [tilespmem:$0x1FFC0];
	_ =	sdelay $0x1  }
0x35: {  	[sflag:s5] =	ssyncset.done $0x0  }
0x36: {  	v7 =	vld [tilespmem:$0x1FFF0];
	[sflag:s5] =	ssyncadd.s32 $0xFFFFE700  }
.LBB2_1:
0x37: {  	[dreg:$0xc] =	wrdreg s3  }
0x38: {  	s1 =	rddreg [dreg:$0x8];
	s31 =	simm.s32 $0x8800  }
0x39: {  	[tilespmem:s31], [sflag:$0x4] =	stream.linear.gather [hbm4b:s1+s4], $0x1A00, $0x38;
	[tilespmem:$0x13C00] =	vst v63  }
0x3a: {  	_ =	swait.ge [sflag:s5], $0x1A00  }
0x3b: {  	[sflag:s5] =	ssyncset.done $0x0  }
0x3c: {  	[sflag:s5] =	ssyncadd.s32 $0xFFFFE600  }
0x3d: {  	v12 =	vld [tilespmem:$0x8800];
	_ =	sdelay $0x2  }
0x3e: {  	v1 =	vld [tilespmem:$0x1FF70]  }
0x3f: {  	v2 =	vld [tilespmem:$0x1FF80]  }
0x40: {  	v3 =	vld [tilespmem:$0x1FF90];
	v13 =	vshll.u32 v12, $0x1  }
0x41: {  	v12 =	vand.u32 $0x7, v12;
	v13 =	vand.u32 $0xFFFFFFF0, v13  }
0x42: {  	v12 =	vor.u32 v12, v13  }
0x43: {  	v13 =	vperm.xlane v12, v1;
	_ =	sdelay $0x1  }
0x44: {  	v12 =	vperm.xlane v12, v3;
	v13 =	vadd.s32 v2, v13;
	_ =	sdelay $0x1  }
0x45: {  	v12 =	vadd.s32 v2, v12;
	_ =	sdelay $0x1  }
0x46: {  	s6 =	simm.s32 $0xBC00  }
0x47: {  	[tilespmem:s6], [sflag:$0x1] =	stream.indirect_vreg.gather [hbm4b:s0+s4], $0x80, v13, vm0, $0xb8;
	[tilespmem:$0x13C00] =	vst v63  }
0x48: {  	s7 =	simm.s32 $0xC400  }
0x49: {  	[tilespmem:s7], [sflag:$0x1] =	stream.indirect_vreg.gather [hbm4b:s0+s4], $0x80, v12, vm0, $0xb8;
	[tilespmem:$0x13C00] =	vst v63  }
0x4a: {  	v12 =	vld [tilespmem:$0x8810];
	_ =	sdelay $0x4  }
0x4b: {  	v13 =	vshll.u32 v12, $0x1  }
0x4c: {  	v12 =	vand.u32 $0x7, v12;
	v13 =	vand.u32 $0xFFFFFFF0, v13  }
0x4d: {  	v12 =	vor.u32 v12, v13  }
0x4e: {  	v13 =	vperm.xlane v12, v1;
	_ =	sdelay $0x1  }
0x4f: {  	v12 =	vperm.xlane v12, v3;
	v13 =	vadd.s32 v2, v13;
	_ =	sdelay $0x1  }
0x50: {  	v12 =	vadd.s32 v2, v12;
	_ =	sdelay $0x1  }
0x51: {  	s8 =	simm.s32 $0xCC00  }
0x52: {  	[tilespmem:s8], [sflag:$0x1] =	stream.indirect_vreg.gather [hbm4b:s0+s4], $0x80, v13, vm0, $0xb8;
	[tilespmem:$0x13C00] =	vst v63  }
0x53: {  	s9 =	simm.s32 $0xD400  }
0x54: {  	[tilespmem:s9], [sflag:$0x1] =	stream.indirect_vreg.gather [hbm4b:s0+s4], $0x80, v12, vm0, $0xb8;
	[tilespmem:$0x13C00] =	vst v63  }
0x55: {  	v12 =	vld [tilespmem:$0x8820];
	_ =	sdelay $0x4  }
0x56: {  	v13 =	vshll.u32 v12, $0x1  }
0x57: {  	v12 =	vand.u32 $0x7, v12;
	v13 =	vand.u32 $0xFFFFFFF0, v13  }
0x58: {  	v12 =	vor.u32 v12, v13  }
0x59: {  	v13 =	vperm.xlane v12, v1;
	_ =	sdelay $0x1  }
0x5a: {  	v12 =	vperm.xlane v12, v3;
	v13 =	vadd.s32 v2, v13;
	_ =	sdelay $0x1  }
0x5b: {  	v12 =	vadd.s32 v2, v12;
	_ =	sdelay $0x1  }
0x5c: {  	s10 =	simm.s32 $0xDC00  }
0x5d: {  	[tilespmem:s10], [sflag:$0x1] =	stream.indirect_vreg.gather [hbm4b:s0+s4], $0x80, v13, vm0, $0xb8;
	[tilespmem:$0x13C00] =	vst v63  }
0x5e: {  	s11 =	simm.s32 $0xE400  }
0x5f: {  	[tilespmem:s11], [sflag:$0x1] =	stream.indirect_vreg.gather [hbm4b:s0+s4], $0x80, v12, vm0, $0xb8;
	[tilespmem:$0x13C00] =	vst v63  }
0x60: {  	v12 =	vld [tilespmem:$0x8830];
	_ =	sdelay $0x4  }
0x61: {  	v13 =	vshll.u32 v12, $0x1  }
0x62: {  	v12 =	vand.u32 $0x7, v12;
	v13 =	vand.u32 $0xFFFFFFF0, v13  }
0x63: {  	v12 =	vor.u32 v12, v13  }
0x64: {  	v13 =	vperm.xlane v12, v1;
	_ =	sdelay $0x1  }
0x65: {  	v12 =	vperm.xlane v12, v3;
	v13 =	vadd.s32 v2, v13;
	_ =	sdelay $0x1  }
0x66: {  	v12 =	vadd.s32 v2, v12;
	_ =	sdelay $0x1  }
0x67: {  	s13 =	simm.s32 $0xEC00  }
0x68: {  	[tilespmem:s13], [sflag:$0x1] =	stream.indirect_vreg.gather [hbm4b:s0+s4], $0x80, v13, vm0, $0xb8;
	[tilespmem:$0x13C00] =	vst v63  }
0x69: {  	s15 =	simm.s32 $0xF400  }
0x6a: {  	[tilespmem:s15], [sflag:$0x1] =	stream.indirect_vreg.gather [hbm4b:s0+s4], $0x80, v12, vm0, $0xb8;
	[tilespmem:$0x13C00] =	vst v63  }
0x6b: {  	v12 =	vld [tilespmem:$0x8840];
	_ =	sdelay $0x4  }
0x6c: {  	v13 =	vshll.u32 v12, $0x1  }
0x6d: {  	v12 =	vand.u32 $0x7, v12;
	v13 =	vand.u32 $0xFFFFFFF0, v13  }
0x6e: {  	v12 =	vor.u32 v12, v13  }
0x6f: {  	v13 =	vperm.xlane v12, v1;
	_ =	sdelay $0x1  }
0x70: {  	v12 =	vperm.xlane v12, v3;
	v13 =	vadd.s32 v2, v13;
	_ =	sdelay $0x1  }
0x71: {  	v12 =	vadd.s32 v2, v12;
	_ =	sdelay $0x1  }
0x72: {  	s20 =	simm.s32 $0xFC00  }
0x73: {  	[tilespmem:s20], [sflag:$0x2] =	stream.indirect_vreg.gather [hbm4b:s0+s4], $0x80, v13, vm0, $0xb8;
	[tilespmem:$0x13C00] =	vst v63  }
0x74: {  	s21 =	simm.s32 $0x10400  }
0x75: {  	[tilespmem:s21], [sflag:$0x2] =	stream.indirect_vreg.gather [hbm4b:s0+s4], $0x80, v12, vm0, $0xb8;
	[tilespmem:$0x13C00] =	vst v63  }
0x76: {  	v12 =	vld [tilespmem:$0x8850];
	_ =	sdelay $0x4  }
0x77: {  	v13 =	vshll.u32 v12, $0x1  }
0x78: {  	v12 =	vand.u32 $0x7, v12;
	v13 =	vand.u32 $0xFFFFFFF0, v13  }
0x79: {  	v12 =	vor.u32 v12, v13  }
0x7a: {  	v13 =	vperm.xlane v12, v1;
	_ =	sdelay $0x1  }
0x7b: {  	v12 =	vperm.xlane v12, v3;
	v13 =	vadd.s32 v2, v13;
	_ =	sdelay $0x1  }
0x7c: {  	v12 =	vadd.s32 v2, v12;
	_ =	sdelay $0x2  }
0x7d: {  	[tilespmem:s24], [sflag:$0x2] =	stream.indirect_vreg.gather [hbm4b:s0+s4], $0x80, v13, vm0, $0xb8;
	[tilespmem:$0x13C00] =	vst v63  }
0x7e: {  	_ = 	snop  }
0x7f: {  	[tilespmem:s25], [sflag:$0x2] =	stream.indirect_vreg.gather [hbm4b:s0+s4], $0x80, v12, vm0, $0xb8;
	[tilespmem:$0x13C00] =	vst v63  }
0x80: {  	v12 =	vld [tilespmem:$0x8860];
	_ =	sdelay $0x4  }
0x81: {  	v13 =	vshll.u32 v12, $0x1  }
0x82: {  	v12 =	vand.u32 $0x7, v12;
	v13 =	vand.u32 $0xFFFFFFF0, v13  }
0x83: {  	v12 =	vor.u32 v12, v13  }
0x84: {  	v13 =	vperm.xlane v12, v1;
	_ =	sdelay $0x1  }
0x85: {  	v12 =	vperm.xlane v12, v3;
	v13 =	vadd.s32 v2, v13;
	_ =	sdelay $0x1  }
0x86: {  	v12 =	vadd.s32 v2, v12;
	_ =	sdelay $0x2  }
0x87: {  	[tilespmem:s26], [sflag:$0x2] =	stream.indirect_vreg.gather [hbm4b:s0+s4], $0x80, v13, vm0, $0xb8;
	[tilespmem:$0x13C00] =	vst v63  }
0x88: {  	_ = 	snop  }
0x89: {  	[tilespmem:s28], [sflag:$0x2] =	stream.indirect_vreg.gather [hbm4b:s0+s4], $0x80, v12, vm0, $0xb8;
	[tilespmem:$0x13C00] =	vst v63  }
0x8a: {  	v12 =	vld [tilespmem:$0x8870];
	_ =	sdelay $0x4  }
0x8b: {  	v13 =	vshll.u32 v12, $0x1  }
0x8c: {  	v12 =	vand.u32 $0x7, v12;
	v13 =	vand.u32 $0xFFFFFFF0, v13  }
0x8d: {  	v12 =	vor.u32 v12, v13  }
0x8e: {  	v13 =	vperm.xlane v12, v1;
	_ =	sdelay $0x1  }
0x8f: {  	v12 =	vperm.xlane v12, v3;
	v13 =	vadd.s32 v2, v13;
	_ =	sdelay $0x1  }
0x90: {  	v12 =	vadd.s32 v2, v12;
	_ =	sdelay $0x2  }
0x91: {  	[tilespmem:s29], [sflag:$0x2] =	stream.indirect_vreg.gather [hbm4b:s0+s4], $0x80, v13, vm0, $0xb8;
	[tilespmem:$0x13C00] =	vst v63  }
0x92: {  	_ = 	snop  }
0x93: {  	[tilespmem:s30], [sflag:$0x2] =	stream.indirect_vreg.gather [hbm4b:s0+s4], $0x80, v12, vm0, $0xb8;
	[tilespmem:$0x13C00] =	vst v63  }
0x94: {  	s22 =	rddreg [dreg:$0x6]  }
0x95: {  	[tilespmem:s4], [sflag:$0x4] =	stream.linear.gather [hbm4b:s22+s4], $0x400, $0x38;
	[tilespmem:$0x13C00] =	vst v63  }
0x96: {  	_ =	swait.ge [sflag:s5], $0x400  }
0x97: {  	[sflag:s5] =	ssyncset.done $0x0  }
0x98: {  	s31 =	simm.s32 $0x400;
	s23 =	rddreg [dreg:$0x5];
	[sflag:s5] =	ssyncadd.s32 $0xFFFFFC00  }
0x99: {  	[tilespmem:s31], [sflag:$0x4] =	stream.linear.gather [hbm4b:s23+s4], $0x400, $0x38;
	[tilespmem:$0x13C00] =	vst v63  }
0x9a: {  	_ =	swait.ge [sflag:s5], $0x400  }
0x9b: {  	[sflag:s5] =	ssyncset.done $0x0  }
0x9c: {  	[sflag:s5] =	ssyncadd.s32 $0xFFFFFC00;
	s5 =	rddreg [dreg:$0x7]  }
0x9d: {  	v12 =	vld [tilespmem:s5+$0x0];
	_ =	sdelay $0x4  }
0x9e: {  	v13 =	vshll.u32 v12, $0x1  }
0x9f: {  	v12 =	vand.u32 $0x7, v12;
	v13 =	vand.u32 $0xFFFFFFF0, v13  }
0xa0: {  	v12 =	vor.u32 v12, v13  }
0xa1: {  	v13 =	vperm.xlane v12, v1;
	_ =	sdelay $0x1  }
0xa2: {  	v12 =	vperm.xlane v12, v3;
	v13 =	vadd.s32 v2, v13;
	_ =	sdelay $0x1  }
0xa3: {  	v12 =	vadd.s32 v2, v12;
	_ =	sdelay $0x2  }
0xa4: {  	[tilespmem:s2], [sflag:$0x3] =	stream.indirect_vreg.gather [hbm4b:s0+s4], $0x80, v13, vm0, $0xb8;
	[tilespmem:$0x13C00] =	vst v63  }
0xa5: {  	s7 =	simm.s32 $0x1000  }
0xa6: {  	[tilespmem:s7], [sflag:$0x3] =	stream.indirect_vreg.gather [hbm4b:s0+s4], $0x80, v12, vm0, $0xb8;
	[tilespmem:$0x13C00] =	vst v63  }
0xa7: {  	v12 =	vld [tilespmem:s5+$0x10];
	_ =	sdelay $0x4  }
0xa8: {  	v13 =	vshll.u32 v12, $0x1  }
0xa9: {  	v12 =	vand.u32 $0x7, v12;
	v13 =	vand.u32 $0xFFFFFFF0, v13  }
0xaa: {  	v12 =	vor.u32 v12, v13  }
0xab: {  	v13 =	vperm.xlane v12, v1;
	_ =	sdelay $0x1  }
0xac: {  	v12 =	vperm.xlane v12, v3;
	v13 =	vadd.s32 v2, v13;
	_ =	sdelay $0x1  }
0xad: {  	v12 =	vadd.s32 v2, v12;
	_ =	sdelay $0x1  }
0xae: {  	s8 =	simm.s32 $0x1800  }
0xaf: {  	[tilespmem:s8], [sflag:$0x3] =	stream.indirect_vreg.gather [hbm4b:s0+s4], $0x80, v13, vm0, $0xb8;
	[tilespmem:$0x13C00] =	vst v63  }
0xb0: {  	s6 =	simm.s32 $0x3;
	s9 =	simm.s32 $0x2000  }
0xb1: {  	[tilespmem:s9], [sflag:$0x3] =	stream.indirect_vreg.gather [hbm4b:s0+s4], $0x80, v12, vm0, $0xb8;
	[tilespmem:$0x13C00] =	vst v63  }
0xb2: {  	_ =	swait.ge [sflag:s6], $0x2000  }
0xb3: {  	[sflag:s6] =	ssyncset.done $0x0  }
0xb4: {  	[sflag:s6] =	ssyncadd.s32 $0xFFFFE000  }
0xb5: {  	v12 =	vld [tilespmem:s5+$0x400];
	_ =	sdelay $0x4  }
0xb6: {  	v13 =	vshrl.u32 v12, $0x3  }
0xb7: {  	v13 =	vmul.u32 $0x18, v13  }
0xb8: {  	v12 =	vand.u32 $0x7, v12  }
0xb9: {  	v12 =	vor.u32 v12, v13  }
0xba: {  	v13 =	vperm.xlane v12, v1;
	_ =	sdelay $0x1  }
0xbb: {  	v13 =	vadd.s32 v2, v13;
	_ =	sdelay $0x1  }
0xbc: {  	v12 =	vperm.xlane v12, v3;
	_ =	sdelay $0x1  }
0xbd: {  	s10 =	rddreg [dreg:$0x1];
	v12 =	vadd.s32 v2, v12  }
0xbe: {  	[tilespmem:s16], [sflag:$0x3] =	stream.indirect_vreg.gather [hbm4b:s10+s4], $0x80, v13, vm0, $0xb8;
	[tilespmem:$0x13C00] =	vst v63  }
0xbf: {  	s7 =	simm.s32 $0x3000;
	s11 =	rddreg [dreg:$0x9]  }
0xc0: {  	[tilespmem:s7], [sflag:$0x3] =	stream.indirect_vreg.gather [hbm4b:s11+s4], $0x80, v13, vm1, $0xb8;
	[tilespmem:$0x13C00] =	vst v63  }
0xc1: {  	s13 =	simm.s32 $0x3400  }
0xc2: {  	[tilespmem:s13], [sflag:$0x3] =	stream.indirect_vreg.gather [hbm4b:s10+s4], $0x80, v12, vm0, $0xb8;
	[tilespmem:$0x13C00] =	vst v63  }
0xc3: {  	s15 =	simm.s32 $0x3C00  }
0xc4: {  	[tilespmem:s15], [sflag:$0x3] =	stream.indirect_vreg.gather [hbm4b:s11+s4], $0x80, v12, vm1, $0xb8;
	[tilespmem:$0x13C00] =	vst v63  }
0xc5: {  	v12 =	vld [tilespmem:s5+$0x410];
	_ =	sdelay $0x4  }
0xc6: {  	v13 =	vshrl.u32 v12, $0x3  }
0xc7: {  	v13 =	vmul.u32 $0x18, v13  }
0xc8: {  	v12 =	vand.u32 $0x7, v12  }
0xc9: {  	v12 =	vor.u32 v12, v13  }
0xca: {  	v13 =	vperm.xlane v12, v1;
	_ =	sdelay $0x1  }
0xcb: {  	v13 =	vadd.s32 v2, v13;
	_ =	sdelay $0x1  }
0xcc: {  	v12 =	vperm.xlane v12, v3;
	_ =	sdelay $0x1  }
0xcd: {  	s20 =	simm.s32 $0x4000;
	v12 =	vadd.s32 v2, v12  }
0xce: {  	[tilespmem:s20], [sflag:$0x3] =	stream.indirect_vreg.gather [hbm4b:s10+s4], $0x80, v13, vm0, $0xb8;
	[tilespmem:$0x13C00] =	vst v63  }
0xcf: {  	s21 =	simm.s32 $0x4800  }
0xd0: {  	[tilespmem:s21], [sflag:$0x3] =	stream.indirect_vreg.gather [hbm4b:s11+s4], $0x80, v13, vm1, $0xb8;
	[tilespmem:$0x13C00] =	vst v63  }
0xd1: {  	s22 =	simm.s32 $0x4C00  }
0xd2: {  	[tilespmem:s22], [sflag:$0x3] =	stream.indirect_vreg.gather [hbm4b:s10+s4], $0x80, v12, vm0, $0xb8;
	[tilespmem:$0x13C00] =	vst v63  }
0xd3: {  	s23 =	simm.s32 $0x5400;
	v13 =	vor.u32 s4, v4  }
0xd4: {  	[tilespmem:s23], [sflag:$0x3] =	stream.indirect_vreg.gather [hbm4b:s11+s4], $0x80, v12, vm1, $0xb8;
	v12 =	vor.u32 s4, v5;
	[tilespmem:$0x13C00] =	vst v63  }
0xd5: {  	_ =	swait.ge [sflag:s6], $0x3000  }
0xd6: {  	[sflag:s6] =	ssyncset.done $0x0  }
0xd7: {  	s31 =	simm.s32 $0x1;
	[sflag:s6] =	ssyncadd.s32 $0xFFFFD000  }
0xd8: {  	v14 =	vor.u32 s31, v5;
	v13 =	vld.idx.msk [tilespmem:v13+s2+$0x0], $0xffff  }
0xd9: {  	v16 =	vor.u32 s31, v4;
	v17 =	vld.idx.msk [tilespmem:v12+s2+$0x0], $0xffff;
	_ =	sdelay $0x3  }
0xda: {  	v15 =	vimm.f32 $0.0e+00;
	s1 =	simm.s32 $0x2;
	v14 =	vld.idx.msk [tilespmem:v14+s2+$0x0], $0xffff;
	v12 =	vimm.f32 $0.0e+00  }
.LBB2_2:
0xdb: {  	v18 =	vor.u32 s1, v5;
	v19 =	vmul.f32 v13, v13;
	v13 =	vld.idx.msk [tilespmem:v16+s2+$0x0], $0xffff;
	v17 =	vmul.f32 v17, v17;
	p0 =	sne.s32 s1, $0x7F  }
.Ltmp2:
0xdc: {  	v16 =	vor.u32 s1, v4;
	s1 =	sadd.s32 $0x1, s1;
	(pc) =	sbr.rel @p0 .LBB2_2-.Ltmp2, $2  }
0xdd: {  	v12 =	vadd.f32 v19, v12;
	v15 =	vadd.f32 v17, v15;
	_ =	sdelay $0x2  }
0xde: {  	v17 =	vmov v14;
	v14 =	vld.idx.msk [tilespmem:v18+s2+$0x0], $0xffff  }
0xdf: {  	_ =	sdelay $0x3  }
0xe0: {  	v16 =	vld.idx.msk [tilespmem:v16+s2+$0x0], $0xffff;
	v17 =	vmul.f32 v17, v17;
	_ =	sdelay $0x1  }
0xe1: {  	v15 =	vadd.f32 v17, v15;
	v14 =	vmul.f32 v14, v14  }
0xe2: {  	v13 =	vmul.f32 v13, v13  }
0xe3: {  	v14 =	vadd.f32 v14, v15  }
0xe4: {  	v12 =	vadd.f32 v13, v12;
	v13 =	vmul.f32 v16, v16  }
0xe5: {  	v15 =	vshrl.u32 v14, $0x1;
	v14 =	vmul.f32 $5.000000000e-01, v14  }
0xe6: {  	v12 =	vadd.f32 v13, v12;
	v13 =	vsub.s32 $0x5F3759DF, v15  }
0xe7: {  	v15 =	vmul.f32 v13, v14  }
0xe8: {  	v16 =	vshrl.u32 v12, $0x1;
	v12 =	vmul.f32 $5.000000000e-01, v12  }
0xe9: {  	v16 =	vsub.s32 $0x5F3759DF, v16;
	v15 =	vmul.f32 v13, v15  }
0xea: {  	v17 =	vmul.f32 v16, v12  }
0xeb: {  	v15 =	vsub.f32 $1.500000000e+00, v15  }
0xec: {  	s1 =	simm.s32 $0x0;
	v17 =	vmul.f32 v16, v17  }
0xed: {  	v13 =	vmul.f32 v13, v15;
	v15 =	vor.u32 s1, v5  }
0xee: {  	v2 =	vld [tilespmem:$0x1FFA0];
	v17 =	vsub.f32 $1.500000000e+00, v17  }
0xef: {  	v14 =	vmul.f32 v13, v14  }
0xf0: {  	v16 =	vmul.f32 v16, v17  }
0xf1: {  	v1 =	vld [tilespmem:$0x1FFB0];
	v17 =	vor.u32 s1, v4;
	v14 =	vmul.f32 v14, v13  }
0xf2: {  	v12 =	vmul.f32 v16, v12;
	v19 =	vld.idx.msk [tilespmem:v15+s2+$0x0], $0xffff  }
0xf3: {  	v18 =	vor.u32 s1, v2;
	v14 =	vsub.f32 $1.500000000e+00, v14  }
0xf4: {  	v15 =	vmul.f32 v12, v16  }
0xf5: {  	v12 =	vmul.f32 v14, v13  }
0xf6: {  	v14 =	vld.idx.msk [tilespmem:v17+s2+$0x0], $0xffff;
	v13 =	vsub.f32 $1.500000000e+00, v15;
	v15 =	vor.u32 s1, v1  }
0xf7: {  	v17 =	vmul.f32 v19, v12  }
0xf8: {  	v18 =	vld.idx.msk [tilespmem:v18+s16+$0x0], $0xffff  }
0xf9: {  	v13 =	vmul.f32 v13, v16;
	v16 =	vadd.f32 $1.000000000e+00, v17  }
0xfa: {  	s3 =	simm.s32 $0x1  }
0xfb: {  	v19 =	vmul.f32 v14, v13;
	[tilespmem:v15+s12+$0x0] =	vst.idx.msk $0xffff, v16;
	v16 =	vor.u32 s3, v5;
	_ =	sdelay $0x1  }
0xfc: {  	v17 =	vor.u32 s3, v4;
	v18 =	vsub.f32 v18, v19  }
0xfd: {  	s5 =	simm.s32 $0x2;
	s6 =	simm.s32 $0x1;
	v14 =	vor.u32 s3, v2;
	[tilespmem:v15+s14+$0x0] =	vst.idx.msk $0xffff, v19  }
.LBB2_4:
0xfe: {  	v19 =	vor.u32 s5, v2;
	p0 =	sne.s32 s5, $0x7F;
	[tilespmem:v15+s17+$0x0] =	vst.idx.msk $0xffff, v18;
	s7 =	smov.u32 s5;
	s5 =	sadd.s32 $0x1, s5  }
0xff: {  	v16 =	vld.idx.msk [tilespmem:v16+s2+$0x0], $0xffff;
	_ =	sdelay $0x1  }
0x100: {  	v17 =	vld.idx.msk [tilespmem:v17+s2+$0x0], $0xffff;
	_ =	sdelay $0x1  }
0x101: {  	v18 =	vld.idx.msk [tilespmem:v14+s16+$0x0], $0xffff;
	v14 =	vmov v19  }
0x102: {  	v15 =	vor.u32 s6, v1;
	s6 =	smov.u32 s7  }
0x103: {  	v19 =	vmul.f32 v16, v12  }
.Ltmp3:
0x104: {  	(pc) =	sbr.rel @p0 .LBB2_4-.Ltmp3, $3  }
0x105: {  	v16 =	vor.u32 s6, v5;
	v20 =	vmul.f32 v17, v13;
	v19 =	vadd.f32 $1.000000000e+00, v19;
	_ =	sdelay $0x1  }
0x106: {  	v17 =	vor.u32 s6, v4;
	v18 =	vsub.f32 v18, v20;
	[tilespmem:v15+s12+$0x0] =	vst.idx.msk $0xffff, v19  }
0x107: {  	[tilespmem:v15+s14+$0x0] =	vst.idx.msk $0xffff, v20  }
0x108: {  	_ =	sdelay $0x3  }
0x109: {  	[tilespmem:v15+s17+$0x0] =	vst.idx.msk $0xffff, v18  }
0x10a: {  	v15 =	vld.idx.msk [tilespmem:v16+s2+$0x0], $0xffff;
	_ =	sdelay $0x1  }
0x10b: {  	v16 =	vld.idx.msk [tilespmem:v17+s2+$0x0], $0xffff;
	_ =	sdelay $0x1  }
0x10c: {  	v14 =	vld.idx.msk [tilespmem:v14+s16+$0x0], $0xffff;
	v17 =	vor.u32 s6, v1  }
0x10d: {  	v12 =	vmul.f32 v15, v12;
	_ =	sdelay $0x1  }
0x10e: {  	v13 =	vmul.f32 v16, v13;
	v15 =	vor.u32 s1, v9;
	v12 =	vadd.f32 $1.000000000e+00, v12  }
0x10f: {  	v16 =	vor.u32 s1, v8  }
0x110: {  	[tilespmem:v17+s12+$0x0] =	vst.idx.msk $0xffff, v12;
	v12 =	vsub.f32 v14, v13  }
0x111: {  	[tilespmem:v17+s14+$0x0] =	vst.idx.msk $0xffff, v13  }
0x112: {  	[tilespmem:v17+s17+$0x0] =	vst.idx.msk $0xffff, v12  }
0x113: {  	v14 =	vor.u32 s3, v9;
	v17 =	vld.idx.msk [tilespmem:v15+s2+$0x0], $0xffff  }
0x114: {  	v13 =	vld.idx.msk [tilespmem:v16+s2+$0x0], $0xffff;
	v16 =	vor.u32 s3, v8;
	_ =	sdelay $0x3  }
0x115: {  	s1 =	simm.s32 $0x2;
	v12 =	vimm.f32 $0.0e+00;
	v15 =	vimm.f32 $0.0e+00;
	v14 =	vld.idx.msk [tilespmem:v14+s2+$0x0], $0xffff  }
.LBB2_6:
0x116: {  	v18 =	vor.u32 s1, v9;
	v19 =	vmul.f32 v13, v13;
	v13 =	vld.idx.msk [tilespmem:v16+s2+$0x0], $0xffff;
	v17 =	vmul.f32 v17, v17;
	p0 =	sne.s32 s1, $0x7F  }
.Ltmp4:
0x117: {  	v16 =	vor.u32 s1, v8;
	s1 =	sadd.s32 $0x1, s1;
	(pc) =	sbr.rel @p0 .LBB2_6-.Ltmp4, $2  }
0x118: {  	v12 =	vadd.f32 v19, v12;
	v15 =	vadd.f32 v17, v15;
	_ =	sdelay $0x2  }
0x119: {  	v17 =	vmov v14;
	v14 =	vld.idx.msk [tilespmem:v18+s2+$0x0], $0xffff  }
0x11a: {  	_ =	sdelay $0x3  }
0x11b: {  	v16 =	vld.idx.msk [tilespmem:v16+s2+$0x0], $0xffff;
	v17 =	vmul.f32 v17, v17;
	_ =	sdelay $0x1  }
0x11c: {  	v15 =	vadd.f32 v17, v15;
	v14 =	vmul.f32 v14, v14  }
0x11d: {  	v13 =	vmul.f32 v13, v13  }
0x11e: {  	v14 =	vadd.f32 v14, v15  }
0x11f: {  	v12 =	vadd.f32 v13, v12;
	v13 =	vmul.f32 v16, v16  }
0x120: {  	v15 =	vshrl.u32 v14, $0x1;
	v14 =	vmul.f32 $5.000000000e-01, v14  }
0x121: {  	v12 =	vadd.f32 v13, v12;
	v13 =	vsub.s32 $0x5F3759DF, v15  }
0x122: {  	v15 =	vmul.f32 v13, v14  }
0x123: {  	v16 =	vshrl.u32 v12, $0x1;
	v12 =	vmul.f32 $5.000000000e-01, v12  }
0x124: {  	v16 =	vsub.s32 $0x5F3759DF, v16;
	v15 =	vmul.f32 v13, v15  }
0x125: {  	v17 =	vmul.f32 v16, v12  }
0x126: {  	v15 =	vsub.f32 $1.500000000e+00, v15  }
0x127: {  	s31 =	simm.s32 $0x0;
	v17 =	vmul.f32 v16, v17  }
0x128: {  	v13 =	vmul.f32 v13, v15;
	v15 =	vor.u32 s31, v9  }
0x129: {  	v17 =	vsub.f32 $1.500000000e+00, v17  }
0x12a: {  	v14 =	vmul.f32 v13, v14  }
0x12b: {  	v16 =	vmul.f32 v16, v17  }
0x12c: {  	v17 =	vor.u32 s31, v8;
	v14 =	vmul.f32 v14, v13  }
0x12d: {  	v12 =	vmul.f32 v16, v12;
	v19 =	vld.idx.msk [tilespmem:v15+s2+$0x0], $0xffff  }
0x12e: {  	v18 =	vor.u32 s31, v6;
	v14 =	vsub.f32 $1.500000000e+00, v14  }
0x12f: {  	v15 =	vmul.f32 v12, v16  }
0x130: {  	v12 =	vmul.f32 v14, v13  }
0x131: {  	v14 =	vld.idx.msk [tilespmem:v17+s2+$0x0], $0xffff;
	v13 =	vsub.f32 $1.500000000e+00, v15;
	v15 =	vor.u32 s31, v7  }
0x132: {  	v17 =	vmul.f32 v19, v12  }
0x133: {  	v18 =	vld.idx.msk [tilespmem:v18+s16+$0x0], $0xffff  }
0x134: {  	v13 =	vmul.f32 v13, v16;
	v16 =	vadd.f32 $1.000000000e+00, v17  }
0x135: {  	s1 =	simm.s32 $0x1  }
0x136: {  	v19 =	vmul.f32 v14, v13;
	[tilespmem:v15+s12+$0x0] =	vst.idx.msk $0xffff, v16;
	v16 =	vor.u32 s1, v9;
	_ =	sdelay $0x1  }
0x137: {  	v17 =	vor.u32 s1, v8;
	v18 =	vsub.f32 v18, v19  }
0x138: {  	s3 =	simm.s32 $0x2;
	v14 =	vor.u32 s1, v6;
	[tilespmem:v15+s14+$0x0] =	vst.idx.msk $0xffff, v19  }
.LBB2_8:
0x139: {  	v19 =	vor.u32 s3, v6;
	p0 =	sne.s32 s3, $0x7F;
	[tilespmem:v15+s17+$0x0] =	vst.idx.msk $0xffff, v18;
	s5 =	smov.u32 s3;
	s3 =	sadd.s32 $0x1, s3  }
0x13a: {  	v16 =	vld.idx.msk [tilespmem:v16+s2+$0x0], $0xffff;
	_ =	sdelay $0x1  }
0x13b: {  	v17 =	vld.idx.msk [tilespmem:v17+s2+$0x0], $0xffff;
	_ =	sdelay $0x1  }
0x13c: {  	v18 =	vld.idx.msk [tilespmem:v14+s16+$0x0], $0xffff;
	v14 =	vmov v19  }
0x13d: {  	v15 =	vor.u32 s1, v7;
	s1 =	smov.u32 s5  }
0x13e: {  	v19 =	vmul.f32 v16, v12  }
.Ltmp5:
0x13f: {  	(pc) =	sbr.rel @p0 .LBB2_8-.Ltmp5, $3  }
0x140: {  	v16 =	vor.u32 s1, v9;
	v20 =	vmul.f32 v17, v13;
	v19 =	vadd.f32 $1.000000000e+00, v19;
	_ =	sdelay $0x1  }
0x141: {  	v17 =	vor.u32 s1, v8;
	v18 =	vsub.f32 v18, v20;
	[tilespmem:v15+s12+$0x0] =	vst.idx.msk $0xffff, v19  }
0x142: {  	[tilespmem:v15+s14+$0x0] =	vst.idx.msk $0xffff, v20  }
0x143: {  	_ =	sdelay $0x3  }
0x144: {  	[tilespmem:v15+s17+$0x0] =	vst.idx.msk $0xffff, v18  }
0x145: {  	v15 =	vld.idx.msk [tilespmem:v16+s2+$0x0], $0xffff;
	_ =	sdelay $0x1  }
0x146: {  	v61 =	vld.idx.msk [tilespmem:v17+s2+$0x0], $0xffff;
	_ =	sdelay $0x1  }
0x147: {  	v62 =	vor.u32 s1, v7;
	v14 =	vld.idx.msk [tilespmem:v14+s16+$0x0], $0xffff  }
0x148: {  	v12 =	vmul.f32 v15, v12;
	_ =	sdelay $0x1  }
0x149: {  	v13 =	vmul.f32 v61, v13;
	v12 =	vadd.f32 $1.000000000e+00, v12;
	_ =	sdelay $0x1  }
0x14a: {  	v63 =	vsub.f32 v14, v13;
	[tilespmem:v62+s12+$0x0] =	vst.idx.msk $0xffff, v12  }
0x14b: {  	[tilespmem:v62+s14+$0x0] =	vst.idx.msk $0xffff, v13  }
0x14c: {  	s3 =	simm.s32 $0x0;
	s20 =	simm.s32 $0x0;
	[tilespmem:v62+s17+$0x0] =	vst.idx.msk $0xffff, v63  }
.LBB2_10:
0x14d: {  	_ =	swait.ge [sflag:s18], $0x4000  }
0x14e: {  	[sflag:s18] =	ssyncset.done $0x0  }
0x14f: {  	s5 =	simm.s32 $0x0;
	s6 =	simm.s32 $0x0;
	[sflag:s18] =	ssyncadd.s32 $0xFFFFC000  }
.LBB2_11:
0x150: {  	s1 =	sshll.u32 s3, $0x7  }
0x151: {  	v15 =	vld [tilespmem:s1+$0x5800]  }
0x152: {  	v16 =	vld [tilespmem:s1+$0x5810]  }
0x153: {  	v17 =	vld [tilespmem:s1+$0x5820]  }
0x154: {  	v18 =	vld [tilespmem:s1+$0x5830]  }
0x155: {  	v20 =	vld [tilespmem:s1+$0x5840]  }
0x156: {  	v21 =	vld [tilespmem:s1+$0x5850]  }
0x157: {  	v22 =	vld [tilespmem:s1+$0x5860]  }
0x158: {  	v24 =	vld [tilespmem:s1+$0x5870]  }
0x159: {  	v25 =	vld [tilespmem:s1+$0x6800]  }
0x15a: {  	v26 =	vld [tilespmem:s1+$0x6810]  }
0x15b: {  	v27 =	vld [tilespmem:s1+$0x6820]  }
0x15c: {  	v28 =	vld [tilespmem:s1+$0x6830]  }
0x15d: {  	v29 =	vld [tilespmem:s1+$0x6840]  }
0x15e: {  	v30 =	vld [tilespmem:s1+$0x6850]  }
0x15f: {  	v31 =	vld [tilespmem:s1+$0x6860]  }
0x160: {  	v12 =	vld [tilespmem:s1+$0x6870]  }
0x161: {  	v33 =	vld [tilespmem:s1+$0x7800]  }
0x162: {  	v32 =	vld [tilespmem:s1+$0x7810]  }
0x163: {  	v34 =	vld [tilespmem:s1+$0x7820]  }
0x164: {  	s7 =	sshll.u32 s6, $0xE;
	v23 =	vld [tilespmem:s1+$0x7830]  }
0x165: {  	v19 =	vld [tilespmem:s1+$0x7840];
	s7 =	sshra.s32 s7, $0x2  }
0x166: {  	s22 =	sand.u32 $0x800, s5;
	s9 =	simm.s32 $0x0;
	v35 =	vld [tilespmem:s1+$0x7850];
	s8 =	sadd.s32 $0xBC00, s7  }
0x167: {  	v13 =	vld [tilespmem:s1+$0x7860];
	s9 =	sand.u32 $0x300, s9;
	s7 =	sadd.s32 s22, s8  }
0x168: {  	v14 =	vld [tilespmem:s1+$0x7870];
	s23 =	sadd.s32 s9, s7  }
0x169: {  	v36 =	vld [tilespmem:s23+$0x400]  }
0x16a: {  	v37 =	vld [tilespmem:s23+$0x460]  }
0x16b: {  	v38 =	vld [tilespmem:s23+$0x450]  }
0x16c: {  	v39 =	vld [tilespmem:s23+$0x410]  }
0x16d: {  	v44 =	vld [tilespmem:s23+$0x20]  }
0x16e: {  	v45 =	vld [tilespmem:s23+$0x420]  }
0x16f: {  	v48 =	vld [tilespmem:s23+$0x30]  }
0x170: {  	v49 =	vld [tilespmem:s23+$0x430]  }
0x171: {  	v52 =	vld [tilespmem:s23+$0x40]  }
0x172: {  	v53 =	vld [tilespmem:s23+$0x440]  }
0x173: {  	s11 =	simm.s32 $0x80;
	v58 =	vld [tilespmem:s23+$0x470]  }
0x174: {  	s9 =	sand.u32 $0x380, s11;
	v60 =	vld [tilespmem:s23+$0x0]  }
0x175: {  	s7 =	sadd.s32 s9, s7;
	v62 =	vld [tilespmem:s23+$0x10]  }
0x176: {  	v40 =	vld [tilespmem:s7+$0x440]  }
0x177: {  	v41 =	vld [tilespmem:s7+$0x400]  }
0x178: {  	v42 =	vld [tilespmem:s7+$0x10]  }
0x179: {  	v43 =	vld [tilespmem:s7+$0x410]  }
0x17a: {  	v46 =	vld [tilespmem:s7+$0x20]  }
0x17b: {  	v47 =	vld [tilespmem:s7+$0x420]  }
0x17c: {  	v50 =	vld [tilespmem:s7+$0x30]  }
0x17d: {  	v51 =	vld [tilespmem:s7+$0x430]  }
0x17e: {  	v54 =	vld [tilespmem:s7+$0x40]  }
0x17f: {  	v55 =	vld [tilespmem:s7+$0x450]  }
0x180: {  	v56 =	vld [tilespmem:s7+$0x460]  }
0x181: {  	v57 =	vld [tilespmem:s7+$0x470];
	v36 =	vmul.f32 v36, v36;
	v39 =	vmul.f32 v39, v39  }
0x182: {  	v59 =	vld [tilespmem:s7+$0x0];
	v43 =	vmul.f32 v43, v43;
	v41 =	vmul.f32 v41, v41  }
0x183: {  	v5 =	vmul.f32 v45, v45;
	v4 =	vmul.f32 v53, v53;
	v53 =	vld [tilespmem:s7+$0x60];
	v36 =	vadd.f32 v39, v36  }
0x184: {  	v45 =	vld [tilespmem:s23+$0x70];
	v47 =	vmul.f32 v47, v47;
	v41 =	vadd.f32 v43, v41  }
0x185: {  	s13 =	simm.s32 $0x200;
	v61 =	vmul.f32 v49, v49;
	v63 =	vmul.f32 v51, v51;
	v51 =	vld [tilespmem:s7+$0x50];
	v36 =	vadd.f32 v5, v36  }
0x186: {  	s15 =	simm.s32 $0x100;
	v38 =	vmul.f32 v38, v38;
	v41 =	vadd.f32 v47, v41;
	v47 =	vld [tilespmem:s7+$0x70];
	s7 =	sand.u32 $0x800, s13  }
0x187: {  	s9 =	sand.u32 $0x300, s15;
	v37 =	vmul.f32 v37, v37;
	v60 =	vmul.f32 v60, v60;
	v39 =	vld [tilespmem:s23+$0x50];
	v36 =	vadd.f32 v61, v36;
	s7 =	sadd.s32 s7, s8  }
0x188: {  	v40 =	vmul.f32 v40, v40;
	v5 =	vmul.f32 v55, v55;
	v55 =	vld [tilespmem:s23+$0x60];
	v41 =	vadd.f32 v63, v41;
	s10 =	sadd.s32 s9, s7  }
0x189: {  	s21 =	simm.s32 $0x180;
	v42 =	vmul.f32 v42, v42;
	v59 =	vmul.f32 v59, v59;
	v36 =	vadd.f32 v4, v36;
	v49 =	vld [tilespmem:s10+$0x400]  }
0x18a: {  	s1 =	sand.u32 $0x380, s21;
	v61 =	vmul.f32 v62, v62;
	v63 =	vmul.f32 v46, v46;
	v46 =	vld [tilespmem:s10+$0x460];
	v40 =	vadd.f32 v40, v41  }
0x18b: {  	v62 =	vadd.f32 v42, v59;
	s22 =	sadd.s32 s1, s7;
	v4 =	vmul.f32 v56, v56;
	v56 =	vld [tilespmem:s10+$0x450];
	v36 =	vadd.f32 v38, v36  }
0x18c: {  	v43 =	vld [tilespmem:s22+$0x400];
	v41 =	vadd.f32 v61, v60;
	v40 =	vadd.f32 v5, v40;
	v5 =	vmul.f32 v44, v44  }
0x18d: {  	v59 =	vmul.f32 v50, v50;
	v60 =	vld [tilespmem:s10+$0x410];
	v36 =	vadd.f32 v37, v36;
	v37 =	vadd.f32 v63, v62  }
0x18e: {  	v58 =	vmul.f32 v58, v58;
	v38 =	vld [tilespmem:s10+$0x20];
	v62 =	vmul.f32 v48, v48;
	v41 =	vadd.f32 v5, v41  }
0x18f: {  	v48 =	vld [tilespmem:s22+$0x440];
	v63 =	vmul.f32 v54, v54;
	v40 =	vadd.f32 v4, v40;
	v37 =	vadd.f32 v59, v37  }
0x190: {  	v54 =	vld [tilespmem:s10+$0x0];
	v5 =	vmul.f32 v52, v52;
	v36 =	vadd.f32 v58, v36;
	v41 =	vadd.f32 v62, v41  }
0x191: {  	v4 =	vmul.f32 v57, v57;
	v52 =	vld [tilespmem:s22+$0x10];
	v58 =	vmul.f32 v51, v51;
	v57 =	vadd.f32 v63, v37  }
0x192: {  	v39 =	vmul.f32 v39, v39;
	v61 =	vmul.f32 v53, v53;
	v59 =	vld [tilespmem:s22+$0x410];
	(xrf2) =	vadd.scan.msk.f32 $0xffff, v36;
	v41 =	vadd.f32 v5, v41  }
0x193: {  	v49 =	vmul.f32 v49, v49;
	v50 =	vmul.f32 v60, v60;
	v60 =	vld [tilespmem:s22+$0x430];
	v36 =	vadd.f32 v58, v57  }
0x194: {  	v40 =	vadd.f32 v4, v40;
	v62 =	vld [tilespmem:s10+$0x420];
	v63 =	vmul.f32 v55, v55;
	v39 =	vadd.f32 v39, v41  }
0x195: {  	v4 =	vmul.f32 v47, v47;
	v5 =	vld [tilespmem:s22+$0x420];
	v36 =	vadd.f32 v61, v36  }
0x196: {  	v49 =	vadd.f32 v50, v49;
	v50 =	vld [tilespmem:s22+$0x0];
	(xrf2) =	vadd.scan.msk.f32 $0xffff, v40;
	v57 =	vmul.f32 v45, v45;
	v42 =	vadd.f32 v63, v39  }
0x197: {  	v55 =	vld [tilespmem:s10+$0x10];
	v36 =	vadd.f32 v4, v36  }
0x198: {  	v43 =	vmul.f32 v43, v43;
	v58 =	vld [tilespmem:s10+$0x430];
	v51 =	vmul.f32 v59, v59;
	v45 =	vadd.f32 v57, v42  }
0x199: {  	v40 =	vld [tilespmem:s22+$0x20];
	(xrf2) =	vadd.scan.msk.f32 $0xffff, v36  }
0x19a: {  	v56 =	vmul.f32 v56, v56;
	v63 =	vld [tilespmem:s10+$0x440];
	v51 =	vadd.f32 v51, v43;
	v47 =	vmul.f32 v5, v5;
	(xrf2) =	vadd.scan.msk.f32 $0xffff, v45  }
0x19b: {  	v48 =	vmul.f32 v48, v48;
	v62 =	vmul.f32 v62, v62;
	v5 =	vld [tilespmem:s22+$0x450]  }
0x19c: {  	v41 =	vld [tilespmem:s10+$0x40];
	v60 =	vmul.f32 v60, v60;
	v4 =	vmov s5;
	v47 =	vadd.f32 v47, v51;
	v61, _, _ =	vpop (xrf2)  }
0x19d: {  	v49 =	vadd.f32 v62, v49;
	v37 =	vmul.f32 v58, v58;
	v45 =	vbroadcast v61, $0xF;
	v61 =	vld [tilespmem:s22+$0x460]  }
0x19e: {  	v44 =	vmul.f32 v52, v52;
	vm2 =	veq.s32 v4, v0;
	v58 =	vld [tilespmem:s10+$0x470];
	v47 =	vadd.f32 v60, v47  }
0x19f: {  	s23 =	simm.s32 $0x1;
	v57 =	vld [tilespmem:s22+$0x470];
	v36 =	vimm.f32 $0.0e+00;
	v37 =	vadd.f32 v37, v49;
	v62 =	vmul.f32 v63, v63  }
0x1a0: {  	v39 =	vld [tilespmem:s10+$0x30];
	v63 =	vmov s23;
	v59, _, _ =	vpop (xrf2);
	v4 =	vmul.f32 v5, v5;
	v47 =	vadd.f32 v48, v47  }
0x1a1: {  	v43 =	vld [tilespmem:s22+$0x40];
	vm3 =	veq.s32 v63, v0;
	v52 =	vbroadcast v59, $0xF;
	v37 =	vadd.f32 v62, v37  }
0x1a2: {  	v42 =	vld [tilespmem:s22+$0x30];
	v59 =	vmul.f32 v46, v46;
	v60 =	vadd.f32 v4, v47;
	v53 =	vmul.f32 v61, v61  }
0x1a3: {  	v46 =	vld [tilespmem:s22+$0x50];
	v51 =	vmul.f32 v58, v58;
	v45 =	vsel vm2, v45, v36;
	v56 =	vadd.f32 v56, v37;
	v5, _, _ =	vpop (xrf2)  }
0x1a4: {  	s11 =	simm.s32 $0x400;
	v37 =	vsel vm3, v52, v45;
	v47 =	vld [tilespmem:s22+$0x60];
	v52 =	vadd.f32 v53, v60;
	v53 =	vmul.f32 v57, v57;
	v63, _, _ =	vpop (xrf2)  }
0x1a5: {  	s1 =	simm.s32 $0x2;
	s7 =	simm.s32 $0x4;
	s9 =	simm.s32 $0x280;
	v45 =	vld [tilespmem:s22+$0x70];
	v56 =	vadd.f32 v59, v56;
	v48 =	vbroadcast v5, $0xF;
	v49 =	vbroadcast v63, $0xF  }
.LBB2_12:
0x1a6: {  	s15 =	sand.u32 $0x800, s11  }
0x1a7: {  	s21 =	sadd.s32 $0xFFFFFF80, s9;
	p0 =	slt.u32 s7, $0xE;
	v54 =	vmul.f32 v54, v54;
	v57 =	vld [tilespmem:s10+$0x50];
	v50 =	vmul.f32 v50, v50;
	v36 =	vsel vm2, v49, v36;
	s13 =	smov.u32 s7  }
0x1a8: {  	s7 =	sadd.s32 $0x2, s7;
	s21 =	sand.u32 $0x300, s21;
	s15 =	sadd.s32 s15, s8;
	v49 =	vmul.f32 v55, v55;
	v55 =	vld [tilespmem:s10+$0x60];
	v51 =	vadd.f32 v51, v56;
	v36 =	vsel vm3, v48, v36  }
0x1a9: {  	v40 =	vmul.f32 v40, v40;
	v48 =	vld [tilespmem:s10+$0x70];
	s10 =	sadd.s32 s21, s15;
	v44 =	vadd.f32 v44, v50;
	v50 =	vadd.f32 v53, v52  }
0x1aa: {  	v38 =	vmul.f32 v38, v38;
	v52 =	vld [tilespmem:s10+$0x400];
	v49 =	vadd.f32 v49, v54;
	(xrf2) =	vadd.scan.msk.f32 $0xffff, v51  }
0x1ab: {  	v42 =	vmul.f32 v42, v42;
	v51 =	vld [tilespmem:s10+$0x460];
	v40 =	vadd.f32 v40, v44  }
0x1ac: {  	v39 =	vmul.f32 v39, v39;
	s21 =	sand.u32 $0x380, s9;
	v53 =	vld [tilespmem:s10+$0x450];
	v38 =	vadd.f32 v38, v49  }
0x1ad: {  	s15 =	sadd.s32 s21, s15;
	v44 =	vld [tilespmem:s10+$0x410];
	v40 =	vadd.f32 v42, v40;
	v42 =	vmul.f32 v43, v43;
	(xrf2) =	vadd.scan.msk.f32 $0xffff, v50  }
0x1ae: {  	v49 =	vld [tilespmem:s15+$0x440];
	v38 =	vadd.f32 v39, v38;
	v39 =	vmul.f32 v41, v41  }
0x1af: {  	v41 =	vld [tilespmem:s15+$0x400];
	v40 =	vadd.f32 v42, v40;
	v42 =	vmul.f32 v46, v46  }
0x1b0: {  	v46 =	vmul.f32 v55, v55;
	v43 =	vld [tilespmem:s15+$0x10];
	v39 =	vadd.f32 v39, v38  }
0x1b1: {  	v54 =	vmul.f32 v57, v57;
	v50 =	vld [tilespmem:s15+$0x410];
	v40 =	vadd.f32 v42, v40;
	v42 =	vmul.f32 v47, v47  }
0x1b2: {  	v47 =	vmul.f32 v52, v52;
	v1 =	vmul.f32 v44, v44;
	v38 =	vld [tilespmem:s10+$0x20]  }
0x1b3: {  	v45 =	vmul.f32 v45, v45;
	v39 =	vadd.f32 v54, v39;
	v52 =	vld [tilespmem:s10+$0x420];
	v42 =	vadd.f32 v42, v40  }
0x1b4: {  	v48 =	vmul.f32 v48, v48;
	v47 =	vadd.f32 v1, v47;
	v40 =	vld [tilespmem:s15+$0x20];
	v44, _, _ =	vpop (xrf2)  }
0x1b5: {  	v46 =	vadd.f32 v46, v39;
	v54 =	vld [tilespmem:s15+$0x420];
	v55 =	vbroadcast v44, $0xF;
	v42 =	vadd.f32 v45, v42  }
0x1b6: {  	v44 =	vmul.f32 v43, v43;
	v39 =	vld [tilespmem:s10+$0x30];
	v43 =	vmul.f32 v50, v50  }
0x1b7: {  	v46 =	vadd.f32 v48, v46;
	v48 =	vmov s1;
	v45 =	vld [tilespmem:s10+$0x430];
	(xrf2) =	vadd.scan.msk.f32 $0xffff, v42;
	v50, _, _ =	vpop (xrf2)  }
0x1b8: {  	s21 =	sadd.s32 $0x1, s1;
	s1 =	smov.u32 s13;
	vm2 =	veq.s32 v48, v0;
	v52 =	vmul.f32 v52, v52;
	v42 =	vld [tilespmem:s15+$0x30];
	v48 =	vbroadcast v50, $0xF  }
0x1b9: {  	v50 =	vmul.f32 v41, v41;
	v37 =	vsel vm2, v55, v37;
	v55 =	vmov s21;
	v56 =	vld [tilespmem:s15+$0x430]  }
0x1ba: {  	vm3 =	veq.s32 v55, v0;
	v47 =	vadd.f32 v52, v47;
	v41 =	vld [tilespmem:s10+$0x40];
	v52 =	vmul.f32 v54, v54;
	(xrf2) =	vadd.scan.msk.f32 $0xffff, v46  }
0x1bb: {  	v37 =	vsel vm3, v48, v37;
	v46 =	vld [tilespmem:s10+$0x440]  }
0x1bc: {  	v48 =	vadd.f32 v43, v50;
	v45 =	vmul.f32 v45, v45;
	v43 =	vld [tilespmem:s15+$0x40]  }
0x1bd: {  	v55 =	vld [tilespmem:s15+$0x450]  }
0x1be: {  	v48 =	vadd.f32 v52, v48;
	v50 =	vmul.f32 v56, v56;
	v52 =	vld [tilespmem:s15+$0x460]  }
0x1bf: {  	v49 =	vmul.f32 v49, v49;
	v57 =	vld [tilespmem:s15+$0x470]  }
0x1c0: {  	v45 =	vadd.f32 v45, v47;
	v46 =	vmul.f32 v46, v46;
	v47 =	vld [tilespmem:s10+$0x470];
	v48 =	vadd.f32 v50, v48  }
0x1c1: {  	v53 =	vmul.f32 v53, v53;
	v50 =	vld [tilespmem:s15+$0x0];
	v56, _, _ =	vpop (xrf2)  }
.Ltmp6:
0x1c2: {  	v54 =	vld [tilespmem:s10+$0x0];
	v45 =	vadd.f32 v46, v45;
	v48 =	vadd.f32 v49, v48;
	v1 =	vmul.f32 v55, v55;
	(pc) =	sbr.rel @p0 .LBB2_12-.Ltmp6, $4  }
0x1c3: {  	v58 =	vmul.f32 v51, v51;
	v55 =	vld [tilespmem:s10+$0x10];
	v52 =	vmul.f32 v52, v52  }
0x1c4: {  	v45 =	vadd.f32 v53, v45;
	v46 =	vld [tilespmem:s15+$0x50];
	v53 =	vadd.f32 v1, v48;
	v48 =	vbroadcast v56, $0xF;
	v49, _, _ =	vpop (xrf2)  }
0x1c5: {  	v51 =	vmul.f32 v47, v47;
	v47 =	vld [tilespmem:s15+$0x60];
	v49 =	vbroadcast v49, $0xF  }
0x1c6: {  	s11 =	sadd.s32 $0x200, s11;
	s9 =	sadd.s32 $0x100, s9;
	v56 =	vadd.f32 v58, v45;
	v52 =	vadd.f32 v52, v53;
	v45 =	vld [tilespmem:s15+$0x70];
	v53 =	vmul.f32 v57, v57  }
0x1c7: {  	v50 =	vmul.f32 v50, v50  }
0x1c8: {  	v54 =	vmul.f32 v54, v54;
	v55 =	vmul.f32 v55, v55  }
0x1c9: {  	v40 =	vmul.f32 v40, v40;
	v44 =	vadd.f32 v44, v50  }
0x1ca: {  	v38 =	vmul.f32 v38, v38;
	v4 =	vadd.f32 v55, v54  }
0x1cb: {  	v5 =	vld [tilespmem:s10+$0x50];
	v42 =	vmul.f32 v42, v42;
	v40 =	vadd.f32 v40, v44  }
0x1cc: {  	v39 =	vmul.f32 v39, v39;
	v38 =	vadd.f32 v38, v4  }
0x1cd: {  	v50 =	vld [tilespmem:s10+$0x60];
	v55 =	vmul.f32 v43, v43;
	v40 =	vadd.f32 v42, v40  }
0x1ce: {  	v57 =	vmul.f32 v41, v41;
	v38 =	vadd.f32 v39, v38  }
0x1cf: {  	v58 =	vld [tilespmem:s10+$0x70];
	v59 =	vmul.f32 v46, v46;
	v40 =	vadd.f32 v55, v40  }
0x1d0: {  	v60 =	vmul.f32 v5, v5;
	v38 =	vadd.f32 v57, v38  }
0x1d1: {  	v63 =	vadd.f32 v51, v56;
	v61 =	vmul.f32 v47, v47;
	v40 =	vadd.f32 v59, v40  }
0x1d2: {  	v5 =	vadd.f32 v53, v52;
	v62 =	vmul.f32 v50, v50;
	v38 =	vadd.f32 v60, v38  }
0x1d3: {  	(xrf2) =	vadd.scan.msk.f32 $0xffff, v63;
	v4 =	vmul.f32 v45, v45;
	v40 =	vadd.f32 v61, v40  }
0x1d4: {  	v41 =	vmul.f32 v58, v58;
	(xrf2) =	vadd.scan.msk.f32 $0xffff, v5;
	v38 =	vadd.f32 v62, v38  }
0x1d5: {  	v45 =	vadd.f32 v4, v40  }
0x1d6: {  	v38 =	vadd.f32 v41, v38  }
0x1d7: {  	(xrf2) =	vadd.scan.msk.f32 $0xffff, v45  }
0x1d8: {  	(xrf2) =	vadd.scan.msk.f32 $0xffff, v38;
	_ =	sdelay $0x4  }
0x1d9: {  	v46, _, _ =	vpop (xrf2)  }
0x1da: {  	v36 =	vsel vm2, v49, v36;
	s13 =	sadd.s32 $0x1, s1;
	v51 =	vmov s1;
	v47, _, _ =	vpop (xrf2);
	v38 =	vbroadcast v46, $0xF  }
0x1db: {  	vm2 =	veq.s32 v51, v0;
	v52 =	vmov s13;
	v39 =	vbroadcast v47, $0xF  }
0x1dc: {  	v36 =	vsel vm3, v48, v36;
	vm3 =	veq.s32 v52, v0;
	v37 =	vsel vm2, v38, v37  }
0x1dd: {  	v37 =	vsel vm3, v39, v37;
	v49, _, _ =	vpop (xrf2)  }
0x1de: {  	v39 =	vshrl.u32 v37, $0x1;
	v37 =	vmul.f32 $5.000000000e-01, v37;
	v50, _, _ =	vpop (xrf2)  }
0x1df: {  	v39 =	vsub.s32 $0x5F3759DF, v39;
	v41 =	vbroadcast v50, $0xF  }
0x1e0: {  	v55 =	vmul.f32 v39, v37;
	v40 =	vbroadcast v49, $0xF  }
0x1e1: {  	v36 =	vsel vm2, v41, v36  }
0x1e2: {  	v41 =	vmul.f32 v39, v55;
	v36 =	vsel vm3, v40, v36  }
0x1e3: {  	v53 =	vshrl.u32 v36, $0x1;
	v36 =	vmul.f32 $5.000000000e-01, v36  }
0x1e4: {  	v41 =	vsub.f32 $1.500000000e+00, v41;
	v38 =	vsub.s32 $0x5F3759DF, v53  }
0x1e5: {  	v54 =	vmul.f32 v38, v36  }
0x1e6: {  	s9 =	simm.s32 $0x0;
	v39 =	vmul.f32 v39, v41  }
0x1e7: {  	s15 =	simm.s32 $0x80;
	s7 =	sand.u32 $0x800, s9;
	v40 =	vmul.f32 v38, v54  }
0x1e8: {  	s1 =	sand.u32 $0x380, s15;
	s21 =	sadd.s32 s7, s8;
	v37 =	vmul.f32 v39, v37  }
0x1e9: {  	s7 =	sadd.s32 s1, s21;
	v40 =	vsub.f32 $1.500000000e+00, v40  }
0x1ea: {  	s22 =	simm.s32 $0x0;
	v56 =	vld [tilespmem:s7+$0x70];
	v37 =	vmul.f32 v37, v39  }
0x1eb: {  	s1 =	sand.u32 $0x300, s22;
	v63 =	vld [tilespmem:s7+$0x430];
	v38 =	vmul.f32 v38, v40  }
0x1ec: {  	s1 =	sadd.s32 s1, s21;
	v58 =	vld [tilespmem:s7+$0x40];
	v37 =	vsub.f32 $1.500000000e+00, v37  }
0x1ed: {  	v62 =	vld [tilespmem:s1+$0x470];
	v36 =	vmul.f32 v38, v36  }
0x1ee: {  	v49 =	vld [tilespmem:s1+$0x450];
	v37 =	vmul.f32 v37, v39  }
0x1ef: {  	v43 =	vmov s9;
	v6 =	vld [tilespmem:s1+$0x460];
	v36 =	vmul.f32 v36, v38  }
0x1f0: {  	v1 =	vld [tilespmem:s1+$0x50];
	v51 =	vperm.xlane v37, v43  }
0x1f1: {  	v57 =	vld [tilespmem:s7+$0x50];
	v36 =	vsub.f32 $1.500000000e+00, v36  }
0x1f2: {  	v39 =	vmul.f32 v62, v51;
	v62 =	vld [tilespmem:s1+$0x430]  }
0x1f3: {  	s23 =	simm.s32 $0x1;
	v59 =	vld [tilespmem:s7+$0x30];
	v49 =	vmul.f32 v49, v51;
	v36 =	vmul.f32 v36, v38  }
0x1f4: {  	v61 =	vld [tilespmem:s1+$0x70];
	v45 =	vmov s23;
	v6 =	vmul.f32 v6, v51;
	v39 =	vmul.f32 v39, v12  }
0x1f5: {  	v52 =	vld [tilespmem:s7+$0x60];
	v49 =	vmul.f32 v49, v30;
	v48 =	vperm.xlane v36, v45  }
0x1f6: {  	v2 =	vld [tilespmem:s1+$0x0];
	v6 =	vmul.f32 v6, v31;
	v50 =	vperm.xlane v36, v43  }
0x1f7: {  	v7 =	vld [tilespmem:s1+$0x30];
	v62 =	vmul.f32 v62, v51;
	v40 =	vmul.f32 v56, v48  }
0x1f8: {  	v5 =	vld [tilespmem:s7+$0x20];
	v41 =	vmul.f32 v57, v48;
	v42 =	vmul.f32 v58, v48  }
0x1f9: {  	v60 =	vld [tilespmem:s7+$0x440];
	v44 =	vmul.f32 v59, v48;
	v38 =	vmul.f32 v61, v50  }
0x1fa: {  	v4 =	vld [tilespmem:s7+$0x420];
	v56 =	vperm.xlane v37, v45;
	v52 =	vmul.f32 v52, v48  }
0x1fb: {  	v47 =	vld [tilespmem:s7+$0x450];
	v1 =	vmul.f32 v1, v50;
	v2 =	vmul.f32 v2, v50  }
0x1fc: {  	v3 =	vld [tilespmem:s7+$0x410];
	v7 =	vmul.f32 v7, v50;
	v55 =	vmul.f32 v40, v24  }
0x1fd: {  	v44 =	vmul.f32 v44, v18;
	v38 =	vmul.f32 v38, v24  }
0x1fe: {  	v41 =	vmul.f32 v41, v21;
	v53 =	vmul.f32 v63, v56  }
0x1ff: {  	v46 =	vmul.f32 v60, v56;
	v54 =	vmul.f32 v4, v56  }
0x200: {  	v57 =	vld [tilespmem:s7+$0x10];
	v40 =	vmul.f32 v5, v48;
	v47 =	vmul.f32 v47, v56  }
0x201: {  	v58 =	vld [tilespmem:s7+$0x400];
	v3 =	vmul.f32 v3, v56;
	v1 =	vmul.f32 v1, v21  }
0x202: {  	v59 =	vld [tilespmem:s1+$0x60];
	v2 =	vmul.f32 v2, v15;
	v7 =	vmul.f32 v7, v18  }
0x203: {  	v61 =	vld [tilespmem:s7+$0x0];
	v42 =	vmul.f32 v42, v20;
	v53 =	vmul.f32 v53, v28  }
0x204: {  	v60 =	vld [tilespmem:s1+$0x420];
	v63 =	vmul.f32 v40, v17;
	v54 =	vmul.f32 v54, v27  }
0x205: {  	v38 =	vsub.f32 v38, v39;
	v3 =	vmul.f32 v3, v26;
	v47 =	vmul.f32 v47, v30  }
0x206: {  	v1 =	vsub.f32 v1, v49;
	v46 =	vmul.f32 v46, v29;
	v58 =	vmul.f32 v58, v56  }
0x207: {  	v59 =	vmul.f32 v59, v50;
	v57 =	vmul.f32 v57, v48;
	v44 =	vsub.f32 v44, v53  }
0x208: {  	v40 =	vld [tilespmem:s1+$0x400];
	v48 =	vmul.f32 v61, v48;
	v54 =	vsub.f32 v63, v54;
	v1 =	vadd.f32 v1, v35  }
0x209: {  	v39 =	vld [tilespmem:s1+$0x10];
	v41 =	vsub.f32 v41, v47;
	v60 =	vmul.f32 v60, v51;
	v58 =	vmul.f32 v58, v25  }
0x20a: {  	v53 =	vld [tilespmem:s1+$0x410];
	v42 =	vsub.f32 v42, v46;
	v59 =	vmul.f32 v59, v22;
	v48 =	vmul.f32 v48, v15  }
0x20b: {  	v63 =	vld [tilespmem:s7+$0x460];
	v49 =	vmul.f32 v57, v16;
	v44 =	vadd.f32 v44, v23;
	v54 =	vadd.f32 v54, v34  }
0x20c: {  	v57 =	vld [tilespmem:s7+$0x470];
	v1 =	vand.u32 $0x7FFFFFFF, v1;
	v42 =	vadd.f32 v42, v19;
	v60 =	vmul.f32 v60, v27  }
0x20d: {  	v61 =	vmul.f32 v40, v51;
	v40 =	vadd.f32 v38, v14;
	v6 =	vsub.f32 v59, v6  }
0x20e: {  	v38 =	vld [tilespmem:s1+$0x20];
	v39 =	vmul.f32 v39, v50;
	v3 =	vsub.f32 v49, v3;
	v48 =	vsub.f32 v48, v58  }
0x20f: {  	v49 =	vld [tilespmem:s1+$0x440];
	v44 =	vand.u32 $0x7FFFFFFF, v44;
	v61 =	vmul.f32 v61, v25;
	v53 =	vmul.f32 v53, v51  }
0x210: {  	v42 =	vand.u32 $0x7FFFFFFF, v42;
	v39 =	vmul.f32 v39, v16;
	v63 =	vmul.f32 v63, v56  }
0x211: {  	v3 =	vadd.f32 v3, v32;
	v6 =	vadd.f32 v6, v13;
	v56 =	vmul.f32 v57, v56  }
0x212: {  	v2 =	vsub.f32 v2, v61;
	v53 =	vmul.f32 v53, v26;
	v61 =	vmul.f32 v62, v28  }
0x213: {  	v48 =	vadd.f32 v48, v33;
	v62 =	vld [tilespmem:s1+$0x40];
	v63 =	vmul.f32 v63, v31;
	v38 =	vmul.f32 v38, v50  }
0x214: {  	s11 =	simm.s32 $0x200;
	v3 =	vand.u32 $0x7FFFFFFF, v3;
	v6 =	vand.u32 $0x7FFFFFFF, v6;
	v49 =	vmul.f32 v49, v51  }
0x215: {  	s13 =	simm.s32 $0x180;
	s1 =	sand.u32 $0x800, s11;
	v59 =	vmul.f32 v56, v12;
	v39 =	vsub.f32 v39, v53;
	v38 =	vmul.f32 v38, v17  }
0x216: {  	s7 =	sand.u32 $0x380, s13;
	s11 =	simm.s32 $0x100;
	s15 =	sadd.s32 s1, s8;
	v2 =	vadd.f32 v2, v33;
	v7 =	vsub.f32 v7, v61;
	v53 =	vand.u32 $0x7FFFFFFF, v54  }
0x217: {  	s23 =	sand.u32 $0x300, s11;
	s1 =	sadd.s32 s7, s15;
	v49 =	vmul.f32 v49, v29;
	v39 =	vadd.f32 v39, v32;
	v38 =	vsub.f32 v38, v60  }
0x218: {  	s7 =	sadd.s32 s23, s15;
	v54 =	vld [tilespmem:s1+$0x50];
	v2 =	vand.u32 $0x7FFFFFFF, v2;
	v60 =	vmul.f32 v52, v22;
	v50 =	vmul.f32 v62, v50  }
0x219: {  	v11 =	vld [tilespmem:s7+$0x0];
	v7 =	vadd.f32 v7, v23;
	v39 =	vand.u32 $0x7FFFFFFF, v39;
	v38 =	vadd.f32 v38, v34  }
0x21a: {  	v5 =	vld [tilespmem:s1+$0x460];
	v57 =	vmul.f32 v50, v20;
	v50 =	vadd.f32 v41, v35;
	v58 =	vsub.f32 v60, v63  }
0x21b: {  	s22 =	simm.s32 $0x2;
	v62 =	vld [tilespmem:s1+$0x40];
	v7 =	vand.u32 $0x7FFFFFFF, v7;
	v60 =	vsub.f32 v55, v59;
	v2 =	vadd.f32 v39, v2  }
0x21c: {  	s21 =	simm.s32 $0x3;
	v52 =	vld [tilespmem:s1+$0x70];
	v39 =	vmov s22;
	v46 =	vsub.f32 v57, v49;
	v61 =	vand.u32 $0x7FFFFFFF, v38  }
0x21d: {  	v63 =	vld [tilespmem:s1+$0x30];
	v56 =	vadd.f32 v60, v14;
	v38 =	vmov s21;
	v60 =	vand.u32 $0x7FFFFFFF, v48  }
0x21e: {  	v59 =	vld [tilespmem:s7+$0x70];
	v2 =	vadd.f32 v61, v2;
	v48 =	vperm.xlane v36, v38;
	v3 =	vadd.f32 v3, v60  }
0x21f: {  	v47 =	vperm.xlane v37, v39;
	v57 =	vld [tilespmem:s1+$0x440];
	v49 =	vperm.xlane v36, v39;
	v46 =	vadd.f32 v46, v19  }
0x220: {  	v2 =	vadd.f32 v7, v2;
	v3 =	vadd.f32 v53, v3;
	v53 =	vmul.f32 v62, v48;
	v62 =	vld [tilespmem:s7+$0x60]  }
0x221: {  	v52 =	vmul.f32 v52, v48;
	v54 =	vmul.f32 v54, v48;
	v7 =	vand.u32 $0x7FFFFFFF, v46;
	v46 =	vld [tilespmem:s7+$0x470]  }
0x222: {  	v61 =	vld [tilespmem:s1+$0x430];
	v60 =	vmul.f32 v63, v48;
	v3 =	vadd.f32 v44, v3;
	v2 =	vadd.f32 v7, v2  }
0x223: {  	v51 =	vadd.f32 v58, v13;
	v58 =	vld [tilespmem:s1+$0x450];
	v59 =	vmul.f32 v59, v49;
	v41 =	vmul.f32 v52, v24  }
0x224: {  	v7 =	vld [tilespmem:s1+$0x420];
	v44 =	vmul.f32 v60, v18;
	v3 =	vadd.f32 v42, v3;
	v1 =	vadd.f32 v1, v2  }
0x225: {  	v52 =	vld [tilespmem:s1+$0x20];
	v2 =	vand.u32 $0x7FFFFFFF, v50;
	v50 =	vperm.xlane v37, v38;
	v62 =	vmul.f32 v62, v49  }
0x226: {  	v42 =	vld [tilespmem:s1+$0x60];
	v46 =	vmul.f32 v46, v47;
	v2 =	vadd.f32 v2, v3;
	v3 =	vmul.f32 v59, v24  }
0x227: {  	v51 =	vand.u32 $0x7FFFFFFF, v51;
	v60 =	vld [tilespmem:s1+$0x10];
	v59 =	vmul.f32 v54, v21;
	v61 =	vmul.f32 v61, v50  }
0x228: {  	v56 =	vand.u32 $0x7FFFFFFF, v56;
	v54 =	vld [tilespmem:s1+$0x400];
	v63 =	vmul.f32 v57, v50;
	v58 =	vmul.f32 v58, v50  }
0x229: {  	v5 =	vmul.f32 v5, v50;
	v7 =	vmul.f32 v7, v50;
	v2 =	vadd.f32 v51, v2;
	v51 =	vld [tilespmem:s7+$0x420]  }
0x22a: {  	v1 =	vadd.f32 v6, v1;
	v52 =	vmul.f32 v52, v48;
	v6 =	vmul.f32 v61, v28;
	v61 =	vld [tilespmem:s7+$0x400]  }
0x22b: {  	v57 =	vmul.f32 v42, v48;
	v42 =	vmul.f32 v46, v12;
	v46 =	vld [tilespmem:s1+$0x0];
	v2 =	vadd.f32 v56, v2  }
0x22c: {  	v55 =	vld [tilespmem:s7+$0x450];
	v52 =	vmul.f32 v52, v17;
	v7 =	vmul.f32 v7, v27  }
0x22d: {  	v40 =	vand.u32 $0x7FFFFFFF, v40;
	v60 =	vmul.f32 v60, v48;
	v56 =	vld [tilespmem:s7+$0x430];
	v54 =	vmul.f32 v54, v50;
	(xrf2) =	vadd.scan.msk.f32 $0xffff, v2  }
0x22e: {  	v1 =	vadd.f32 v40, v1;
	v7 =	vsub.f32 v52, v7;
	v2 =	vld [tilespmem:s7+$0x50];
	v51 =	vmul.f32 v51, v47  }
0x22f: {  	v3 =	vsub.f32 v3, v42;
	v10 =	vmul.f32 v54, v25;
	v54 =	vld [tilespmem:s1+$0x410];
	v61 =	vmul.f32 v61, v47  }
0x230: {  	(xrf2) =	vadd.scan.msk.f32 $0xffff, v1;
	v48 =	vmul.f32 v46, v48;
	v46 =	vadd.f32 v7, v34;
	v7 =	vmul.f32 v11, v49;
	v11 =	vld [tilespmem:s7+$0x410]  }
0x231: {  	v1 =	vsub.f32 v44, v6;
	v6 =	vmul.f32 v51, v27;
	v51 =	vmul.f32 v55, v47;
	v55 =	vld [tilespmem:s7+$0x460]  }
0x232: {  	v62 =	vmul.f32 v62, v22;
	v42 =	vadd.f32 v3, v14;
	v3 =	vmul.f32 v56, v47;
	v56 =	vld [tilespmem:s7+$0x30]  }
0x233: {  	v60 =	vmul.f32 v60, v16;
	v44 =	vadd.f32 v1, v23;
	v1 =	vld [tilespmem:s7+$0x10];
	v52 =	vmul.f32 v61, v25  }
0x234: {  	v61 =	vld [tilespmem:s7+$0x20];
	v7 =	vmul.f32 v7, v15;
	v2 =	vmul.f32 v2, v49  }
0x235: {  	vm2 =	veq.s32 v45, v0;
	v45 =	vmul.f32 v48, v15;
	v51 =	vmul.f32 v51, v30  }
0x236: {  	vm3 =	veq.s32 v43, v0;
	v54 =	vmul.f32 v54, v50;
	v2 =	vmul.f32 v2, v21  }
0x237: {  	v40 =	vimm.f32 $0.0e+00;
	v11 =	vmul.f32 v11, v47;
	v55 =	vmul.f32 v55, v47;
	v48, _, _ =	vpop (xrf2)  }
0x238: {  	v1 =	vmul.f32 v1, v49;
	v54 =	vmul.f32 v54, v26;
	(v2sf) =	vpush v48, $0xF  }
0x239: {  	v4 =	vld [tilespmem:s1+$0x470];
	v7 =	vsub.f32 v7, v52;
	v52 =	vmul.f32 v56, v49;
	v61 =	vmul.f32 v61, v49  }
0x23a: {  	v2 =	vsub.f32 v2, v51;
	v51 =	vmul.f32 v3, v28;
	v55 =	vmul.f32 v55, v31;
	v48, _, _ =	vpop (xrf2)  }
0x23b: {  	v3 =	vmul.f32 v11, v26;
	v1 =	vmul.f32 v1, v16;
	(v2sf) =	vpush v48, $0xF  }
0x23c: {  	v11 =	vld [tilespmem:s7+$0x40];
	v56 =	vmul.f32 v61, v17;
	v2 =	vadd.f32 v2, v35;
	v48 =	vsub.f32 v62, v55  }
0x23d: {  	v55 =	vsub.f32 v60, v54;
	v60 =	vmul.f32 v58, v30;
	v1 =	vsub.f32 v1, v3;
	v3 =	vld [tilespmem:s7+$0x440]  }
0x23e: {  	v54 =	vmul.f32 v4, v50;
	v50 =	vsub.f32 v56, v6;
	v58 =	vmul.f32 v52, v18  }
0x23f: {  	v62 =	vsub.f32 v45, v10;
	v10 =	vmul.f32 v63, v29;
	v6 =	vsub.f32 v59, v60  }
0x240: {  	v1 =	vadd.f32 v1, v32;
	v59 =	vmul.f32 v57, v22;
	v60 =	vmul.f32 v5, v31  }
0x241: {  	v57 =	vadd.f32 v7, v33;
	v56 =	vadd.f32 v50, v34;
	v7 =	vmul.f32 v53, v20  }
0x242: {  	v61 =	vmul.f32 v11, v49;
	v49 =	vand.u32 $0x7FFFFFFF, v1;
	v1 =	vmul.f32 v3, v47  }
0x243: {  	v50 =	vand.u32 $0x7FFFFFFF, v2;
	v45 =	vadd.f32 v62, v33;
	v53 =	vsub.f32 v7, v10  }
0x244: {  	s10 =	simm.s32 $0x280;
	s9 =	simm.s32 $0x4;
	s11 =	simm.s32 $0x400;
	v43 =	vmul.f32 v61, v20;
	v52 =	vadd.f32 v6, v35;
	v47 =	vmul.f32 v1, v29  }
.LBB2_14:
0x245: {  	s1 =	sand.u32 $0x800, s11  }
0x246: {  	s7 =	sadd.s32 $0xFFFFFF80, s10;
	s13 =	sand.u32 $0x380, s10;
	v1 =	vsub.f32 v58, v51;
	v2 =	vsub.f32 v59, v60;
	v3 =	vmul.f32 v54, v12;
	s21 =	smov.u32 s9  }
0x247: {  	v5 =	vadd.f32 v55, v32;
	v6 =	vand.u32 $0x7FFFFFFF, v46;
	s7 =	sand.u32 $0x300, s7;
	s1 =	sadd.s32 s1, s8;
	v4 =	vsub.f32 v43, v47;
	s22 =	spop (v2sf)  }
0x248: {  	v7 =	vand.u32 $0x7FFFFFFF, v57;
	s15 =	sadd.s32 s7, s1;
	s7 =	sadd.s32 s13, s1;
	s1 =	sadd.s32 $0x2, s9;
	v2 =	vadd.f32 v2, v13;
	v3 =	vsub.f32 v41, v3  }
0x249: {  	p0 =	slt.u32 s9, $0xE;
	v7 =	vadd.f32 v49, v7;
	s13 =	sadd.s32 $0x1, s21;
	v5 =	vand.u32 $0x7FFFFFFF, v5;
	v10 =	vld [tilespmem:s7+$0x70];
	v4 =	vadd.f32 v4, v19  }
0x24a: {  	v41 =	vand.u32 $0x7FFFFFFF, v56;
	v1 =	vadd.f32 v1, v23;
	v11 =	vld [tilespmem:s7+$0x50];
	v3 =	vadd.f32 v3, v14;
	s9 =	spop (v2sf)  }
0x24b: {  	v51 =	vmov s13;
	v7 =	vadd.f32 v41, v7;
	v41 =	vand.u32 $0x7FFFFFFF, v45;
	v46 =	vld [tilespmem:s7+$0x40];
	s9 =	ssub.f32 $1.200000000e+01, s9  }
0x24c: {  	v43 =	vmov s21;
	s13 =	ssub.f32 $1.200000000e+01, s22;
	v54 =	vperm.xlane v36, v51;
	v5 =	vadd.f32 v5, v41;
	v55 =	vld [tilespmem:s7+$0x30]  }
0x24d: {  	v47 =	vperm.xlane v36, v43;
	v45 =	vperm.xlane v37, v43;
	v56 =	vld [tilespmem:s7+$0x440];
	v40 =	vsel vm3, s9, v40  }
0x24e: {  	v1 =	vand.u32 $0x7FFFFFFF, v1;
	v57 =	vld [tilespmem:s7+$0x450];
	v10 =	vmul.f32 v10, v54;
	v40 =	vsel vm2, s13, v40  }
0x24f: {  	v1 =	vadd.f32 v1, v7;
	v4 =	vand.u32 $0x7FFFFFFF, v4;
	v58 =	vld [tilespmem:s15+$0x70];
	v11 =	vmul.f32 v11, v54  }
0x250: {  	v7 =	vld [tilespmem:s15+$0x470];
	v49 =	vmul.f32 v46, v54;
	v41 =	vmul.f32 v10, v24;
	v10 =	vadd.f32 v48, v13  }
0x251: {  	v1 =	vadd.f32 v4, v1;
	v4 =	vadd.f32 v6, v5;
	v46 =	vld [tilespmem:s15+$0x450];
	v48 =	vmul.f32 v55, v54  }
0x252: {  	v6 =	vand.u32 $0x7FFFFFFF, v44;
	v44 =	vadd.f32 v53, v19;
	v5 =	vld [tilespmem:s7+$0x60]  }
0x253: {  	v4 =	vadd.f32 v6, v4;
	v10 =	vand.u32 $0x7FFFFFFF, v10;
	v53 =	vld [tilespmem:s7+$0x430];
	v48 =	vmul.f32 v48, v18  }
0x254: {  	v1 =	vadd.f32 v50, v1;
	v44 =	vand.u32 $0x7FFFFFFF, v44;
	v6 =	vmul.f32 v58, v47;
	v55 =	vld [tilespmem:s7+$0x420]  }
0x255: {  	v4 =	vadd.f32 v44, v4;
	v44 =	vand.u32 $0x7FFFFFFF, v52;
	v7 =	vmul.f32 v7, v45;
	v50 =	vld [tilespmem:s7+$0x20]  }
0x256: {  	v52 =	vperm.xlane v37, v51;
	v1 =	vadd.f32 v10, v1;
	v10 =	vand.u32 $0x7FFFFFFF, v42;
	v58 =	vld [tilespmem:s7+$0x10]  }
0x257: {  	v11 =	vmul.f32 v11, v21;
	v4 =	vadd.f32 v44, v4;
	v6 =	vmul.f32 v6, v24;
	v42 =	vld [tilespmem:s15+$0x60]  }
0x258: {  	v2 =	vand.u32 $0x7FFFFFFF, v2;
	v61 =	vmul.f32 v56, v52;
	v44 =	vld [tilespmem:s7+$0x400];
	v53 =	vmul.f32 v53, v52  }
0x259: {  	v2 =	vadd.f32 v2, v4;
	v5 =	vmul.f32 v5, v54;
	v56 =	vld [tilespmem:s15+$0x30];
	v55 =	vmul.f32 v55, v52  }
0x25a: {  	v3 =	vand.u32 $0x7FFFFFFF, v3;
	v7 =	vmul.f32 v7, v12;
	v4 =	vld [tilespmem:s15+$0x420];
	v50 =	vmul.f32 v50, v54  }
0x25b: {  	v1 =	vadd.f32 v10, v1;
	v2 =	vadd.f32 v3, v2;
	v53 =	vmul.f32 v53, v28;
	v59 =	vld [tilespmem:s7+$0x0]  }
0x25c: {  	v6 =	vsub.f32 v6, v7;
	v3 =	vld [tilespmem:s15+$0x430];
	v7 =	vmul.f32 v50, v17  }
0x25d: {  	v50 =	vmul.f32 v55, v27;
	v48 =	vsub.f32 v48, v53;
	v10 =	vld [tilespmem:s15+$0x400];
	v44 =	vmul.f32 v44, v52;
	(xrf2) =	vadd.scan.msk.f32 $0xffff, v2  }
0x25e: {  	v53 =	vmul.f32 v42, v47;
	v42 =	vadd.f32 v6, v14;
	v6 =	vmul.f32 v57, v52;
	v2 =	vld [tilespmem:s15+$0x50]  }
0x25f: {  	v7 =	vsub.f32 v7, v50;
	v4 =	vmul.f32 v4, v45;
	v62 =	vmul.f32 v44, v25;
	v55 =	vld [tilespmem:s7+$0x410]  }
0x260: {  	v57 =	vmul.f32 v58, v54;
	v53 =	vmul.f32 v53, v22;
	v44 =	vadd.f32 v48, v23;
	v50 =	vld [tilespmem:s15+$0x0];
	(xrf2) =	vadd.scan.msk.f32 $0xffff, v1  }
0x261: {  	v1 =	vmul.f32 v4, v27;
	v4 =	vmul.f32 v46, v45;
	v48 =	vld [tilespmem:s15+$0x460];
	v46 =	vadd.f32 v7, v34  }
0x262: {  	v3 =	vmul.f32 v3, v45;
	v7 =	vmul.f32 v59, v54  }
0x263: {  	v10 =	vmul.f32 v10, v45;
	v2 =	vmul.f32 v2, v47  }
0x264: {  	v4 =	vmul.f32 v4, v30;
	v54 =	vld [tilespmem:s15+$0x10];
	v55 =	vmul.f32 v55, v52  }
0x265: {  	v50 =	vmul.f32 v50, v47;
	v58 =	vld [tilespmem:s15+$0x410];
	v2 =	vmul.f32 v2, v21  }
0x266: {  	vm2 =	veq.s32 v38, v0;
	v38 =	vmovc v51;
	v10 =	vmul.f32 v10, v25;
	v59 =	vld [tilespmem:s15+$0x20];
	v48 =	vmul.f32 v48, v45  }
0x267: {  	v50 =	vmul.f32 v50, v15;
	v2 =	vsub.f32 v2, v4;
	v4 =	vmul.f32 v7, v15;
	v7, _, _ =	vpop (xrf2)  }
0x268: {  	v57 =	vmul.f32 v57, v16;
	v48 =	vmul.f32 v48, v31;
	v60 =	vld [tilespmem:s7+$0x470];
	(v2sf) =	vpush v7, $0xF  }
0x269: {  	v7 =	vmul.f32 v54, v47;
	v2 =	vadd.f32 v2, v35;
	v54 =	vmul.f32 v55, v26;
	v63 =	vld [tilespmem:s7+$0x460]  }
0x26a: {  	v56 =	vmul.f32 v56, v47;
	v10 =	vsub.f32 v50, v10;
	v50 =	vmul.f32 v58, v45;
	v55, _, _ =	vpop (xrf2)  }
0x26b: {  	v51 =	vmul.f32 v3, v28;
	v58 =	vmul.f32 v59, v47;
	(v2sf) =	vpush v55, $0xF  }
0x26c: {  	v48 =	vsub.f32 v53, v48;
	v3 =	vmul.f32 v7, v16;
	v7 =	vmul.f32 v50, v26;
	v50 =	vld [tilespmem:s15+$0x40]  }
0x26d: {  	v6 =	vmul.f32 v6, v30;
	v55 =	vsub.f32 v57, v54;
	v53 =	vmul.f32 v58, v17  }
0x26e: {  	v54 =	vmul.f32 v60, v52;
	v3 =	vsub.f32 v3, v7;
	v7 =	vld [tilespmem:s15+$0x440];
	v57 =	vmul.f32 v63, v52  }
0x26f: {  	v6 =	vsub.f32 v11, v6;
	v58 =	vmul.f32 v56, v18;
	v1 =	vsub.f32 v53, v1  }
0x270: {  	v59 =	vmul.f32 v5, v22;
	v3 =	vadd.f32 v3, v32;
	v60 =	vmul.f32 v57, v31  }
.Ltmp7:
0x271: {  	v57 =	vadd.f32 v10, v33;
	v56 =	vadd.f32 v1, v34;
	v1 =	vmul.f32 v50, v47;
	(pc) =	sbr.rel @p0 .LBB2_14-.Ltmp7, $4  }
0x272: {  	v4 =	vsub.f32 v4, v62;
	v5 =	vmul.f32 v49, v20;
	v10 =	vmul.f32 v61, v29  }
0x273: {  	v50 =	vand.u32 $0x7FFFFFFF, v2;
	v49 =	vand.u32 $0x7FFFFFFF, v3;
	v3 =	vmul.f32 v7, v45  }
0x274: {  	vm3 =	veq.s32 v39, v0;
	v39 =	vmovc v43;
	v53 =	vsub.f32 v5, v10;
	v45 =	vadd.f32 v4, v33  }
0x275: {  	s10 =	sadd.s32 $0x100, s10;
	s11 =	sadd.s32 $0x200, s11;
	s9 =	smov.u32 s1;
	v52 =	vadd.f32 v6, v35;
	v43 =	vmul.f32 v1, v20;
	v47 =	vmul.f32 v3, v29  }
0x276: {  	v1 =	vadd.f32 v55, v32;
	_ =	sdelay $0x1  }
0x277: {  	v2 =	vsub.f32 v58, v51;
	v3 =	vand.u32 $0x7FFFFFFF, v45;
	v1 =	vand.u32 $0x7FFFFFFF, v1  }
0x278: {  	v4 =	vsub.f32 v59, v60;
	v5 =	vand.u32 $0x7FFFFFFF, v57;
	v1 =	vadd.f32 v1, v3  }
0x279: {  	v6 =	vand.u32 $0x7FFFFFFF, v46;
	v5 =	vadd.f32 v49, v5;
	v2 =	vadd.f32 v2, v23  }
0x27a: {  	v7 =	vand.u32 $0x7FFFFFFF, v56;
	v3 =	vsub.f32 v43, v47;
	v1 =	vadd.f32 v6, v1  }
0x27b: {  	v5 =	vadd.f32 v7, v5;
	v7 =	vadd.f32 v53, v19;
	v6 =	vand.u32 $0x7FFFFFFF, v44  }
0x27c: {  	v2 =	vand.u32 $0x7FFFFFFF, v2;
	v3 =	vadd.f32 v3, v19;
	v1 =	vadd.f32 v6, v1  }
0x27d: {  	v2 =	vadd.f32 v2, v5;
	v60 =	vand.u32 $0x7FFFFFFF, v7;
	v6 =	vmul.f32 v54, v12  }
0x27e: {  	v4 =	vadd.f32 v4, v13;
	v3 =	vand.u32 $0x7FFFFFFF, v3;
	v1 =	vadd.f32 v60, v1  }
0x27f: {  	v2 =	vadd.f32 v3, v2;
	v3 =	vand.u32 $0x7FFFFFFF, v52;
	v61 =	vsub.f32 v41, v6  }
0x280: {  	v6 =	vadd.f32 v48, v13;
	v1 =	vadd.f32 v3, v1  }
0x281: {  	v4 =	vand.u32 $0x7FFFFFFF, v4;
	v2 =	vadd.f32 v50, v2;
	v3 =	vadd.f32 v61, v14  }
0x282: {  	v62 =	vand.u32 $0x7FFFFFFF, v6;
	v1 =	vadd.f32 v4, v1  }
0x283: {  	v2 =	vadd.f32 v62, v2;
	v3 =	vand.u32 $0x7FFFFFFF, v3  }
0x284: {  	v63 =	vand.u32 $0x7FFFFFFF, v42;
	v1 =	vadd.f32 v3, v1  }
0x285: {  	v2 =	vadd.f32 v63, v2  }
0x286: {  	(xrf2) =	vadd.scan.msk.f32 $0xffff, v1  }
0x287: {  	(xrf2) =	vadd.scan.msk.f32 $0xffff, v2;
	_ =	sdelay $0x8  }
0x288: {  	v1, _, _ =	vpop (xrf2)  }
0x289: {  	(v2sf) =	vpush v1, $0xF;
	v1, _, _ =	vpop (xrf2)  }
0x28a: {  	(v2sf) =	vpush v1, $0xF;
	_ =	sdelay $0xb  }
0x28b: {  	s1 =	spop (v2sf)  }
0x28c: {  	s10 =	smul.u32 $0x320, s3;
	s22 =	sshll.u32 s31, $0x6;
	s7 =	spop (v2sf)  }
0x28d: {  	s6 =	sadd.s32 $0x1, s6;
	s7 =	ssub.f32 $1.200000000e+01, s7;
	s8 =	spop (v2sf)  }
0x28e: {  	p1 =	sne.s32 s6, $0x4;
	s1 =	ssub.f32 $1.200000000e+01, s1;
	s9 =	spop (v2sf)  }
.Ltmp8:
0x28f: {  	s31 =	sadd.s32 $0x1, s31;
	v1 =	vsel vm3, s7, v40;
	s9 =	ssub.f32 $1.200000000e+01, s9;
	(pc) =	sbr.rel @p1 .LBB2_11-.Ltmp8, $4  }
0x290: {  	p0 =	sgt.s32 s31, $0xC;
	v1 =	vsel vm2, s1, v1;
	vm2 =	veq.s32 v39, v0;
	s21 =	ssub.f32 $1.200000000e+01, s8  }
0x291: {  	s23 =	sshra.s32 s10, $0x2;
	vm3 =	veq.s32 v38, v0;
	s8 =	sshra.s32 s22, $0x2;
	v1 =	vsel vm2, s9, v1;
	s9 =	simm.s32 $0x1  }
0x292: {  	s1 =	sadd.s32 s8, s23;
	v1 =	vsel vm3, s21, v1;
	s9 =	simm.s32 @!p0 $0x0  }
0x293: {  	s31 =	simm.s32 @p0 $0x0;
	[tilespmem:s1+$0xA200] =	vst v1;
	s3 =	sadd.s32 s9, s3  }
0x294: {  	s5 =	sshll.u32 s20, $0x9;
	p0 =	seq.s32 s20, $0x33  }
0x295: {  	s1 =	sshrl.u32 @!p0 s5, $0x2  }
0x296: {  	v1 =	vld @!p0 [tilespmem:s1+$0x8880];
	_ =	sdelay $0x4  }
0x297: {  	v2 =	vshll.u32 @!p0 v1, $0x1  }
0x298: {  	v3 =	vlaneseq.u32 @!p0;
	v1 =	vand.u32 @!p0 $0x7, v1;
	v2 =	vand.u32 @!p0 $0xFFFFFFF0, v2  }
0x299: {  	v4 =	vshrl.u32 @!p0 v3, $0x3;
	v1 =	vor.u32 @!p0 v1, v2;
	v2 =	vand.u32 @!p0 $0x7, v3  }
0x29a: {  	v4 =	vmul.u32 @!p0 $0x8, v4;
	v5 =	vperm.xlane @!p0 v1, v2  }
0x29b: {  	v3 =	vor.u32 @!p0 $0x8, v3  }
0x29c: {  	v1 =	vperm.xlane @!p0 v1, v3;
	v5 =	vadd.s32 @!p0 v4, v5;
	_ =	sdelay $0x1  }
0x29d: {  	v1 =	vadd.s32 @!p0 v4, v1;
	_ =	sdelay $0x1  }
0x29e: {  	vm2 =	vmmov @!p0 $0xffff;
	s6 =	simm.s32 @!p0 $0x0;
	s7 =	simm.s32 @!p0 $0xBC00  }
0x29f: {  	[tilespmem:s7], [sflag:$0x1] =	stream.indirect_vreg.gather @!p0 [hbm4b:s0+s6], $0x80, v5, vm2, $0xb8;
	[tilespmem:$0x13C00] =	vst v63  }
0x2a0: {  	s7 =	simm.s32 @!p0 $0xC400  }
0x2a1: {  	[tilespmem:s7], [sflag:$0x1] =	stream.indirect_vreg.gather @!p0 [hbm4b:s0+s6], $0x80, v1, vm2, $0xb8;
	[tilespmem:$0x13C00] =	vst v63  }
0x2a2: {  	v1 =	vld @!p0 [tilespmem:s1+$0x8890];
	_ =	sdelay $0x4  }
0x2a3: {  	v5 =	vshll.u32 @!p0 v1, $0x1  }
0x2a4: {  	v1 =	vand.u32 @!p0 $0x7, v1;
	v5 =	vand.u32 @!p0 $0xFFFFFFF0, v5  }
0x2a5: {  	v1 =	vor.u32 @!p0 v1, v5  }
0x2a6: {  	v5 =	vperm.xlane @!p0 v1, v2;
	_ =	sdelay $0x1  }
0x2a7: {  	v1 =	vperm.xlane @!p0 v1, v3;
	v5 =	vadd.s32 @!p0 v4, v5;
	_ =	sdelay $0x1  }
0x2a8: {  	v1 =	vadd.s32 @!p0 v4, v1;
	_ =	sdelay $0x1  }
0x2a9: {  	s7 =	simm.s32 @!p0 $0xCC00  }
0x2aa: {  	[tilespmem:s7], [sflag:$0x1] =	stream.indirect_vreg.gather @!p0 [hbm4b:s0+s6], $0x80, v5, vm2, $0xb8;
	[tilespmem:$0x13C00] =	vst v63  }
0x2ab: {  	s7 =	simm.s32 @!p0 $0xD400  }
0x2ac: {  	[tilespmem:s7], [sflag:$0x1] =	stream.indirect_vreg.gather @!p0 [hbm4b:s0+s6], $0x80, v1, vm2, $0xb8;
	[tilespmem:$0x13C00] =	vst v63  }
0x2ad: {  	v1 =	vld @!p0 [tilespmem:s1+$0x88A0];
	_ =	sdelay $0x4  }
0x2ae: {  	v5 =	vshll.u32 @!p0 v1, $0x1  }
0x2af: {  	v1 =	vand.u32 @!p0 $0x7, v1;
	v5 =	vand.u32 @!p0 $0xFFFFFFF0, v5  }
0x2b0: {  	v1 =	vor.u32 @!p0 v1, v5  }
0x2b1: {  	v5 =	vperm.xlane @!p0 v1, v2;
	_ =	sdelay $0x1  }
0x2b2: {  	v1 =	vperm.xlane @!p0 v1, v3;
	v5 =	vadd.s32 @!p0 v4, v5;
	_ =	sdelay $0x1  }
0x2b3: {  	v1 =	vadd.s32 @!p0 v4, v1;
	_ =	sdelay $0x1  }
0x2b4: {  	s7 =	simm.s32 @!p0 $0xDC00  }
0x2b5: {  	[tilespmem:s7], [sflag:$0x1] =	stream.indirect_vreg.gather @!p0 [hbm4b:s0+s6], $0x80, v5, vm2, $0xb8;
	[tilespmem:$0x13C00] =	vst v63  }
0x2b6: {  	s7 =	simm.s32 @!p0 $0xE400  }
0x2b7: {  	[tilespmem:s7], [sflag:$0x1] =	stream.indirect_vreg.gather @!p0 [hbm4b:s0+s6], $0x80, v1, vm2, $0xb8;
	[tilespmem:$0x13C00] =	vst v63  }
0x2b8: {  	v1 =	vld @!p0 [tilespmem:s1+$0x88B0];
	_ =	sdelay $0x4  }
0x2b9: {  	v5 =	vshll.u32 @!p0 v1, $0x1  }
0x2ba: {  	v1 =	vand.u32 @!p0 $0x7, v1;
	v5 =	vand.u32 @!p0 $0xFFFFFFF0, v5  }
0x2bb: {  	v1 =	vor.u32 @!p0 v1, v5  }
0x2bc: {  	v2 =	vperm.xlane @!p0 v1, v2;
	_ =	sdelay $0x1  }
0x2bd: {  	v1 =	vperm.xlane @!p0 v1, v3;
	v2 =	vadd.s32 @!p0 v4, v2;
	_ =	sdelay $0x1  }
0x2be: {  	v1 =	vadd.s32 @!p0 v4, v1;
	_ =	sdelay $0x1  }
0x2bf: {  	s1 =	simm.s32 @!p0 $0xEC00  }
0x2c0: {  	[tilespmem:s1], [sflag:$0x1] =	stream.indirect_vreg.gather @!p0 [hbm4b:s0+s6], $0x80, v2, vm2, $0xb8;
	[tilespmem:$0x13C00] =	vst v63  }
0x2c1: {  	s1 =	simm.s32 @!p0 $0xF400  }
0x2c2: {  	[tilespmem:s1], [sflag:$0x1] =	stream.indirect_vreg.gather @!p0 [hbm4b:s0+s6], $0x80, v1, vm2, $0xb8;
	[tilespmem:$0x13C00] =	vst v63  }
0x2c3: {  	_ =	swait.ge [sflag:s19], $0x4000  }
0x2c4: {  	[sflag:s19] =	ssyncset.done $0x0  }
0x2c5: {  	s8 =	simm.s32 $0x0;
	s6 =	simm.s32 $0x0;
	[sflag:s19] =	ssyncadd.s32 $0xFFFFC000  }
.LBB2_17:
0x2c6: {  	s1 =	sshll.u32 s3, $0x7  }
0x2c7: {  	v15 =	vld [tilespmem:s1+$0x5800]  }
0x2c8: {  	v16 =	vld [tilespmem:s1+$0x5810]  }
0x2c9: {  	v17 =	vld [tilespmem:s1+$0x5820]  }
0x2ca: {  	v18 =	vld [tilespmem:s1+$0x5830]  }
0x2cb: {  	v20 =	vld [tilespmem:s1+$0x5840]  }
0x2cc: {  	v21 =	vld [tilespmem:s1+$0x5850]  }
0x2cd: {  	v22 =	vld [tilespmem:s1+$0x5860]  }
0x2ce: {  	v24 =	vld [tilespmem:s1+$0x5870]  }
0x2cf: {  	v25 =	vld [tilespmem:s1+$0x6800]  }
0x2d0: {  	v26 =	vld [tilespmem:s1+$0x6810]  }
0x2d1: {  	v27 =	vld [tilespmem:s1+$0x6820]  }
0x2d2: {  	v28 =	vld [tilespmem:s1+$0x6830]  }
0x2d3: {  	v29 =	vld [tilespmem:s1+$0x6840]  }
0x2d4: {  	v30 =	vld [tilespmem:s1+$0x6850]  }
0x2d5: {  	v31 =	vld [tilespmem:s1+$0x6860]  }
0x2d6: {  	v12 =	vld [tilespmem:s1+$0x6870]  }
0x2d7: {  	v33 =	vld [tilespmem:s1+$0x7800]  }
0x2d8: {  	v32 =	vld [tilespmem:s1+$0x7810]  }
0x2d9: {  	v34 =	vld [tilespmem:s1+$0x7820]  }
0x2da: {  	s7 =	sshll.u32 s8, $0xE;
	v23 =	vld [tilespmem:s1+$0x7830]  }
0x2db: {  	v19 =	vld [tilespmem:s1+$0x7840];
	s7 =	sshra.s32 s7, $0x2  }
0x2dc: {  	s22 =	sand.u32 $0x800, s6;
	s9 =	simm.s32 $0x0;
	v35 =	vld [tilespmem:s1+$0x7850];
	s10 =	sadd.s32 $0xFC00, s7  }
0x2dd: {  	v13 =	vld [tilespmem:s1+$0x7860];
	s9 =	sand.u32 $0x300, s9;
	s7 =	sadd.s32 s22, s10  }
0x2de: {  	v14 =	vld [tilespmem:s1+$0x7870];
	s23 =	sadd.s32 s9, s7  }
0x2df: {  	v1 =	vld [tilespmem:s23+$0x400]  }
0x2e0: {  	v2 =	vld [tilespmem:s23+$0x460]  }
0x2e1: {  	v3 =	vld [tilespmem:s23+$0x450]  }
0x2e2: {  	v4 =	vld [tilespmem:s23+$0x410]  }
0x2e3: {  	v11 =	vld [tilespmem:s23+$0x20]  }
0x2e4: {  	v36 =	vld [tilespmem:s23+$0x420]  }
0x2e5: {  	v39 =	vld [tilespmem:s23+$0x30]  }
0x2e6: {  	v40 =	vld [tilespmem:s23+$0x430]  }
0x2e7: {  	v43 =	vld [tilespmem:s23+$0x40]  }
0x2e8: {  	v44 =	vld [tilespmem:s23+$0x440]  }
0x2e9: {  	s11 =	simm.s32 $0x80;
	v49 =	vld [tilespmem:s23+$0x470]  }
0x2ea: {  	s9 =	sand.u32 $0x380, s11;
	v54 =	vld [tilespmem:s23+$0x10]  }
0x2eb: {  	s7 =	sadd.s32 s9, s7;
	v61 =	vld [tilespmem:s23+$0x50]  }
0x2ec: {  	v5 =	vld [tilespmem:s7+$0x440]  }
0x2ed: {  	v6 =	vld [tilespmem:s7+$0x400]  }
0x2ee: {  	v7 =	vld [tilespmem:s7+$0x10]  }
0x2ef: {  	v10 =	vld [tilespmem:s7+$0x410]  }
0x2f0: {  	v37 =	vld [tilespmem:s7+$0x20]  }
0x2f1: {  	v38 =	vld [tilespmem:s7+$0x420]  }
0x2f2: {  	v41 =	vld [tilespmem:s7+$0x30]  }
0x2f3: {  	v42 =	vld [tilespmem:s7+$0x430]  }
0x2f4: {  	v45 =	vld [tilespmem:s7+$0x40];
	v1 =	vmul.f32 v1, v1;
	v4 =	vmul.f32 v4, v4  }
0x2f5: {  	v46 =	vld [tilespmem:s7+$0x450];
	v10 =	vmul.f32 v10, v10;
	v6 =	vmul.f32 v6, v6  }
0x2f6: {  	v47 =	vld [tilespmem:s7+$0x460];
	v51 =	vmul.f32 v36, v36;
	v1 =	vadd.f32 v4, v1  }
0x2f7: {  	v48 =	vld [tilespmem:s7+$0x470];
	v38 =	vmul.f32 v38, v38;
	v6 =	vadd.f32 v10, v6  }
0x2f8: {  	v52 =	vld [tilespmem:s7+$0x0];
	v53 =	vmul.f32 v40, v40;
	v1 =	vadd.f32 v51, v1  }
0x2f9: {  	v57 =	vld [tilespmem:s7+$0x60];
	v55 =	vmul.f32 v42, v42;
	v6 =	vadd.f32 v38, v6  }
0x2fa: {  	v56 =	vmul.f32 v44, v44;
	v10 =	vld [tilespmem:s23+$0x0];
	v1 =	vadd.f32 v53, v1  }
0x2fb: {  	s13 =	simm.s32 $0x200;
	v50 =	vld [tilespmem:s7+$0x70];
	v5 =	vmul.f32 v5, v5;
	v6 =	vadd.f32 v55, v6  }
0x2fc: {  	s15 =	simm.s32 $0x100;
	v3 =	vmul.f32 v3, v3;
	v42 =	vld [tilespmem:s7+$0x50];
	s7 =	sand.u32 $0x800, s13;
	v1 =	vadd.f32 v56, v1  }
0x2fd: {  	s21 =	simm.s32 $0x180;
	s9 =	sand.u32 $0x300, s15;
	v62 =	vld [tilespmem:s23+$0x60];
	v2 =	vmul.f32 v2, v2;
	s7 =	sadd.s32 s7, s10;
	v5 =	vadd.f32 v5, v6;
	v6 =	vmul.f32 v46, v46  }
0x2fe: {  	s1 =	sand.u32 $0x380, s21;
	v63 =	vld [tilespmem:s23+$0x70];
	v7 =	vmul.f32 v7, v7;
	s11 =	sadd.s32 s9, s7;
	v1 =	vadd.f32 v3, v1;
	v3 =	vmul.f32 v52, v52  }
0x2ff: {  	s22 =	sadd.s32 s1, s7;
	v51 =	vld [tilespmem:s11+$0x400];
	v5 =	vadd.f32 v6, v5;
	v6 =	vmul.f32 v10, v10;
	v10 =	vmul.f32 v54, v54  }
0x300: {  	v58 =	vld [tilespmem:s22+$0x400];
	v1 =	vadd.f32 v2, v1;
	v2 =	vadd.f32 v7, v3;
	v3 =	vmul.f32 v37, v37  }
0x301: {  	v60 =	vld [tilespmem:s22+$0x10];
	v6 =	vadd.f32 v10, v6;
	v10 =	vmul.f32 v11, v11  }
0x302: {  	v53 =	vmul.f32 v49, v49;
	v55 =	vld [tilespmem:s22+$0x440];
	v2 =	vadd.f32 v3, v2;
	v3 =	vmul.f32 v41, v41  }
0x303: {  	v40 =	vld [tilespmem:s22+$0x20];
	v6 =	vadd.f32 v10, v6;
	v10 =	vmul.f32 v39, v39  }
0x304: {  	v38 =	vld [tilespmem:s11+$0x20];
	v1 =	vadd.f32 v53, v1;
	v2 =	vadd.f32 v3, v2;
	v3 =	vmul.f32 v45, v45  }
0x305: {  	v4 =	vmul.f32 v61, v61;
	v46 =	vld [tilespmem:s22+$0x50];
	v6 =	vadd.f32 v10, v6  }
0x306: {  	v54 =	vld [tilespmem:s11+$0x410];
	(xrf2) =	vadd.scan.msk.f32 $0xffff, v1;
	v10 =	vmul.f32 v43, v43;
	v1 =	vadd.f32 v3, v2;
	v2 =	vmul.f32 v42, v42  }
0x307: {  	v52 =	vmul.f32 v47, v47;
	v7 =	vld [tilespmem:s11+$0x460];
	v37 =	vmul.f32 v55, v55  }
0x308: {  	v55 =	vld [tilespmem:s11+$0x10];
	v6 =	vadd.f32 v10, v6;
	v1 =	vadd.f32 v2, v1;
	v2 =	vmul.f32 v57, v57  }
0x309: {  	v59 =	vmul.f32 v48, v48;
	v61 =	vmul.f32 v62, v62;
	v11 =	vld [tilespmem:s11+$0x450];
	v5 =	vadd.f32 v52, v5  }
0x30a: {  	v3 =	vld [tilespmem:s22+$0x410];
	v4 =	vadd.f32 v4, v6;
	v1 =	vadd.f32 v2, v1;
	v2 =	vmul.f32 v50, v50  }
0x30b: {  	v5 =	vadd.f32 v59, v5;
	v10 =	vld [tilespmem:s11+$0x420]  }
0x30c: {  	v36 =	vmul.f32 v63, v63;
	v6 =	vld [tilespmem:s22+$0x420];
	v4 =	vadd.f32 v61, v4;
	v1 =	vadd.f32 v2, v1  }
0x30d: {  	(xrf2) =	vadd.scan.msk.f32 $0xffff, v5;
	v2 =	vld [tilespmem:s11+$0x430]  }
0x30e: {  	v62 =	vmul.f32 v51, v51;
	v63 =	vmul.f32 v54, v54;
	v4 =	vadd.f32 v36, v4;
	(xrf2) =	vadd.scan.msk.f32 $0xffff, v1;
	v1 =	vld [tilespmem:s22+$0x430]  }
0x30f: {  	v48 =	vmul.f32 v58, v58;
	v41 =	vld [tilespmem:s11+$0x40];
	v3 =	vmul.f32 v3, v3  }
0x310: {  	v5 =	vadd.f32 v63, v62;
	v50 =	vld [tilespmem:s11+$0x440];
	v10 =	vmul.f32 v10, v10;
	(xrf2) =	vadd.scan.msk.f32 $0xffff, v4  }
0x311: {  	s23 =	simm.s32 $0x1;
	v56 =	vmov s6;
	v53 =	vld [tilespmem:s22+$0x470];
	v3 =	vadd.f32 v3, v48;
	v6 =	vmul.f32 v6, v6  }
0x312: {  	v44 =	vmul.f32 v60, v60;
	v60 =	vmov s23;
	v5 =	vadd.f32 v10, v5;
	v10 =	vld [tilespmem:s22+$0x450]  }
0x313: {  	v39 =	vld [tilespmem:s11+$0x30];
	v3 =	vadd.f32 v6, v3;
	v2 =	vmul.f32 v2, v2;
	v1 =	vmul.f32 v1, v1  }
0x314: {  	vm2 =	veq.s32 v56, v0;
	vm3 =	veq.s32 v60, v0;
	v7 =	vmul.f32 v7, v7;
	v6 =	vld [tilespmem:s22+$0x460]  }
0x315: {  	v59 =	vld [tilespmem:s11+$0x470];
	v49, _, _ =	vpop (xrf2);
	v58 =	vmul.f32 v50, v50;
	v2 =	vadd.f32 v2, v5;
	v1 =	vadd.f32 v1, v3  }
0x316: {  	v54 =	vld [tilespmem:s11+$0x0];
	v11 =	vmul.f32 v11, v11;
	v36 =	vimm.f32 $0.0e+00;
	v4 =	vbroadcast v49, $0xF  }
0x317: {  	v45 =	vld [tilespmem:s22+$0x70];
	v57, _, _ =	vpop (xrf2);
	v61 =	vmul.f32 v10, v10;
	v2 =	vadd.f32 v58, v2;
	v1 =	vadd.f32 v37, v1  }
0x318: {  	v53 =	vmul.f32 v53, v53;
	v50 =	vld [tilespmem:s22+$0x0];
	v47 =	vbroadcast v57, $0xF;
	v3 =	vsel vm2, v4, v36  }
0x319: {  	v43 =	vld [tilespmem:s22+$0x40];
	v6 =	vmul.f32 v6, v6;
	v2 =	vadd.f32 v11, v2;
	v62, _, _ =	vpop (xrf2);
	v1 =	vadd.f32 v61, v1  }
0x31a: {  	s15 =	simm.s32 $0x400;
	v42 =	vld [tilespmem:s22+$0x30];
	v51 =	vmul.f32 v59, v59;
	v37 =	vsel vm3, v47, v3;
	v48 =	vbroadcast v62, $0xF;
	v63, _, _ =	vpop (xrf2)  }
0x31b: {  	s1 =	simm.s32 $0x2;
	s7 =	simm.s32 $0x4;
	s9 =	simm.s32 $0x280;
	v47 =	vld [tilespmem:s22+$0x60];
	v56 =	vadd.f32 v7, v2;
	v49 =	vbroadcast v63, $0xF;
	v52 =	vadd.f32 v6, v1  }
.LBB2_18:
0x31c: {  	s13 =	sand.u32 $0x800, s15  }
0x31d: {  	s22 =	sadd.s32 $0xFFFFFF80, s9;
	p1 =	slt.u32 s7, $0xE;
	v1 =	vmul.f32 v54, v54;
	v2 =	vld [tilespmem:s11+$0x50];
	v3 =	vmul.f32 v50, v50;
	v4 =	vsel vm2, v49, v36;
	s21 =	smov.u32 s7  }
0x31e: {  	s7 =	sadd.s32 $0x2, s7;
	s22 =	sand.u32 $0x300, s22;
	s13 =	sadd.s32 s13, s10;
	v5 =	vmul.f32 v55, v55;
	v6 =	vld [tilespmem:s11+$0x60];
	v7 =	vadd.f32 v51, v56;
	v36 =	vsel vm3, v48, v4  }
0x31f: {  	v10 =	vmul.f32 v40, v40;
	v11 =	vadd.f32 v53, v52;
	v4 =	vld [tilespmem:s11+$0x70];
	s11 =	sadd.s32 s22, s13;
	v3 =	vadd.f32 v44, v3  }
0x320: {  	v40 =	vld [tilespmem:s11+$0x400];
	v1 =	vadd.f32 v5, v1;
	v5 =	vmul.f32 v38, v38;
	(xrf2) =	vadd.scan.msk.f32 $0xffff, v7  }
0x321: {  	v7 =	vld [tilespmem:s11+$0x460];
	v3 =	vadd.f32 v10, v3;
	v10 =	vmul.f32 v42, v42  }
0x322: {  	s22 =	sand.u32 $0x380, s9;
	v48 =	vld [tilespmem:s11+$0x450];
	v1 =	vadd.f32 v5, v1;
	v5 =	vmul.f32 v39, v39  }
0x323: {  	s13 =	sadd.s32 s22, s13;
	v38 =	vld [tilespmem:s11+$0x410];
	v3 =	vadd.f32 v10, v3;
	v10 =	vmul.f32 v43, v43;
	(xrf2) =	vadd.scan.msk.f32 $0xffff, v11  }
0x324: {  	v11 =	vld [tilespmem:s13+$0x440];
	v1 =	vadd.f32 v5, v1;
	v5 =	vmul.f32 v41, v41  }
0x325: {  	v41 =	vld [tilespmem:s13+$0x400];
	v3 =	vadd.f32 v10, v3;
	v10 =	vmul.f32 v46, v46  }
0x326: {  	v42 =	vld [tilespmem:s13+$0x10];
	v1 =	vadd.f32 v5, v1;
	v5 =	vmul.f32 v6, v6  }
0x327: {  	v2 =	vmul.f32 v2, v2;
	v6 =	vld [tilespmem:s13+$0x410];
	v3 =	vadd.f32 v10, v3;
	v10 =	vmul.f32 v47, v47  }
0x328: {  	v44 =	vmul.f32 v40, v40;
	v40 =	vmul.f32 v38, v38;
	v38 =	vld [tilespmem:s11+$0x20]  }
0x329: {  	v1 =	vadd.f32 v2, v1;
	v43 =	vld [tilespmem:s11+$0x420];
	v2 =	vadd.f32 v10, v3;
	v3 =	vmul.f32 v45, v45  }
0x32a: {  	v4 =	vmul.f32 v4, v4;
	v10 =	vadd.f32 v40, v44;
	v40 =	vld [tilespmem:s13+$0x20];
	v39, _, _ =	vpop (xrf2)  }
0x32b: {  	v1 =	vadd.f32 v5, v1;
	v45 =	vld [tilespmem:s13+$0x420];
	v5 =	vbroadcast v39, $0xF;
	v46 =	vadd.f32 v3, v2  }
0x32c: {  	v44 =	vmul.f32 v42, v42;
	v39 =	vld [tilespmem:s11+$0x30];
	v3 =	vmul.f32 v6, v6  }
0x32d: {  	v1 =	vadd.f32 v4, v1;
	v4 =	vmov s1;
	v6 =	vld [tilespmem:s11+$0x430];
	(xrf2) =	vadd.scan.msk.f32 $0xffff, v46;
	v2, _, _ =	vpop (xrf2)  }
0x32e: {  	s22 =	sadd.s32 $0x1, s1;
	s1 =	smov.u32 s21;
	vm2 =	veq.s32 v4, v0;
	v43 =	vmul.f32 v43, v43;
	v42 =	vld [tilespmem:s13+$0x30];
	v2 =	vbroadcast v2, $0xF  }
0x32f: {  	v4 =	vmul.f32 v41, v41;
	v5 =	vsel vm2, v5, v37;
	v37 =	vmov s22;
	v46 =	vld [tilespmem:s13+$0x430]  }
0x330: {  	vm3 =	veq.s32 v37, v0;
	v10 =	vadd.f32 v43, v10;
	v41 =	vld [tilespmem:s11+$0x40];
	v45 =	vmul.f32 v45, v45;
	(xrf2) =	vadd.scan.msk.f32 $0xffff, v1  }
0x331: {  	v37 =	vsel vm3, v2, v5;
	v1 =	vld [tilespmem:s11+$0x440]  }
0x332: {  	v3 =	vadd.f32 v3, v4;
	v2 =	vmul.f32 v6, v6;
	v43 =	vld [tilespmem:s13+$0x40]  }
0x333: {  	v4 =	vld [tilespmem:s13+$0x450]  }
0x334: {  	v3 =	vadd.f32 v45, v3;
	v5 =	vmul.f32 v46, v46;
	v6 =	vld [tilespmem:s13+$0x460]  }
0x335: {  	v11 =	vmul.f32 v11, v11;
	v53 =	vld [tilespmem:s13+$0x470]  }
0x336: {  	v2 =	vadd.f32 v2, v10;
	v1 =	vmul.f32 v1, v1;
	v10 =	vld [tilespmem:s11+$0x470];
	v3 =	vadd.f32 v5, v3  }
0x337: {  	v5 =	vmul.f32 v48, v48;
	v50 =	vld [tilespmem:s13+$0x0];
	v45, _, _ =	vpop (xrf2)  }
.Ltmp9:
0x338: {  	v54 =	vld [tilespmem:s11+$0x0];
	v1 =	vadd.f32 v1, v2;
	v2 =	vadd.f32 v11, v3;
	v11 =	vmul.f32 v4, v4;
	(pc) =	sbr.rel @p1 .LBB2_18-.Ltmp9, $4  }
0x339: {  	v4 =	vmul.f32 v7, v7;
	v55 =	vld [tilespmem:s11+$0x10];
	v6 =	vmul.f32 v6, v6  }
0x33a: {  	v48 =	vbroadcast v45, $0xF;
	v1 =	vadd.f32 v5, v1;
	v46 =	vld [tilespmem:s13+$0x50];
	v2 =	vadd.f32 v11, v2;
	v3, _, _ =	vpop (xrf2)  }
0x33b: {  	v51 =	vmul.f32 v10, v10;
	v47 =	vld [tilespmem:s13+$0x60];
	v49 =	vbroadcast v3, $0xF  }
0x33c: {  	s15 =	sadd.s32 $0x200, s15;
	s9 =	sadd.s32 $0x100, s9;
	v53 =	vmul.f32 v53, v53;
	v56 =	vadd.f32 v4, v1;
	v52 =	vadd.f32 v6, v2;
	v45 =	vld [tilespmem:s13+$0x70]  }
0x33d: {  	v1 =	vmul.f32 v50, v50  }
0x33e: {  	v2 =	vmul.f32 v54, v54;
	v3 =	vmul.f32 v55, v55  }
0x33f: {  	v4 =	vmul.f32 v40, v40;
	v1 =	vadd.f32 v44, v1  }
0x340: {  	v2 =	vadd.f32 v3, v2;
	v3 =	vmul.f32 v38, v38  }
0x341: {  	v5 =	vld [tilespmem:s11+$0x50];
	v42 =	vmul.f32 v42, v42;
	v1 =	vadd.f32 v4, v1  }
0x342: {  	v2 =	vadd.f32 v3, v2;
	v3 =	vmul.f32 v39, v39  }
0x343: {  	v6 =	vld [tilespmem:s11+$0x60];
	v44 =	vmul.f32 v43, v43;
	v1 =	vadd.f32 v42, v1  }
0x344: {  	v2 =	vadd.f32 v3, v2;
	v3 =	vmul.f32 v41, v41  }
0x345: {  	v7 =	vld [tilespmem:s11+$0x70];
	v50 =	vmul.f32 v46, v46;
	v1 =	vadd.f32 v44, v1  }
0x346: {  	v2 =	vadd.f32 v3, v2;
	v3 =	vmul.f32 v5, v5  }
0x347: {  	v54 =	vmul.f32 v47, v47;
	v1 =	vadd.f32 v50, v1  }
0x348: {  	v55 =	vmul.f32 v6, v6;
	v2 =	vadd.f32 v3, v2  }
0x349: {  	v57 =	vmul.f32 v45, v45;
	v3 =	vadd.f32 v51, v56;
	v1 =	vadd.f32 v54, v1  }
0x34a: {  	v6 =	vadd.f32 v53, v52;
	v7 =	vmul.f32 v7, v7;
	v2 =	vadd.f32 v55, v2  }
0x34b: {  	(xrf2) =	vadd.scan.msk.f32 $0xffff, v3;
	v1 =	vadd.f32 v57, v1  }
0x34c: {  	(xrf2) =	vadd.scan.msk.f32 $0xffff, v6;
	v2 =	vadd.f32 v7, v2  }
0x34d: {  	(xrf2) =	vadd.scan.msk.f32 $0xffff, v1  }
0x34e: {  	(xrf2) =	vadd.scan.msk.f32 $0xffff, v2;
	_ =	sdelay $0x6  }
0x34f: {  	v1, _, _ =	vpop (xrf2)  }
0x350: {  	v2, _, _ =	vpop (xrf2)  }
0x351: {  	v3 =	vsel vm2, v49, v36;
	v6 =	vmov s1;
	v58, _, _ =	vpop (xrf2)  }
0x352: {  	s13 =	sadd.s32 $0x1, s1;
	v3 =	vsel vm3, v48, v3;
	vm2 =	veq.s32 v6, v0;
	v1 =	vbroadcast v1, $0xF;
	v59, _, _ =	vpop (xrf2)  }
0x353: {  	v6 =	vmov s13;
	v2 =	vbroadcast v2, $0xF;
	v5 =	vbroadcast v59, $0xF  }
0x354: {  	vm3 =	veq.s32 v6, v0;
	v1 =	vsel vm2, v1, v37;
	v4 =	vbroadcast v58, $0xF  }
0x355: {  	v1 =	vsel vm3, v2, v1;
	v3 =	vsel vm2, v5, v3  }
0x356: {  	v60 =	vshrl.u32 v1, $0x1;
	v1 =	vmul.f32 $5.000000000e-01, v1;
	v3 =	vsel vm3, v4, v3  }
0x357: {  	v4 =	vsub.s32 $0x5F3759DF, v60;
	v2 =	vshrl.u32 v3, $0x1;
	v3 =	vmul.f32 $5.000000000e-01, v3  }
0x358: {  	v6 =	vmul.f32 v4, v1;
	v2 =	vsub.s32 $0x5F3759DF, v2  }
0x359: {  	v61 =	vmul.f32 v2, v3  }
0x35a: {  	s9 =	simm.s32 $0x0;
	v6 =	vmul.f32 v4, v6  }
0x35b: {  	s15 =	simm.s32 $0x80;
	s7 =	sand.u32 $0x800, s9;
	v5 =	vmul.f32 v2, v61  }
0x35c: {  	s21 =	sadd.s32 s7, s10;
	s1 =	sand.u32 $0x380, s15;
	v6 =	vsub.f32 $1.500000000e+00, v6  }
0x35d: {  	s7 =	sadd.s32 s1, s21;
	v5 =	vsub.f32 $1.500000000e+00, v5  }
0x35e: {  	v62 =	vld [tilespmem:s7+$0x70];
	v4 =	vmul.f32 v4, v6  }
0x35f: {  	v7 =	vld [tilespmem:s7+$0x40];
	v2 =	vmul.f32 v2, v5  }
0x360: {  	v10 =	vld [tilespmem:s7+$0x30];
	v1 =	vmul.f32 v4, v1  }
0x361: {  	v11 =	vld [tilespmem:s7+$0x440];
	v3 =	vmul.f32 v2, v3  }
0x362: {  	v38 =	vld [tilespmem:s7+$0x450];
	v1 =	vmul.f32 v1, v4  }
0x363: {  	s22 =	simm.s32 $0x0;
	v54 =	vld [tilespmem:s7+$0x430];
	v3 =	vmul.f32 v3, v2  }
0x364: {  	s1 =	sand.u32 $0x300, s22;
	v55 =	vld [tilespmem:s7+$0x420];
	v1 =	vsub.f32 $1.500000000e+00, v1  }
0x365: {  	s1 =	sadd.s32 s1, s21;
	v57 =	vld [tilespmem:s7+$0x400];
	v3 =	vsub.f32 $1.500000000e+00, v3  }
0x366: {  	s23 =	simm.s32 $0x1;
	v59 =	vld [tilespmem:s1+$0x420];
	v37 =	vmul.f32 v1, v4  }
0x367: {  	v43 =	vmov s9;
	v45 =	vmov s23;
	v1 =	vld [tilespmem:s1+$0x470];
	v36 =	vmul.f32 v3, v2  }
0x368: {  	v4 =	vld [tilespmem:s1+$0x450];
	v41 =	vperm.xlane v37, v43;
	v47 =	vperm.xlane v37, v45  }
0x369: {  	v6 =	vld [tilespmem:s7+$0x50];
	v3 =	vperm.xlane v36, v45;
	v39 =	vperm.xlane v36, v43  }
0x36a: {  	v63 =	vld [tilespmem:s7+$0x60];
	v42 =	vmul.f32 v54, v47;
	v11 =	vmul.f32 v11, v47  }
0x36b: {  	v56 =	vld [tilespmem:s7+$0x20];
	v44 =	vmul.f32 v55, v47;
	v49 =	vmul.f32 v57, v47  }
0x36c: {  	v38 =	vmul.f32 v38, v47;
	v51 =	vmul.f32 v59, v41  }
0x36d: {  	v58 =	vld [tilespmem:s1+$0x60];
	v1 =	vmul.f32 v1, v41;
	v4 =	vmul.f32 v4, v41  }
0x36e: {  	v48 =	vld [tilespmem:s7+$0x10];
	v5 =	vmul.f32 v62, v3;
	v6 =	vmul.f32 v6, v3  }
0x36f: {  	v46 =	vld [tilespmem:s7+$0x0];
	v7 =	vmul.f32 v7, v3;
	v10 =	vmul.f32 v10, v3  }
0x370: {  	v2 =	vld [tilespmem:s1+$0x70];
	v52 =	vmul.f32 v63, v3;
	v62 =	vmul.f32 v56, v3  }
0x371: {  	v42 =	vmul.f32 v42, v28;
	v44 =	vmul.f32 v44, v27  }
0x372: {  	v50 =	vmul.f32 v58, v39;
	v49 =	vmul.f32 v49, v25  }
0x373: {  	v48 =	vmul.f32 v48, v3;
	v51 =	vmul.f32 v51, v27  }
0x374: {  	v60 =	vld [tilespmem:s1+$0x400];
	v3 =	vmul.f32 v46, v3;
	v38 =	vmul.f32 v38, v30  }
0x375: {  	v61 =	vld [tilespmem:s1+$0x50];
	v11 =	vmul.f32 v11, v29;
	v2 =	vmul.f32 v2, v39  }
0x376: {  	v55 =	vld [tilespmem:s1+$0x10];
	v1 =	vmul.f32 v1, v12;
	v4 =	vmul.f32 v4, v30  }
0x377: {  	v59 =	vld [tilespmem:s1+$0x30];
	v5 =	vmul.f32 v5, v24;
	v10 =	vmul.f32 v10, v18  }
0x378: {  	v63 =	vld [tilespmem:s1+$0x430];
	v6 =	vmul.f32 v6, v21;
	v54 =	vmul.f32 v62, v17  }
0x379: {  	v57 =	vld [tilespmem:s1+$0x0];
	v50 =	vmul.f32 v50, v22;
	v3 =	vmul.f32 v3, v15  }
0x37a: {  	v58 =	vld [tilespmem:s1+$0x460];
	v7 =	vmul.f32 v7, v20;
	v2 =	vmul.f32 v2, v24;
	v10 =	vsub.f32 v10, v42  }
0x37b: {  	v62 =	vld [tilespmem:s7+$0x410];
	v55 =	vmul.f32 v55, v39;
	v44 =	vsub.f32 v54, v44;
	v6 =	vsub.f32 v6, v38  }
0x37c: {  	v59 =	vmul.f32 v59, v39;
	v3 =	vsub.f32 v3, v49;
	v7 =	vsub.f32 v7, v11  }
0x37d: {  	v53 =	vmul.f32 v63, v41;
	v63 =	vmul.f32 v60, v41;
	v1 =	vsub.f32 v2, v1  }
0x37e: {  	v2 =	vmul.f32 v61, v39;
	v60 =	vmul.f32 v57, v39;
	v10 =	vadd.f32 v10, v23  }
0x37f: {  	v58 =	vmul.f32 v58, v41;
	v44 =	vadd.f32 v44, v34;
	v3 =	vadd.f32 v3, v33  }
0x380: {  	v54 =	vld [tilespmem:s1+$0x440];
	v42 =	vmul.f32 v62, v47;
	v40 =	vadd.f32 v1, v14;
	v1 =	vmul.f32 v2, v21  }
0x381: {  	v61 =	vld [tilespmem:s1+$0x410];
	v6 =	vadd.f32 v6, v35;
	v46 =	vmul.f32 v63, v25;
	v62 =	vmul.f32 v60, v15  }
0x382: {  	v7 =	vadd.f32 v7, v19;
	v2 =	vld [tilespmem:s1+$0x20];
	v56 =	vmul.f32 v58, v31;
	v63 =	vmul.f32 v48, v16  }
0x383: {  	v48 =	vld [tilespmem:s7+$0x470];
	v53 =	vmul.f32 v53, v28;
	v44 =	vand.u32 $0x7FFFFFFF, v44;
	v3 =	vand.u32 $0x7FFFFFFF, v3  }
0x384: {  	v60 =	vld [tilespmem:s7+$0x460];
	v10 =	vand.u32 $0x7FFFFFFF, v10;
	v7 =	vand.u32 $0x7FFFFFFF, v7;
	v1 =	vsub.f32 v1, v4  }
0x385: {  	v42 =	vmul.f32 v42, v26;
	v46 =	vsub.f32 v62, v46;
	v50 =	vsub.f32 v50, v56  }
0x386: {  	v40 =	vand.u32 $0x7FFFFFFF, v40;
	v57 =	vmul.f32 v61, v41;
	v61 =	vmul.f32 v55, v16  }
0x387: {  	v41 =	vmul.f32 v54, v41;
	v1 =	vadd.f32 v1, v35;
	v4 =	vsub.f32 v63, v42  }
0x388: {  	v46 =	vadd.f32 v46, v33;
	v2 =	vmul.f32 v2, v39;
	v62 =	vmul.f32 v57, v26  }
0x389: {  	v50 =	vadd.f32 v50, v13;
	v60 =	vmul.f32 v60, v47;
	v47 =	vmul.f32 v48, v47  }
0x38a: {  	s11 =	simm.s32 $0x200;
	v57 =	vld [tilespmem:s1+$0x40];
	v58 =	vmul.f32 v41, v29;
	v1 =	vand.u32 $0x7FFFFFFF, v1;
	v4 =	vadd.f32 v4, v32  }
0x38b: {  	s13 =	simm.s32 $0x180;
	s1 =	sand.u32 $0x800, s11;
	v2 =	vmul.f32 v2, v17;
	v63 =	vsub.f32 v61, v62;
	v61 =	vmul.f32 v59, v18  }
0x38c: {  	s7 =	sand.u32 $0x380, s13;
	s15 =	sadd.s32 s1, s10;
	v56 =	vmul.f32 v60, v31;
	v47 =	vmul.f32 v47, v12;
	v60 =	vand.u32 $0x7FFFFFFF, v46  }
0x38d: {  	s1 =	sadd.s32 s7, s15;
	v4 =	vand.u32 $0x7FFFFFFF, v4;
	v2 =	vsub.f32 v2, v51;
	v62 =	vadd.f32 v63, v32  }
0x38e: {  	v54 =	vld [tilespmem:s1+$0x440];
	v63 =	vmul.f32 v52, v22;
	v59 =	vsub.f32 v61, v53;
	v5 =	vsub.f32 v5, v47  }
0x38f: {  	v61 =	vld [tilespmem:s1+$0x70];
	v3 =	vadd.f32 v4, v3;
	v39 =	vmul.f32 v57, v39;
	v2 =	vadd.f32 v2, v34  }
0x390: {  	s13 =	simm.s32 $0x100;
	v52 =	vld [tilespmem:s1+$0x30];
	v38 =	vand.u32 $0x7FFFFFFF, v62;
	v42 =	vsub.f32 v63, v56;
	v41 =	vadd.f32 v59, v23  }
0x391: {  	s21 =	simm.s32 $0x3;
	s23 =	sand.u32 $0x300, s13;
	v62 =	vld [tilespmem:s1+$0x50];
	v5 =	vadd.f32 v5, v14;
	v11 =	vmul.f32 v39, v20;
	v39 =	vadd.f32 v38, v60  }
0x392: {  	s22 =	simm.s32 $0x2;
	s7 =	sadd.s32 s23, s15;
	v63 =	vld [tilespmem:s1+$0x40];
	v3 =	vadd.f32 v44, v3;
	v38 =	vmov s21;
	v2 =	vand.u32 $0x7FFFFFFF, v2  }
0x393: {  	v55 =	vld [tilespmem:s7+$0x70];
	v53 =	vperm.xlane v36, v38;
	v2 =	vadd.f32 v2, v39;
	v39 =	vmov s22  }
0x394: {  	v4 =	vld [tilespmem:s1+$0x450];
	v3 =	vadd.f32 v10, v3;
	v11 =	vsub.f32 v11, v58;
	v49 =	vperm.xlane v36, v39  }
0x395: {  	v41 =	vand.u32 $0x7FFFFFFF, v41;
	v58 =	vld [tilespmem:s7+$0x60];
	v47 =	vperm.xlane v37, v39;
	v46 =	vmul.f32 v61, v53  }
0x396: {  	v60 =	vmul.f32 v52, v53;
	v3 =	vadd.f32 v7, v3;
	v7 =	vld [tilespmem:s1+$0x60];
	v11 =	vadd.f32 v11, v19  }
0x397: {  	v56 =	vld [tilespmem:s7+$0x470];
	v48 =	vmul.f32 v62, v53;
	v2 =	vadd.f32 v41, v2;
	v61 =	vmul.f32 v63, v53  }
0x398: {  	v41 =	vmul.f32 v46, v24;
	v46 =	vand.u32 $0x7FFFFFFF, v50;
	v50 =	vld [tilespmem:s1+$0x20];
	v11 =	vand.u32 $0x7FFFFFFF, v11  }
0x399: {  	v63 =	vmul.f32 v55, v49;
	v55 =	vld [tilespmem:s1+$0x10];
	v57 =	vmul.f32 v48, v21;
	v2 =	vadd.f32 v11, v2  }
0x39a: {  	v42 =	vadd.f32 v42, v13;
	v62 =	vld [tilespmem:s1+$0x430];
	v11 =	vmul.f32 v60, v18;
	v51 =	vmul.f32 v58, v49  }
0x39b: {  	v10 =	vld [tilespmem:s1+$0x420];
	v7 =	vmul.f32 v7, v53;
	v1 =	vadd.f32 v1, v2;
	v2 =	vand.u32 $0x7FFFFFFF, v6  }
0x39c: {  	v48 =	vld [tilespmem:s1+$0x400];
	v6 =	vmul.f32 v56, v47;
	v56 =	vperm.xlane v37, v38;
	v2 =	vadd.f32 v2, v3  }
0x39d: {  	v44 =	vld [tilespmem:s7+$0x450];
	v42 =	vand.u32 $0x7FFFFFFF, v42;
	v58 =	vmul.f32 v51, v22;
	v3 =	vmul.f32 v63, v24  }
0x39e: {  	v59 =	vld [tilespmem:s7+$0x420];
	v50 =	vmul.f32 v50, v53;
	v51 =	vmul.f32 v55, v53;
	v2 =	vadd.f32 v42, v2  }
0x39f: {  	v5 =	vand.u32 $0x7FFFFFFF, v5;
	v60 =	vld [tilespmem:s7+$0x460];
	v52 =	vmul.f32 v62, v56;
	v62 =	vmul.f32 v54, v56  }
0x3a0: {  	v10 =	vmul.f32 v10, v56;
	v6 =	vmul.f32 v6, v12;
	v54 =	vld [tilespmem:s1+$0x0];
	v2 =	vadd.f32 v5, v2  }
0x3a1: {  	v1 =	vadd.f32 v46, v1;
	v46 =	vld [tilespmem:s7+$0x430];
	v48 =	vmul.f32 v48, v56;
	v4 =	vmul.f32 v4, v56  }
0x3a2: {  	v50 =	vmul.f32 v50, v17;
	v10 =	vmul.f32 v10, v27;
	v3 =	vsub.f32 v3, v6;
	v6 =	vld [tilespmem:s7+$0x0];
	(xrf2) =	vadd.scan.msk.f32 $0xffff, v2  }
0x3a3: {  	v42 =	vmul.f32 v59, v47;
	v1 =	vadd.f32 v40, v1;
	v5 =	vmul.f32 v52, v28;
	v52 =	vld [tilespmem:s7+$0x400]  }
0x3a4: {  	v55 =	vmul.f32 v60, v47;
	v63 =	vmul.f32 v48, v25;
	v48 =	vld [tilespmem:s1+$0x410];
	v10 =	vsub.f32 v50, v10  }
0x3a5: {  	v4 =	vmul.f32 v4, v30;
	v2 =	vld [tilespmem:s7+$0x50];
	(xrf2) =	vadd.scan.msk.f32 $0xffff, v1;
	v1 =	vsub.f32 v11, v5;
	v5 =	vmul.f32 v42, v27  }
0x3a6: {  	v42 =	vadd.f32 v3, v14;
	v3 =	vmul.f32 v46, v47;
	v46 =	vadd.f32 v10, v34;
	v10 =	vld [tilespmem:s7+$0x410]  }
0x3a7: {  	v53 =	vmul.f32 v54, v53;
	v11 =	vmul.f32 v44, v47;
	v44 =	vadd.f32 v1, v23;
	v1 =	vld [tilespmem:s7+$0x10]  }
0x3a8: {  	v6 =	vmul.f32 v6, v49;
	v59 =	vmul.f32 v52, v47;
	v52 =	vld [tilespmem:s7+$0x20]  }
0x3a9: {  	vm2 =	veq.s32 v45, v0;
	v48 =	vmul.f32 v48, v56;
	v11 =	vmul.f32 v11, v30  }
0x3aa: {  	vm3 =	veq.s32 v43, v0;
	v6 =	vmul.f32 v6, v15;
	v2 =	vmul.f32 v2, v49  }
0x3ab: {  	v40 =	vimm.f32 $0.0e+00;
	v45 =	vmul.f32 v48, v26;
	v50 =	vmul.f32 v59, v25  }
0x3ac: {  	v4 =	vsub.f32 v57, v4;
	v54 =	vld [tilespmem:s7+$0x30];
	v10 =	vmul.f32 v10, v47;
	v2 =	vmul.f32 v2, v21;
	v60, _, _ =	vpop (xrf2)  }
0x3ad: {  	v59 =	vld [tilespmem:s1+$0x470];
	v1 =	vmul.f32 v1, v49;
	v52 =	vmul.f32 v52, v49;
	(v2sf) =	vpush v60, $0xF  }
0x3ae: {  	v2 =	vsub.f32 v2, v11;
	v11 =	vmul.f32 v53, v15;
	v53 =	vmul.f32 v55, v31  }
0x3af: {  	v6 =	vsub.f32 v6, v50;
	v55 =	vmul.f32 v51, v16;
	v51 =	vmul.f32 v3, v28;
	v48, _, _ =	vpop (xrf2)  }
0x3b0: {  	v3 =	vmul.f32 v10, v26;
	v10 =	vld [tilespmem:s7+$0x40];
	v1 =	vmul.f32 v1, v16;
	(v2sf) =	vpush v48, $0xF  }
0x3b1: {  	v50 =	vmul.f32 v54, v49;
	v57 =	vadd.f32 v6, v33;
	v52 =	vmul.f32 v52, v17;
	v60 =	vld [tilespmem:s1+$0x460]  }
0x3b2: {  	v54 =	vmul.f32 v59, v56;
	v2 =	vadd.f32 v2, v35;
	v1 =	vsub.f32 v1, v3;
	v3 =	vld [tilespmem:s7+$0x440]  }
0x3b3: {  	v59 =	vmul.f32 v7, v22;
	v55 =	vsub.f32 v55, v45;
	v6 =	vsub.f32 v11, v63  }
0x3b4: {  	v7 =	vmul.f32 v61, v20;
	v48 =	vsub.f32 v58, v53;
	v5 =	vsub.f32 v52, v5  }
0x3b5: {  	v58 =	vmul.f32 v50, v18;
	v52 =	vadd.f32 v4, v35;
	v1 =	vadd.f32 v1, v32  }
0x3b6: {  	v60 =	vmul.f32 v60, v56;
	v56 =	vadd.f32 v5, v34;
	v5 =	vmul.f32 v10, v49  }
0x3b7: {  	v10 =	vmul.f32 v62, v29;
	v49 =	vand.u32 $0x7FFFFFFF, v1;
	v1 =	vmul.f32 v3, v47  }
0x3b8: {  	v50 =	vand.u32 $0x7FFFFFFF, v2;
	v45 =	vadd.f32 v6, v33;
	v60 =	vmul.f32 v60, v31  }
0x3b9: {  	s13 =	simm.s32 $0x4;
	s11 =	simm.s32 $0x280;
	s1 =	simm.s32 $0x400;
	v53 =	vsub.f32 v7, v10;
	v43 =	vmul.f32 v5, v20;
	v47 =	vmul.f32 v1, v29  }
.LBB2_20:
0x3ba: {  	s7 =	sand.u32 $0x800, s1  }
0x3bb: {  	s9 =	sadd.s32 $0xFFFFFF80, s11;
	s15 =	sand.u32 $0x380, s11;
	v1 =	vsub.f32 v58, v51;
	v2 =	vsub.f32 v59, v60;
	v3 =	vmul.f32 v54, v12;
	s21 =	smov.u32 s13  }
0x3bc: {  	v5 =	vadd.f32 v55, v32;
	v6 =	vand.u32 $0x7FFFFFFF, v46;
	s9 =	sand.u32 $0x300, s9;
	s22 =	sadd.s32 s7, s10;
	v4 =	vsub.f32 v43, v47;
	s23 =	spop (v2sf)  }
0x3bd: {  	v7 =	vand.u32 $0x7FFFFFFF, v57;
	s7 =	sadd.s32 s9, s22;
	s9 =	sadd.s32 s15, s22;
	s15 =	sadd.s32 $0x2, s13;
	v2 =	vadd.f32 v2, v13;
	v3 =	vsub.f32 v41, v3  }
0x3be: {  	p1 =	slt.u32 s13, $0xE;
	v7 =	vadd.f32 v49, v7;
	s22 =	sadd.s32 $0x1, s21;
	v5 =	vand.u32 $0x7FFFFFFF, v5;
	v10 =	vld [tilespmem:s9+$0x70];
	v4 =	vadd.f32 v4, v19  }
0x3bf: {  	v41 =	vand.u32 $0x7FFFFFFF, v56;
	v1 =	vadd.f32 v1, v23;
	v11 =	vld [tilespmem:s9+$0x50];
	v3 =	vadd.f32 v3, v14;
	s13 =	spop (v2sf)  }
0x3c0: {  	v51 =	vmov s22;
	v7 =	vadd.f32 v41, v7;
	v41 =	vand.u32 $0x7FFFFFFF, v45;
	v46 =	vld [tilespmem:s9+$0x40];
	s13 =	ssub.f32 $1.200000000e+01, s13  }
0x3c1: {  	v43 =	vmov s21;
	s21 =	ssub.f32 $1.200000000e+01, s23;
	v54 =	vperm.xlane v36, v51;
	v5 =	vadd.f32 v5, v41;
	v55 =	vld [tilespmem:s9+$0x30]  }
0x3c2: {  	v47 =	vperm.xlane v36, v43;
	v45 =	vperm.xlane v37, v43;
	v56 =	vld [tilespmem:s9+$0x440];
	v40 =	vsel vm3, s13, v40  }
0x3c3: {  	v1 =	vand.u32 $0x7FFFFFFF, v1;
	v57 =	vld [tilespmem:s9+$0x450];
	v10 =	vmul.f32 v10, v54;
	v40 =	vsel vm2, s21, v40  }
0x3c4: {  	v1 =	vadd.f32 v1, v7;
	v4 =	vand.u32 $0x7FFFFFFF, v4;
	v58 =	vld [tilespmem:s7+$0x70];
	v11 =	vmul.f32 v11, v54  }
0x3c5: {  	v7 =	vld [tilespmem:s7+$0x470];
	v49 =	vmul.f32 v46, v54;
	v41 =	vmul.f32 v10, v24;
	v10 =	vadd.f32 v48, v13  }
0x3c6: {  	v1 =	vadd.f32 v4, v1;
	v4 =	vadd.f32 v6, v5;
	v46 =	vld [tilespmem:s7+$0x450];
	v48 =	vmul.f32 v55, v54  }
0x3c7: {  	v6 =	vand.u32 $0x7FFFFFFF, v44;
	v44 =	vadd.f32 v53, v19;
	v5 =	vld [tilespmem:s9+$0x60]  }
0x3c8: {  	v4 =	vadd.f32 v6, v4;
	v10 =	vand.u32 $0x7FFFFFFF, v10;
	v53 =	vld [tilespmem:s9+$0x430];
	v48 =	vmul.f32 v48, v18  }
0x3c9: {  	v1 =	vadd.f32 v50, v1;
	v44 =	vand.u32 $0x7FFFFFFF, v44;
	v6 =	vmul.f32 v58, v47;
	v55 =	vld [tilespmem:s9+$0x420]  }
0x3ca: {  	v4 =	vadd.f32 v44, v4;
	v44 =	vand.u32 $0x7FFFFFFF, v52;
	v7 =	vmul.f32 v7, v45;
	v50 =	vld [tilespmem:s9+$0x20]  }
0x3cb: {  	v52 =	vperm.xlane v37, v51;
	v1 =	vadd.f32 v10, v1;
	v10 =	vand.u32 $0x7FFFFFFF, v42;
	v58 =	vld [tilespmem:s9+$0x10]  }
0x3cc: {  	v11 =	vmul.f32 v11, v21;
	v4 =	vadd.f32 v44, v4;
	v6 =	vmul.f32 v6, v24;
	v42 =	vld [tilespmem:s7+$0x60]  }
0x3cd: {  	v2 =	vand.u32 $0x7FFFFFFF, v2;
	v61 =	vmul.f32 v56, v52;
	v44 =	vld [tilespmem:s9+$0x400];
	v53 =	vmul.f32 v53, v52  }
0x3ce: {  	v2 =	vadd.f32 v2, v4;
	v5 =	vmul.f32 v5, v54;
	v56 =	vld [tilespmem:s7+$0x30];
	v55 =	vmul.f32 v55, v52  }
0x3cf: {  	v3 =	vand.u32 $0x7FFFFFFF, v3;
	v7 =	vmul.f32 v7, v12;
	v4 =	vld [tilespmem:s7+$0x420];
	v50 =	vmul.f32 v50, v54  }
0x3d0: {  	v1 =	vadd.f32 v10, v1;
	v2 =	vadd.f32 v3, v2;
	v53 =	vmul.f32 v53, v28;
	v59 =	vld [tilespmem:s9+$0x0]  }
0x3d1: {  	v6 =	vsub.f32 v6, v7;
	v3 =	vld [tilespmem:s7+$0x430];
	v7 =	vmul.f32 v50, v17  }
0x3d2: {  	v50 =	vmul.f32 v55, v27;
	v48 =	vsub.f32 v48, v53;
	v10 =	vld [tilespmem:s7+$0x400];
	v44 =	vmul.f32 v44, v52;
	(xrf2) =	vadd.scan.msk.f32 $0xffff, v2  }
0x3d3: {  	v53 =	vmul.f32 v42, v47;
	v42 =	vadd.f32 v6, v14;
	v6 =	vmul.f32 v57, v52;
	v2 =	vld [tilespmem:s7+$0x50]  }
0x3d4: {  	v7 =	vsub.f32 v7, v50;
	v4 =	vmul.f32 v4, v45;
	v62 =	vmul.f32 v44, v25;
	v55 =	vld [tilespmem:s9+$0x410]  }
0x3d5: {  	v57 =	vmul.f32 v58, v54;
	v53 =	vmul.f32 v53, v22;
	v44 =	vadd.f32 v48, v23;
	v50 =	vld [tilespmem:s7+$0x0];
	(xrf2) =	vadd.scan.msk.f32 $0xffff, v1  }
0x3d6: {  	v1 =	vmul.f32 v4, v27;
	v4 =	vmul.f32 v46, v45;
	v48 =	vld [tilespmem:s7+$0x460];
	v46 =	vadd.f32 v7, v34  }
0x3d7: {  	v3 =	vmul.f32 v3, v45;
	v7 =	vmul.f32 v59, v54  }
0x3d8: {  	v10 =	vmul.f32 v10, v45;
	v2 =	vmul.f32 v2, v47  }
0x3d9: {  	v4 =	vmul.f32 v4, v30;
	v54 =	vld [tilespmem:s7+$0x10];
	v55 =	vmul.f32 v55, v52  }
0x3da: {  	v50 =	vmul.f32 v50, v47;
	v58 =	vld [tilespmem:s7+$0x410];
	v2 =	vmul.f32 v2, v21  }
0x3db: {  	vm2 =	veq.s32 v38, v0;
	v38 =	vmovc v51;
	v10 =	vmul.f32 v10, v25;
	v59 =	vld [tilespmem:s7+$0x20];
	v48 =	vmul.f32 v48, v45  }
0x3dc: {  	v50 =	vmul.f32 v50, v15;
	v2 =	vsub.f32 v2, v4;
	v4 =	vmul.f32 v7, v15;
	v7, _, _ =	vpop (xrf2)  }
0x3dd: {  	v57 =	vmul.f32 v57, v16;
	v48 =	vmul.f32 v48, v31;
	v60 =	vld [tilespmem:s9+$0x470];
	(v2sf) =	vpush v7, $0xF  }
0x3de: {  	v7 =	vmul.f32 v54, v47;
	v2 =	vadd.f32 v2, v35;
	v54 =	vmul.f32 v55, v26;
	v63 =	vld [tilespmem:s9+$0x460]  }
0x3df: {  	v56 =	vmul.f32 v56, v47;
	v10 =	vsub.f32 v50, v10;
	v50 =	vmul.f32 v58, v45;
	v55, _, _ =	vpop (xrf2)  }
0x3e0: {  	v51 =	vmul.f32 v3, v28;
	v58 =	vmul.f32 v59, v47;
	(v2sf) =	vpush v55, $0xF  }
0x3e1: {  	v48 =	vsub.f32 v53, v48;
	v3 =	vmul.f32 v7, v16;
	v7 =	vmul.f32 v50, v26;
	v50 =	vld [tilespmem:s7+$0x40]  }
0x3e2: {  	v6 =	vmul.f32 v6, v30;
	v55 =	vsub.f32 v57, v54;
	v53 =	vmul.f32 v58, v17  }
0x3e3: {  	v54 =	vmul.f32 v60, v52;
	v3 =	vsub.f32 v3, v7;
	v7 =	vld [tilespmem:s7+$0x440];
	v57 =	vmul.f32 v63, v52  }
0x3e4: {  	v6 =	vsub.f32 v11, v6;
	v58 =	vmul.f32 v56, v18;
	v1 =	vsub.f32 v53, v1  }
0x3e5: {  	v59 =	vmul.f32 v5, v22;
	v3 =	vadd.f32 v3, v32;
	v60 =	vmul.f32 v57, v31  }
.Ltmp10:
0x3e6: {  	v57 =	vadd.f32 v10, v33;
	v56 =	vadd.f32 v1, v34;
	v1 =	vmul.f32 v50, v47;
	(pc) =	sbr.rel @p1 .LBB2_20-.Ltmp10, $4  }
0x3e7: {  	v4 =	vsub.f32 v4, v62;
	v5 =	vmul.f32 v49, v20;
	v10 =	vmul.f32 v61, v29  }
0x3e8: {  	v50 =	vand.u32 $0x7FFFFFFF, v2;
	v49 =	vand.u32 $0x7FFFFFFF, v3;
	v3 =	vmul.f32 v7, v45  }
0x3e9: {  	vm3 =	veq.s32 v39, v0;
	v39 =	vmovc v43;
	v53 =	vsub.f32 v5, v10;
	v45 =	vadd.f32 v4, v33  }
0x3ea: {  	s11 =	sadd.s32 $0x100, s11;
	s1 =	sadd.s32 $0x200, s1;
	s13 =	smov.u32 s15;
	v52 =	vadd.f32 v6, v35;
	v43 =	vmul.f32 v1, v20;
	v47 =	vmul.f32 v3, v29  }
0x3eb: {  	v1 =	vadd.f32 v55, v32;
	_ =	sdelay $0x1  }
0x3ec: {  	v2 =	vsub.f32 v58, v51;
	v3 =	vand.u32 $0x7FFFFFFF, v45;
	v1 =	vand.u32 $0x7FFFFFFF, v1  }
0x3ed: {  	v4 =	vsub.f32 v59, v60;
	v5 =	vand.u32 $0x7FFFFFFF, v57;
	v1 =	vadd.f32 v1, v3  }
0x3ee: {  	v6 =	vand.u32 $0x7FFFFFFF, v46;
	v5 =	vadd.f32 v49, v5;
	v2 =	vadd.f32 v2, v23  }
0x3ef: {  	v7 =	vand.u32 $0x7FFFFFFF, v56;
	v3 =	vsub.f32 v43, v47;
	v1 =	vadd.f32 v6, v1  }
0x3f0: {  	v5 =	vadd.f32 v7, v5;
	v7 =	vadd.f32 v53, v19;
	v6 =	vand.u32 $0x7FFFFFFF, v44  }
0x3f1: {  	v2 =	vand.u32 $0x7FFFFFFF, v2;
	v3 =	vadd.f32 v3, v19;
	v1 =	vadd.f32 v6, v1  }
0x3f2: {  	v2 =	vadd.f32 v2, v5;
	v60 =	vand.u32 $0x7FFFFFFF, v7;
	v6 =	vmul.f32 v54, v12  }
0x3f3: {  	v4 =	vadd.f32 v4, v13;
	v3 =	vand.u32 $0x7FFFFFFF, v3;
	v1 =	vadd.f32 v60, v1  }
0x3f4: {  	v2 =	vadd.f32 v3, v2;
	v3 =	vand.u32 $0x7FFFFFFF, v52;
	v61 =	vsub.f32 v41, v6  }
0x3f5: {  	v6 =	vadd.f32 v48, v13;
	v1 =	vadd.f32 v3, v1  }
0x3f6: {  	v4 =	vand.u32 $0x7FFFFFFF, v4;
	v2 =	vadd.f32 v50, v2;
	v3 =	vadd.f32 v61, v14  }
0x3f7: {  	v62 =	vand.u32 $0x7FFFFFFF, v6;
	v1 =	vadd.f32 v4, v1  }
0x3f8: {  	v2 =	vadd.f32 v62, v2;
	v3 =	vand.u32 $0x7FFFFFFF, v3  }
0x3f9: {  	v63 =	vand.u32 $0x7FFFFFFF, v42;
	v1 =	vadd.f32 v3, v1  }
0x3fa: {  	v2 =	vadd.f32 v63, v2  }
0x3fb: {  	(xrf2) =	vadd.scan.msk.f32 $0xffff, v1  }
0x3fc: {  	(xrf2) =	vadd.scan.msk.f32 $0xffff, v2;
	_ =	sdelay $0x8  }
0x3fd: {  	v1, _, _ =	vpop (xrf2)  }
0x3fe: {  	(v2sf) =	vpush v1, $0xF;
	v1, _, _ =	vpop (xrf2)  }
0x3ff: {  	(v2sf) =	vpush v1, $0xF;
	_ =	sdelay $0xb  }
0x400: {  	s1 =	spop (v2sf)  }
0x401: {  	s11 =	smul.u32 $0x320, s3;
	s22 =	sshll.u32 s31, $0x6;
	s7 =	spop (v2sf)  }
0x402: {  	s8 =	sadd.s32 $0x1, s8;
	s7 =	ssub.f32 $1.200000000e+01, s7;
	s9 =	spop (v2sf)  }
0x403: {  	p2 =	sne.s32 s8, $0x4;
	s1 =	ssub.f32 $1.200000000e+01, s1;
	s10 =	spop (v2sf)  }
.Ltmp11:
0x404: {  	s31 =	sadd.s32 $0x1, s31;
	v1 =	vsel vm3, s7, v40;
	s10 =	ssub.f32 $1.200000000e+01, s10;
	(pc) =	sbr.rel @p2 .LBB2_17-.Ltmp11, $4  }
0x405: {  	p1 =	sgt.s32 s31, $0xC;
	v1 =	vsel vm2, s1, v1;
	vm2 =	veq.s32 v39, v0;
	s21 =	ssub.f32 $1.200000000e+01, s9  }
0x406: {  	s23 =	sshra.s32 s11, $0x2;
	vm3 =	veq.s32 v38, v0;
	s9 =	sshra.s32 s22, $0x2;
	v1 =	vsel vm2, s10, v1;
	s10 =	simm.s32 $0x1  }
0x407: {  	s1 =	sadd.s32 s9, s23;
	v1 =	vsel vm3, s21, v1;
	s10 =	simm.s32 @!p1 $0x0  }
0x408: {  	s31 =	simm.s32 @p1 $0x0;
	[tilespmem:s1+$0xA200] =	vst v1;
	s3 =	sadd.s32 s10, s3  }
.Ltmp12:
0x409: {  	(pc) =	sbr.rel @p0 .LBB2_24-.Ltmp12, $1  }
0x40a: {  	_ =	sdelay $0x3  }
0x40b: {  	s1 =	sshrl.u32 s5, $0x2  }
0x40c: {  	v1 =	vld [tilespmem:s1+$0x88C0];
	_ =	sdelay $0x2  }
0x40d: {  	v3 =	vld [tilespmem:$0x1FF70]  }
0x40e: {  	v4 =	vld [tilespmem:$0x1FF80]  }
0x40f: {  	v5 =	vld [tilespmem:$0x1FF90];
	v2 =	vshll.u32 v1, $0x1  }
0x410: {  	v1 =	vand.u32 $0x7, v1;
	v2 =	vand.u32 $0xFFFFFFF0, v2  }
0x411: {  	v1 =	vor.u32 v1, v2  }
0x412: {  	v2 =	vperm.xlane v1, v3;
	_ =	sdelay $0x1  }
0x413: {  	v1 =	vperm.xlane v1, v5;
	v2 =	vadd.s32 v4, v2;
	_ =	sdelay $0x1  }
0x414: {  	v1 =	vadd.s32 v4, v1;
	_ =	sdelay $0x1  }
0x415: {  	s22 =	simm.s32 $0xFC00  }
0x416: {  	[tilespmem:s22], [sflag:$0x2] =	stream.indirect_vreg.gather [hbm4b:s0+s4], $0x80, v2, vm0, $0xb8;
	[tilespmem:$0x13C00] =	vst v63  }
0x417: {  	s23 =	simm.s32 $0x10400  }
0x418: {  	[tilespmem:s23], [sflag:$0x2] =	stream.indirect_vreg.gather [hbm4b:s0+s4], $0x80, v1, vm0, $0xb8;
	[tilespmem:$0x13C00] =	vst v63  }
0x419: {  	v1 =	vld [tilespmem:s1+$0x88D0];
	_ =	sdelay $0x4  }
0x41a: {  	v2 =	vshll.u32 v1, $0x1  }
0x41b: {  	v1 =	vand.u32 $0x7, v1;
	v2 =	vand.u32 $0xFFFFFFF0, v2  }
0x41c: {  	v1 =	vor.u32 v1, v2  }
0x41d: {  	v2 =	vperm.xlane v1, v3;
	_ =	sdelay $0x1  }
0x41e: {  	v1 =	vperm.xlane v1, v5;
	v2 =	vadd.s32 v4, v2;
	_ =	sdelay $0x1  }
0x41f: {  	v1 =	vadd.s32 v4, v1;
	_ =	sdelay $0x2  }
0x420: {  	[tilespmem:s24], [sflag:$0x2] =	stream.indirect_vreg.gather [hbm4b:s0+s4], $0x80, v2, vm0, $0xb8;
	[tilespmem:$0x13C00] =	vst v63  }
0x421: {  	_ = 	snop  }
0x422: {  	[tilespmem:s25], [sflag:$0x2] =	stream.indirect_vreg.gather [hbm4b:s0+s4], $0x80, v1, vm0, $0xb8;
	[tilespmem:$0x13C00] =	vst v63  }
0x423: {  	v1 =	vld [tilespmem:s1+$0x88E0];
	_ =	sdelay $0x4  }
0x424: {  	v2 =	vshll.u32 v1, $0x1  }
0x425: {  	v1 =	vand.u32 $0x7, v1;
	v2 =	vand.u32 $0xFFFFFFF0, v2  }
0x426: {  	v1 =	vor.u32 v1, v2  }
0x427: {  	v2 =	vperm.xlane v1, v3;
	_ =	sdelay $0x1  }
0x428: {  	v1 =	vperm.xlane v1, v5;
	v2 =	vadd.s32 v4, v2;
	_ =	sdelay $0x1  }
0x429: {  	v1 =	vadd.s32 v4, v1;
	_ =	sdelay $0x2  }
0x42a: {  	[tilespmem:s26], [sflag:$0x2] =	stream.indirect_vreg.gather [hbm4b:s0+s4], $0x80, v2, vm0, $0xb8;
	[tilespmem:$0x13C00] =	vst v63  }
0x42b: {  	_ = 	snop  }
0x42c: {  	[tilespmem:s28], [sflag:$0x2] =	stream.indirect_vreg.gather [hbm4b:s0+s4], $0x80, v1, vm0, $0xb8;
	[tilespmem:$0x13C00] =	vst v63  }
0x42d: {  	v1 =	vld [tilespmem:s1+$0x88F0];
	_ =	sdelay $0x4  }
0x42e: {  	v2 =	vshll.u32 v1, $0x1  }
0x42f: {  	v1 =	vand.u32 $0x7, v1;
	v2 =	vand.u32 $0xFFFFFFF0, v2  }
0x430: {  	v1 =	vor.u32 v1, v2  }
0x431: {  	v2 =	vperm.xlane v1, v3;
	_ =	sdelay $0x1  }
0x432: {  	v1 =	vperm.xlane v1, v5;
	v2 =	vadd.s32 v4, v2;
	_ =	sdelay $0x1  }
0x433: {  	v1 =	vadd.s32 v4, v1  }
.Ltmp13:
0x434: {  	_ = 	snop;
	(pc) =	sbr.rel .LBB2_10-.Ltmp13, $4  }
0x435: {  	_ = 	snop  }
0x436: {  	[tilespmem:s29], [sflag:$0x2] =	stream.indirect_vreg.gather [hbm4b:s0+s4], $0x80, v2, vm0, $0xb8;
	[tilespmem:$0x13C00] =	vst v63  }
0x437: {  	s20 =	sadd.s32 $0x1, s20  }
0x438: {  	[tilespmem:s30], [sflag:$0x2] =	stream.indirect_vreg.gather [hbm4b:s0+s4], $0x80, v1, vm0, $0xb8;
	[tilespmem:$0x13C00] =	vst v63  }
.LBB2_25:
0x439: {  	_ =	sfence.sel $0x180000  }
0x43a: {  	[bflag:$0x0] =	sbarrier.arrive $0xFFFF  }
0x43b: {  	_ =	strace $0x90000047  }
0x43c: {  	s0 =	stileid.u32;
	[bflag:$0x2] =	sbarrier.arrive $0xFFFF  }
0x43d: {  	p0 =	sne.s32 s0, $0x0;
	s0 =	rddreg [dreg:$0x4]  }
0x43e: {  	s0 =	sadd.s32 @!p0 $0x100000, s0  }
0x43f: {  	[sflag:s0] =	ssyncadd.tile.s32 @!p0 $0x1;
	_ =	shalt  }
.Lfunc_end2:
_tile_overlayer_lowered:
.L_overlay_start_2:
0x440: {  	(tag) =	ssettag $0x2  }
0x441: {  	s0 =	rddreg [dreg:$0x0];
	s2 =	stileid.u32  }
0x442: {  	s1 =	rddreg [dreg:$0x1];
	p0 =	sne.s32 s2, $0x0  }
0x443: {  	s3 =	rddreg [dreg:$0x2];
	[bflag:$0x3] =	sbarrier.arrive $0xFFFF;
	s2 =	simm.s32 @!p0 $0x1C04  }
0x444: {  	[timem:s3], [sflag:s2] =	dma.local @!p0 [hbm:s0], s1  }
0x445: {  	s0 =	simm.s32 @!p0 $0x4  }
0x446: {  	_ =	swait.ge @!p0 [sflag:s0], s1  }
0x447: {  	s1 =	ssub.s32 @!p0 $0x0, s1;
	[sflag:s0] =	ssyncset.done @!p0 $0x0  }
0x448: {  	[sflag:s0] =	ssyncadd.s32 @!p0 s1  }
0x449: {  	[bflag:$0x3] =	sbarrier.arrive $0xFFFF  }
0x44a: {  	_ =	shalt  }

</sc_bundles>
